<compile_context>
chip_gen: v7x
topology: tpu7x:2x2x1
jax: 0.10.2.dev20260603
libtpu: 0.0.44.dev20260713+nightly
codegen_flags: <defaults>
</compile_context>

<pallas_src>
import jax
import jax.numpy as jnp
from jax import lax
from jax.experimental import pallas as pl
from jax.experimental.pallas import tpu as pltpu
from jax.experimental.pallas import tpu_sc as plsc

N = 10000
E = 320000
D = 128
C = 64

NC = 2
NS = 16
NW = NC * NS
EW = E // NW
CHUNK = 128
NFULL = EW // CHUNK
TAIL = EW - NFULL * CHUNK
SUB_STRIDE = 640
ZCH = 80

_MESH = plsc.VectorSubcoreMesh(core_axis_name="core",
                               subcore_axis_name="subcore",
                               num_cores=NC, num_subcores=NS)


def _fill_vmem_2d(ref, nrows, ncols, value):
    @pl.loop(0, nrows)
    def _(i):
        @pl.loop(0, ncols, step=16)
        def _(j):
            ref.at[pl.ds(i, 1), pl.ds(j, 16)][...] = jnp.full(
                (1, 16), value, jnp.float32)


def _per_sub_chunks(s, fn):
    for k in range(SUB_STRIDE // ZCH):
        off = s * SUB_STRIDE + k * ZCH

        @pl.when(off < N)
        def _():
            fn(off)


def _sc_agg_body(h_hbm, src_hbm, dst_hbm, agg_out, src_a, dst_a, src_b,
                 dst_b, src_t, dst_t, rows_a, rows_b, rows_t, zrow_v,
                 agg_sh, gsem_a, gsem_b, isem_a, isem_b):
    c = lax.axis_index("core")
    s = lax.axis_index("subcore")
    gbase = (c * NS + s) * EW

    _fill_vmem_2d(zrow_v, ZCH, D, 0.0)
    _per_sub_chunks(
        s, lambda off: pltpu.sync_copy(zrow_v, agg_sh.at[pl.ds(off, ZCH)]))
    plsc.subcore_barrier()

    def idxload(i, sv, dv, isem):
        off = gbase + i * CHUNK
        pltpu.async_copy(src_hbm.at[pl.ds(off, CHUNK)], sv, isem)
        pltpu.async_copy(dst_hbm.at[pl.ds(off, CHUNK)], dv, isem)

    def idxwait(sv, dv, isem):
        pltpu.make_async_copy(src_hbm.at[pl.ds(0, CHUNK)], sv, isem).wait()
        pltpu.make_async_copy(dst_hbm.at[pl.ds(0, CHUNK)], dv, isem).wait()

    def gather(sv, rv, gsem):
        pltpu.async_copy(h_hbm.at[sv], rv, gsem)

    def finish_and_scatter(sv, dv, rv, gsem):
        pltpu.make_async_copy(h_hbm.at[sv], rv, gsem).wait()
        pltpu.sync_copy(rv, agg_sh.at[dv], add=True)

    idxload(0, src_a, dst_a, isem_a)
    idxload(1, src_b, dst_b, isem_b)
    idxwait(src_a, dst_a, isem_a)
    gather(src_a, rows_a, gsem_a)

    @pl.loop(0, NFULL, step=2)
    def _(i):
        idxwait(src_b, dst_b, isem_b)
        gather(src_b, rows_b, gsem_b)
        finish_and_scatter(src_a, dst_a, rows_a, gsem_a)
        idxload(i + 2, src_a, dst_a, isem_a)
        finish_and_scatter(src_b, dst_b, rows_b, gsem_b)
        idxload(i + 3, src_b, dst_b, isem_b)
        idxwait(src_a, dst_a, isem_a)
        gather(src_a, rows_a, gsem_a)

    pltpu.make_async_copy(h_hbm.at[src_a], rows_a, gsem_a).wait()
    idxwait(src_b, dst_b, isem_b)
    toff = gbase + NFULL * CHUNK
    pltpu.sync_copy(src_hbm.at[pl.ds(toff, TAIL)], src_t)
    pltpu.sync_copy(dst_hbm.at[pl.ds(toff, TAIL)], dst_t)
    pltpu.sync_copy(h_hbm.at[src_t], rows_t)
    pltpu.sync_copy(rows_t, agg_sh.at[dst_t], add=True)
    plsc.subcore_barrier()

    _per_sub_chunks(
        s, lambda off: pltpu.sync_copy(agg_sh.at[pl.ds(off, ZCH)],
                                       agg_out.at[c, pl.ds(off, ZCH)]))


_sc_agg = pl.kernel(
    _sc_agg_body,
    out_type=(jax.ShapeDtypeStruct((NC, N, D), jnp.float32),),
    mesh=_MESH,
    scratch_types=[
        pltpu.VMEM((CHUNK,), jnp.int32),
        pltpu.VMEM((CHUNK,), jnp.int32),
        pltpu.VMEM((CHUNK,), jnp.int32),
        pltpu.VMEM((CHUNK,), jnp.int32),
        pltpu.VMEM((TAIL,), jnp.int32),
        pltpu.VMEM((TAIL,), jnp.int32),
        pltpu.VMEM((CHUNK, D), jnp.float32),
        pltpu.VMEM((CHUNK, D), jnp.float32),
        pltpu.VMEM((TAIL, D), jnp.float32),
        pltpu.VMEM((ZCH, D), jnp.float32),
        pltpu.VMEM_SHARED((N, D), jnp.float32),
        pltpu.SemaphoreType.DMA,
        pltpu.SemaphoreType.DMA,
        pltpu.SemaphoreType.DMA,
        pltpu.SemaphoreType.DMA,
    ])


def _sc_deg_body(dst_hbm, deg_out, dst_a, dst_b, dst_t, ones_v, zrow_v,
                 deg_sh, isem_a, isem_b):
    c = lax.axis_index("core")
    s = lax.axis_index("subcore")
    gbase = (c * NS + s) * EW

    _fill_vmem_2d(zrow_v, ZCH, D, 0.0)
    _per_sub_chunks(
        s, lambda off: pltpu.sync_copy(zrow_v, deg_sh.at[pl.ds(off, ZCH)]))
    _fill_vmem_2d(ones_v, CHUNK, D, 1.0)
    plsc.subcore_barrier()

    def load(i, dv, sem):
        off = gbase + i * CHUNK
        pltpu.async_copy(dst_hbm.at[pl.ds(off, CHUNK)], dv, sem)

    def scatter(dv, sem):
        pltpu.make_async_copy(dst_hbm.at[pl.ds(0, CHUNK)], dv, sem).wait()
        pltpu.sync_copy(ones_v, deg_sh.at[dv], add=True)

    load(0, dst_a, isem_a)

    @pl.loop(0, NFULL - 2, step=2)
    def _(i):
        load(i + 1, dst_b, isem_b)
        scatter(dst_a, isem_a)
        load(i + 2, dst_a, isem_a)
        scatter(dst_b, isem_b)

    load(NFULL - 1, dst_b, isem_b)
    scatter(dst_a, isem_a)
    toff = gbase + NFULL * CHUNK
    pltpu.sync_copy(dst_hbm.at[pl.ds(toff, TAIL)], dst_t)
    scatter(dst_b, isem_b)
    pltpu.sync_copy(ones_v.at[pl.ds(0, TAIL)], deg_sh.at[dst_t], add=True)
    plsc.subcore_barrier()

    _per_sub_chunks(
        s, lambda off: pltpu.sync_copy(deg_sh.at[pl.ds(off, ZCH)],
                                       deg_out.at[c, pl.ds(off, ZCH)]))


_sc_deg = pl.kernel(
    _sc_deg_body,
    out_type=(jax.ShapeDtypeStruct((NC, N, D), jnp.float32),),
    mesh=_MESH,
    scratch_types=[
        pltpu.VMEM((CHUNK,), jnp.int32),
        pltpu.VMEM((CHUNK,), jnp.int32),
        pltpu.VMEM((TAIL,), jnp.int32),
        pltpu.VMEM((CHUNK, D), jnp.float32),
        pltpu.VMEM((ZCH, D), jnp.float32),
        pltpu.VMEM_SHARED((N, D), jnp.float32),
        pltpu.SemaphoreType.DMA,
        pltpu.SemaphoreType.DMA,
    ])


BR = 1000


def _tc_layer0_body(h, a0, a1, d0, d1, ws, wn, b, g, be, o):
    deg = jnp.maximum(d0[:, :1] + d1[:, :1], 1.0)
    agg = (a0[...] + a1[...]) / deg
    z = (jnp.dot(h[...], ws[...], preferred_element_type=jnp.float32)
         + jnp.dot(agg, wn[...], preferred_element_type=jnp.float32)
         + b[...])
    mu = jnp.mean(z, axis=-1, keepdims=True)
    var = jnp.mean((z - mu) ** 2, axis=-1, keepdims=True)
    y = (z - mu) / jnp.sqrt(var + 1e-5) * g[...] + be[...]
    o[...] = jnp.maximum(y, 0.0)


def _tc_layer1_body(h, a0, a1, d0, d1, ws, wn, b, g, be, wl, bl, o):
    deg = jnp.maximum(d0[:, :1] + d1[:, :1], 1.0)
    agg = (a0[...] + a1[...]) / deg
    z = (jnp.dot(h[...], ws[...], preferred_element_type=jnp.float32)
         + jnp.dot(agg, wn[...], preferred_element_type=jnp.float32)
         + b[...])
    mu = jnp.mean(z, axis=-1, keepdims=True)
    var = jnp.mean((z - mu) ** 2, axis=-1, keepdims=True)
    y = (z - mu) / jnp.sqrt(var + 1e-5) * g[...] + be[...]
    y = jnp.maximum(y, 0.0)
    o[...] = jnp.dot(y, wl[...], preferred_element_type=jnp.float32) + bl[...]


def _row_spec(w):
    return pl.BlockSpec((BR, w), lambda i: (i, 0))


def _full_spec(r, c_):
    return pl.BlockSpec((r, c_), lambda i: (0, 0))


_tc_layer0 = pl.pallas_call(
    _tc_layer0_body,
    grid=(N // BR,),
    in_specs=[_row_spec(D), _row_spec(D), _row_spec(D),
              _row_spec(D), _row_spec(D),
              _full_spec(D, D), _full_spec(D, D),
              _full_spec(1, D), _full_spec(1, D), _full_spec(1, D)],
    out_specs=_row_spec(D),
    out_shape=jax.ShapeDtypeStruct((N, D), jnp.float32),
)

_tc_layer1 = pl.pallas_call(
    _tc_layer1_body,
    grid=(N // BR,),
    in_specs=[_row_spec(D), _row_spec(D), _row_spec(D),
              _row_spec(D), _row_spec(D),
              _full_spec(D, D), _full_spec(D, D),
              _full_spec(1, D), _full_spec(1, D), _full_spec(1, D),
              _full_spec(D, C), _full_spec(1, C)],
    out_specs=pl.BlockSpec((BR, C), lambda i: (i, 0)),
    out_shape=jax.ShapeDtypeStruct((N, C), jnp.float32),
)


def kernel(features, edge_index, W_self0, b_self0, W_neigh0, W_self1,
           b_self1, W_neigh1, W_lin, b_lin, g0, be0, g1, be1):
    src, dst = edge_index[0], edge_index[1]
    pad = jnp.zeros((2 * CHUNK,), jnp.int32)
    src_p = jnp.concatenate([src, pad])
    dst_p = jnp.concatenate([dst, pad])
    (deg_p,) = _sc_deg(dst)
    (agg_p,) = _sc_agg(features, src_p, dst_p)
    h1 = _tc_layer0(features, agg_p[0], agg_p[1], deg_p[0], deg_p[1],
                    W_self0, W_neigh0, b_self0.reshape(1, D),
                    g0.reshape(1, D), be0.reshape(1, D))
    (agg_p1,) = _sc_agg(h1, src_p, dst_p)
    out = _tc_layer1(h1, agg_p1[0], agg_p1[1], deg_p[0], deg_p[1],
                     W_self1, W_neigh1, b_self1.reshape(1, D),
                     g1.reshape(1, D), be1.reshape(1, D),
                     W_lin, b_lin.reshape(1, C))
    return out

# --- scband reference (transcript-rebuilt; emitter-appended) ---
"""Pipeline reference for scband-gnnmodel-32272384262904 (READ-ONLY COPY).

The authoritative reference and input builder live on the scoring server;
editing this copy changes nothing except your own understanding.
"""

import jax, jax.numpy as jnp
import numpy as np

N = 10000
E = 320000
D = 128
C = 64


def setup_inputs(seed: int = 0) -> dict:
    key = jax.random.key(seed)
    ks = jax.random.split(key, 16)
    x = jax.random.normal(ks[0], (N, D), dtype=jnp.float32)
    edge_index = jax.random.randint(ks[1], (2, E), 0, N, dtype=jnp.int32)
    s = 1.0 / np.sqrt(D)
    W_self0 = jax.random.normal(ks[2], (D, D), dtype=jnp.float32) * s
    b_self0 = jnp.zeros((D,), dtype=jnp.float32)
    W_neigh0 = jax.random.normal(ks[3], (D, D), dtype=jnp.float32) * s
    W_self1 = jax.random.normal(ks[4], (D, D), dtype=jnp.float32) * s
    b_self1 = jnp.zeros((D,), dtype=jnp.float32)
    W_neigh1 = jax.random.normal(ks[5], (D, D), dtype=jnp.float32) * s
    W_lin = jax.random.normal(ks[6], (D, C), dtype=jnp.float32) * s
    b_lin = jnp.zeros((C,), dtype=jnp.float32)
    g0 = jnp.ones((D,), dtype=jnp.float32)
    be0 = jnp.zeros((D,), dtype=jnp.float32)
    g1 = jnp.ones((D,), dtype=jnp.float32)
    be1 = jnp.zeros((D,), dtype=jnp.float32)
    return {
        "features": x, "edge_index": edge_index,
        "W_self0": W_self0, "b_self0": b_self0, "W_neigh0": W_neigh0,
        "W_self1": W_self1, "b_self1": b_self1, "W_neigh1": W_neigh1,
        "W_lin": W_lin, "b_lin": b_lin,
        "g0": g0, "be0": be0, "g1": g1, "be1": be1,
    }


def reference(features, edge_index, W_self0, b_self0, W_neigh0,
              W_self1, b_self1, W_neigh1, W_lin, b_lin, g0, be0, g1, be1):
    # GNNModel(sage, n_layers=3, n_linear=1), eval mode (dropout = identity).
    src = edge_index[0]
    dst = edge_index[1]
    deg = jax.ops.segment_sum(jnp.ones((E,), dtype=jnp.float32), dst, num_segments=N)
    deg = jnp.clip(deg, 1.0, None)[:, None]

    def sage(h, W_neigh, W_self, b_self):
        # DGL SAGEConv(mean): fc_self(h) + fc_neigh(mean_{in-neighbors} h)
        agg = jax.ops.segment_sum(jnp.take(h, src, axis=0), dst, num_segments=N) / deg
        return h @ W_self + b_self + agg @ W_neigh

    def layer_norm(h, g, b):
        mu = jnp.mean(h, axis=-1, keepdims=True)
        var = jnp.mean((h - mu) ** 2, axis=-1, keepdims=True)
        return (h - mu) / jnp.sqrt(var + 1e-5) * g + b

    h = features
    h = sage(h, W_neigh0, W_self0, b_self0)
    h = jax.nn.relu(layer_norm(h, g0, be0))
    h = sage(h, W_neigh1, W_self1, b_self1)
    h = jax.nn.relu(layer_norm(h, g1, be1))
    h = h @ W_lin + b_lin
    return h

if __name__ == "__main__":
    import jax
    _d = setup_inputs()
    print(jax.jit(kernel)(*tuple(_d.values())))

</pallas_src>

<mosaic_0001>
#map = affine_map<(d0, d1) -> (0, 0)>
#map1 = affine_map<(d0, d1) -> (0)>
#map2 = affine_map<(d0, d1) -> (0, 0, 0)>
module attributes {stable_mosaic.version = 14 : i64} {
  func.func @_sc_agg_body(%arg0: i32, %arg1: i32, %arg2: memref<10000x128xf32, #tpu.memory_space<hbm>>, %arg3: memref<320256xi32, #tpu.memory_space<hbm>>, %arg4: memref<320256xi32, #tpu.memory_space<hbm>>, %arg5: memref<2x10000x128xf32, #tpu.memory_space<hbm>>, %arg6: memref<128xi32, #tpu.memory_space<vmem>>, %arg7: memref<128xi32, #tpu.memory_space<vmem>>, %arg8: memref<128xi32, #tpu.memory_space<vmem>>, %arg9: memref<128xi32, #tpu.memory_space<vmem>>, %arg10: memref<16xi32, #tpu.memory_space<vmem>>, %arg11: memref<16xi32, #tpu.memory_space<vmem>>, %arg12: memref<128x128xf32, #tpu.memory_space<vmem>>, %arg13: memref<128x128xf32, #tpu.memory_space<vmem>>, %arg14: memref<16x128xf32, #tpu.memory_space<vmem>>, %arg15: memref<80x128xf32, #tpu.memory_space<vmem>>, %arg16: memref<10000x128xf32, #tpu.memory_space<vmem_shared>>, %arg17: memref<!tpu.dma_semaphore, #tpu.memory_space<semaphore_mem>>, %arg18: memref<!tpu.dma_semaphore, #tpu.memory_space<semaphore_mem>>, %arg19: memref<!tpu.dma_semaphore, #tpu.memory_space<semaphore_mem>>, %arg20: memref<!tpu.dma_semaphore, #tpu.memory_space<semaphore_mem>>) attributes {dimension_semantics = [#tpu.dimension_semantics<core_parallel>, #tpu.dimension_semantics<subcore_parallel>], iteration_bounds = array<i64: 2, 16>, scalar_prefetch = 0 : i64, scratch_operands = 15 : i64, tpu.core_type = #tpu.core_type<sc_vector_subcore>, window_params = [{transform_indices = #map}, {transform_indices = #map1}, {transform_indices = #map1}, {transform_indices = #map2}]} {
    %mul3A = arith.constant 16 : i32
    %mul3A_0 = arith.muli %arg0, %mul3A : i32
    %add3A = arith.addi %mul3A_0, %arg1 : i32
    %mul3A_1 = arith.constant 10000 : i32
    %mul3A_2 = arith.muli %add3A, %mul3A_1 : i32
    %scan3A = arith.constant 0 : i32
    %scan3A_3 = arith.constant 80 : i32
    %scan3A_4 = arith.addi %scan3A, %scan3A_3 : i32
    %scan3A_5 = arith.constant 1 : i32
    scf.for %scan3A_188 = %scan3A to %scan3A_4 step %scan3A_5  : i32 {
      %mul3A_189 = arith.constant 1 : i32
      %mul3A_190 = arith.muli %scan3A_188, %mul3A_189 : i32
      %add3A_191 = arith.constant 0 : i32
      %add3A_192 = arith.addi %add3A_191, %mul3A_190 : i32
      %scan3A_193 = arith.constant 0 : i32
      %scan3A_194 = arith.constant 8 : i32
      %scan3A_195 = arith.addi %scan3A_193, %scan3A_194 : i32
      %scan3A_196 = arith.constant 1 : i32
      scf.for %scan3A_198 = %scan3A_193 to %scan3A_195 step %scan3A_196  : i32 {
        %mul3A_199 = arith.constant 16 : i32
        %mul3A_200 = arith.muli %scan3A_198, %mul3A_199 : i32
        %add3A_201 = arith.constant 0 : i32
        %add3A_202 = arith.addi %add3A_201, %mul3A_200 : i32
        %broadcast_in_dim3A = arith.constant 0.000000e+00 : f32
        %broadcast_in_dim3A_203 = vector.broadcast %broadcast_in_dim3A : f32 to vector<1x16xf32>
        %swap3A = arith.index_cast %add3A_192 : i32 to index
        %swap3A_204 = arith.index_cast %add3A_202 : i32 to index
        %swap3A_205 = tpu.vector_load %arg15[%swap3A, %swap3A_204] {strides = array<i32>} : memref<80x128xf32, #tpu.memory_space<vmem>>, vector<1x16xf32>,
        %swap3A_206 = vector.shape_cast %swap3A_205 : vector<1x16xf32> to vector<1x16xf32>
        %swap3A_207 = vector.shape_cast %broadcast_in_dim3A_203 : vector<1x16xf32> to vector<1x16xf32>
        tpu.vector_store %arg15[%swap3A, %swap3A_204], %swap3A_207 {strides = array<i32>} : memref<80x128xf32, #tpu.memory_space<vmem>>, vector<1x16xf32>,
      }
      %scan3A_197 = arith.constant 8 : i32
    }
    %scan3A_6 = arith.constant 80 : i32
    %mul3A_7 = arith.constant 640 : i32
    %mul3A_8 = arith.muli %arg1, %mul3A_7 : i32
    %add3A_9 = arith.constant 0 : i32
    %add3A_10 = arith.addi %mul3A_8, %add3A_9 : i32
    %lt3A = arith.constant 10000 : i32
    %lt3A_11 = arith.cmpi slt, %add3A_10, %lt3A : i32
    %convert_element_type3A = arith.extui %lt3A_11 : i1 to i32
    %cond3A = arith.constant 0 : i32
    %cond3A_12 = arith.cmpi ne, %convert_element_type3A, %cond3A : i32
    scf.if %cond3A_12 {
      "tpu.region"() ({
        %run_scoped3A = tpu.sem_alloc : memref<!tpu.dma_semaphore, #tpu.memory_space<semaphore_mem>>
        %dma_start3A_188 = arith.constant 0 : i32
        %dma_start3A_189 = tpu.memref_slice %arg16[%add3A_10, %dma_start3A_188] : memref<10000x128xf32, #tpu.memory_space<vmem_shared>> -> memref<80x128xf32, #tpu.memory_space<vmem_shared>>
        %dma_start3A_190 = arith.constant 0 : i32
        %dma_start3A_191 = tpu.memref_slice %arg16[%add3A_10, %dma_start3A_190] : memref<10000x128xf32, #tpu.memory_space<vmem_shared>> -> memref<80x128xf32, #tpu.memory_space<vmem_shared>>
        tpu.enqueue_dma source(%arg15 : memref<80x128xf32, #tpu.memory_space<vmem>>) target(%dma_start3A_191 : memref<80x128xf32, #tpu.memory_space<vmem_shared>>) target_semaphore(%run_scoped3A : memref<!tpu.dma_semaphore, #tpu.memory_space<semaphore_mem>>)
        %dma_wait3A_192 = arith.constant 0 : i32
        %dma_wait3A_193 = tpu.memref_slice %arg16[%add3A_10, %dma_wait3A_192] : memref<10000x128xf32, #tpu.memory_space<vmem_shared>> -> memref<80x128xf32, #tpu.memory_space<vmem_shared>>
        %dma_wait3A_194 = arith.constant 0 : i32
        %dma_wait3A_195 = tpu.memref_slice %arg16[%add3A_10, %dma_wait3A_194] : memref<10000x128xf32, #tpu.memory_space<vmem_shared>> -> memref<80x128xf32, #tpu.memory_space<vmem_shared>>
        tpu.wait_dma2 semaphore(%run_scoped3A : memref<!tpu.dma_semaphore, #tpu.memory_space<semaphore_mem>>) src(%arg15 : memref<80x128xf32, #tpu.memory_space<vmem>>) dst(%dma_wait3A_195 : memref<80x128xf32, #tpu.memory_space<vmem_shared>>)
        tpu.yield
      }) : () -> ()
    } else {
    }
    %mul3A_13 = arith.constant 640 : i32
    %mul3A_14 = arith.muli %arg1, %mul3A_13 : i32
    %add3A_15 = arith.constant 80 : i32
    %add3A_16 = arith.addi %mul3A_14, %add3A_15 : i32
    %lt3A_17 = arith.constant 10000 : i32
    %lt3A_18 = arith.cmpi slt, %add3A_16, %lt3A_17 : i32
    %convert_element_type3A_19 = arith.extui %lt3A_18 : i1 to i32
    %cond3A_20 = arith.constant 0 : i32
    %cond3A_21 = arith.cmpi ne, %convert_element_type3A_19, %cond3A_20 : i32
    scf.if %cond3A_21 {
      "tpu.region"() ({
        %run_scoped3A = tpu.sem_alloc : memref<!tpu.dma_semaphore, #tpu.memory_space<semaphore_mem>>
        %dma_start3A_188 = arith.constant 0 : i32
        %dma_start3A_189 = tpu.memref_slice %arg16[%add3A_16, %dma_start3A_188] : memref<10000x128xf32, #tpu.memory_space<vmem_shared>> -> memref<80x128xf32, #tpu.memory_space<vmem_shared>>
        %dma_start3A_190 = arith.constant 0 : i32
        %dma_start3A_191 = tpu.memref_slice %arg16[%add3A_16, %dma_start3A_190] : memref<10000x128xf32, #tpu.memory_space<vmem_shared>> -> memref<80x128xf32, #tpu.memory_space<vmem_shared>>
        tpu.enqueue_dma source(%arg15 : memref<80x128xf32, #tpu.memory_space<vmem>>) target(%dma_start3A_191 : memref<80x128xf32, #tpu.memory_space<vmem_shared>>) target_semaphore(%run_scoped3A : memref<!tpu.dma_semaphore, #tpu.memory_space<semaphore_mem>>)
        %dma_wait3A_192 = arith.constant 0 : i32
        %dma_wait3A_193 = tpu.memref_slice %arg16[%add3A_16, %dma_wait3A_192] : memref<10000x128xf32, #tpu.memory_space<vmem_shared>> -> memref<80x128xf32, #tpu.memory_space<vmem_shared>>
        %dma_wait3A_194 = arith.constant 0 : i32
        %dma_wait3A_195 = tpu.memref_slice %arg16[%add3A_16, %dma_wait3A_194] : memref<10000x128xf32, #tpu.memory_space<vmem_shared>> -> memref<80x128xf32, #tpu.memory_space<vmem_shared>>
        tpu.wait_dma2 semaphore(%run_scoped3A : memref<!tpu.dma_semaphore, #tpu.memory_space<semaphore_mem>>) src(%arg15 : memref<80x128xf32, #tpu.memory_space<vmem>>) dst(%dma_wait3A_195 : memref<80x128xf32, #tpu.memory_space<vmem_shared>>)
        tpu.yield
      }) : () -> ()
    } else {
    }
    %mul3A_22 = arith.constant 640 : i32
    %mul3A_23 = arith.muli %arg1, %mul3A_22 : i32
    %add3A_24 = arith.constant 160 : i32
    %add3A_25 = arith.addi %mul3A_23, %add3A_24 : i32
    %lt3A_26 = arith.constant 10000 : i32
    %lt3A_27 = arith.cmpi slt, %add3A_25, %lt3A_26 : i32
    %convert_element_type3A_28 = arith.extui %lt3A_27 : i1 to i32
    %cond3A_29 = arith.constant 0 : i32
    %cond3A_30 = arith.cmpi ne, %convert_element_type3A_28, %cond3A_29 : i32
    scf.if %cond3A_30 {
      "tpu.region"() ({
        %run_scoped3A = tpu.sem_alloc : memref<!tpu.dma_semaphore, #tpu.memory_space<semaphore_mem>>
        %dma_start3A_188 = arith.constant 0 : i32
        %dma_start3A_189 = tpu.memref_slice %arg16[%add3A_25, %dma_start3A_188] : memref<10000x128xf32, #tpu.memory_space<vmem_shared>> -> memref<80x128xf32, #tpu.memory_space<vmem_shared>>
        %dma_start3A_190 = arith.constant 0 : i32
        %dma_start3A_191 = tpu.memref_slice %arg16[%add3A_25, %dma_start3A_190] : memref<10000x128xf32, #tpu.memory_space<vmem_shared>> -> memref<80x128xf32, #tpu.memory_space<vmem_shared>>
        tpu.enqueue_dma source(%arg15 : memref<80x128xf32, #tpu.memory_space<vmem>>) target(%dma_start3A_191 : memref<80x128xf32, #tpu.memory_space<vmem_shared>>) target_semaphore(%run_scoped3A : memref<!tpu.dma_semaphore, #tpu.memory_space<semaphore_mem>>)
        %dma_wait3A_192 = arith.constant 0 : i32
        %dma_wait3A_193 = tpu.memref_slice %arg16[%add3A_25, %dma_wait3A_192] : memref<10000x128xf32, #tpu.memory_space<vmem_shared>> -> memref<80x128xf32, #tpu.memory_space<vmem_shared>>
        %dma_wait3A_194 = arith.constant 0 : i32
        %dma_wait3A_195 = tpu.memref_slice %arg16[%add3A_25, %dma_wait3A_194] : memref<10000x128xf32, #tpu.memory_space<vmem_shared>> -> memref<80x128xf32, #tpu.memory_space<vmem_shared>>
        tpu.wait_dma2 semaphore(%run_scoped3A : memref<!tpu.dma_semaphore, #tpu.memory_space<semaphore_mem>>) src(%arg15 : memref<80x128xf32, #tpu.memory_space<vmem>>) dst(%dma_wait3A_195 : memref<80x128xf32, #tpu.memory_space<vmem_shared>>)
        tpu.yield
      }) : () -> ()
    } else {
    }
    %mul3A_31 = arith.constant 640 : i32
    %mul3A_32 = arith.muli %arg1, %mul3A_31 : i32
    %add3A_33 = arith.constant 240 : i32
    %add3A_34 = arith.addi %mul3A_32, %add3A_33 : i32
    %lt3A_35 = arith.constant 10000 : i32
    %lt3A_36 = arith.cmpi slt, %add3A_34, %lt3A_35 : i32
    %convert_element_type3A_37 = arith.extui %lt3A_36 : i1 to i32
    %cond3A_38 = arith.constant 0 : i32
    %cond3A_39 = arith.cmpi ne, %convert_element_type3A_37, %cond3A_38 : i32
    scf.if %cond3A_39 {
      "tpu.region"() ({
        %run_scoped3A = tpu.sem_alloc : memref<!tpu.dma_semaphore, #tpu.memory_space<semaphore_mem>>
        %dma_start3A_188 = arith.constant 0 : i32
        %dma_start3A_189 = tpu.memref_slice %arg16[%add3A_34, %dma_start3A_188] : memref<10000x128xf32, #tpu.memory_space<vmem_shared>> -> memref<80x128xf32, #tpu.memory_space<vmem_shared>>
        %dma_start3A_190 = arith.constant 0 : i32
        %dma_start3A_191 = tpu.memref_slice %arg16[%add3A_34, %dma_start3A_190] : memref<10000x128xf32, #tpu.memory_space<vmem_shared>> -> memref<80x128xf32, #tpu.memory_space<vmem_shared>>
        tpu.enqueue_dma source(%arg15 : memref<80x128xf32, #tpu.memory_space<vmem>>) target(%dma_start3A_191 : memref<80x128xf32, #tpu.memory_space<vmem_shared>>) target_semaphore(%run_scoped3A : memref<!tpu.dma_semaphore, #tpu.memory_space<semaphore_mem>>)
        %dma_wait3A_192 = arith.constant 0 : i32
        %dma_wait3A_193 = tpu.memref_slice %arg16[%add3A_34, %dma_wait3A_192] : memref<10000x128xf32, #tpu.memory_space<vmem_shared>> -> memref<80x128xf32, #tpu.memory_space<vmem_shared>>
        %dma_wait3A_194 = arith.constant 0 : i32
        %dma_wait3A_195 = tpu.memref_slice %arg16[%add3A_34, %dma_wait3A_194] : memref<10000x128xf32, #tpu.memory_space<vmem_shared>> -> memref<80x128xf32, #tpu.memory_space<vmem_shared>>
        tpu.wait_dma2 semaphore(%run_scoped3A : memref<!tpu.dma_semaphore, #tpu.memory_space<semaphore_mem>>) src(%arg15 : memref<80x128xf32, #tpu.memory_space<vmem>>) dst(%dma_wait3A_195 : memref<80x128xf32, #tpu.memory_space<vmem_shared>>)
        tpu.yield
      }) : () -> ()
    } else {
    }
    %mul3A_40 = arith.constant 640 : i32
    %mul3A_41 = arith.muli %arg1, %mul3A_40 : i32
    %add3A_42 = arith.constant 320 : i32
    %add3A_43 = arith.addi %mul3A_41, %add3A_42 : i32
    %lt3A_44 = arith.constant 10000 : i32
    %lt3A_45 = arith.cmpi slt, %add3A_43, %lt3A_44 : i32
    %convert_element_type3A_46 = arith.extui %lt3A_45 : i1 to i32
    %cond3A_47 = arith.constant 0 : i32
    %cond3A_48 = arith.cmpi ne, %convert_element_type3A_46, %cond3A_47 : i32
    scf.if %cond3A_48 {
      "tpu.region"() ({
        %run_scoped3A = tpu.sem_alloc : memref<!tpu.dma_semaphore, #tpu.memory_space<semaphore_mem>>
        %dma_start3A_188 = arith.constant 0 : i32
        %dma_start3A_189 = tpu.memref_slice %arg16[%add3A_43, %dma_start3A_188] : memref<10000x128xf32, #tpu.memory_space<vmem_shared>> -> memref<80x128xf32, #tpu.memory_space<vmem_shared>>
        %dma_start3A_190 = arith.constant 0 : i32
        %dma_start3A_191 = tpu.memref_slice %arg16[%add3A_43, %dma_start3A_190] : memref<10000x128xf32, #tpu.memory_space<vmem_shared>> -> memref<80x128xf32, #tpu.memory_space<vmem_shared>>
        tpu.enqueue_dma source(%arg15 : memref<80x128xf32, #tpu.memory_space<vmem>>) target(%dma_start3A_191 : memref<80x128xf32, #tpu.memory_space<vmem_shared>>) target_semaphore(%run_scoped3A : memref<!tpu.dma_semaphore, #tpu.memory_space<semaphore_mem>>)
        %dma_wait3A_192 = arith.constant 0 : i32
        %dma_wait3A_193 = tpu.memref_slice %arg16[%add3A_43, %dma_wait3A_192] : memref<10000x128xf32, #tpu.memory_space<vmem_shared>> -> memref<80x128xf32, #tpu.memory_space<vmem_shared>>
        %dma_wait3A_194 = arith.constant 0 : i32
        %dma_wait3A_195 = tpu.memref_slice %arg16[%add3A_43, %dma_wait3A_194] : memref<10000x128xf32, #tpu.memory_space<vmem_shared>> -> memref<80x128xf32, #tpu.memory_space<vmem_shared>>
        tpu.wait_dma2 semaphore(%run_scoped3A : memref<!tpu.dma_semaphore, #tpu.memory_space<semaphore_mem>>) src(%arg15 : memref<80x128xf32, #tpu.memory_space<vmem>>) dst(%dma_wait3A_195 : memref<80x128xf32, #tpu.memory_space<vmem_shared>>)
        tpu.yield
      }) : () -> ()
    } else {
    }
    %mul3A_49 = arith.constant 640 : i32
    %mul3A_50 = arith.muli %arg1, %mul3A_49 : i32
    %add3A_51 = arith.constant 400 : i32
    %add3A_52 = arith.addi %mul3A_50, %add3A_51 : i32
    %lt3A_53 = arith.constant 10000 : i32
    %lt3A_54 = arith.cmpi slt, %add3A_52, %lt3A_53 : i32
    %convert_element_type3A_55 = arith.extui %lt3A_54 : i1 to i32
    %cond3A_56 = arith.constant 0 : i32
    %cond3A_57 = arith.cmpi ne, %convert_element_type3A_55, %cond3A_56 : i32
    scf.if %cond3A_57 {
      "tpu.region"() ({
        %run_scoped3A = tpu.sem_alloc : memref<!tpu.dma_semaphore, #tpu.memory_space<semaphore_mem>>
        %dma_start3A_188 = arith.constant 0 : i32
        %dma_start3A_189 = tpu.memref_slice %arg16[%add3A_52, %dma_start3A_188] : memref<10000x128xf32, #tpu.memory_space<vmem_shared>> -> memref<80x128xf32, #tpu.memory_space<vmem_shared>>
        %dma_start3A_190 = arith.constant 0 : i32
        %dma_start3A_191 = tpu.memref_slice %arg16[%add3A_52, %dma_start3A_190] : memref<10000x128xf32, #tpu.memory_space<vmem_shared>> -> memref<80x128xf32, #tpu.memory_space<vmem_shared>>
        tpu.enqueue_dma source(%arg15 : memref<80x128xf32, #tpu.memory_space<vmem>>) target(%dma_start3A_191 : memref<80x128xf32, #tpu.memory_space<vmem_shared>>) target_semaphore(%run_scoped3A : memref<!tpu.dma_semaphore, #tpu.memory_space<semaphore_mem>>)
        %dma_wait3A_192 = arith.constant 0 : i32
        %dma_wait3A_193 = tpu.memref_slice %arg16[%add3A_52, %dma_wait3A_192] : memref<10000x128xf32, #tpu.memory_space<vmem_shared>> -> memref<80x128xf32, #tpu.memory_space<vmem_shared>>
        %dma_wait3A_194 = arith.constant 0 : i32
        %dma_wait3A_195 = tpu.memref_slice %arg16[%add3A_52, %dma_wait3A_194] : memref<10000x128xf32, #tpu.memory_space<vmem_shared>> -> memref<80x128xf32, #tpu.memory_space<vmem_shared>>
        tpu.wait_dma2 semaphore(%run_scoped3A : memref<!tpu.dma_semaphore, #tpu.memory_space<semaphore_mem>>) src(%arg15 : memref<80x128xf32, #tpu.memory_space<vmem>>) dst(%dma_wait3A_195 : memref<80x128xf32, #tpu.memory_space<vmem_shared>>)
        tpu.yield
      }) : () -> ()
    } else {
    }
    %mul3A_58 = arith.constant 640 : i32
    %mul3A_59 = arith.muli %arg1, %mul3A_58 : i32
    %add3A_60 = arith.constant 480 : i32
    %add3A_61 = arith.addi %mul3A_59, %add3A_60 : i32
    %lt3A_62 = arith.constant 10000 : i32
    %lt3A_63 = arith.cmpi slt, %add3A_61, %lt3A_62 : i32
    %convert_element_type3A_64 = arith.extui %lt3A_63 : i1 to i32
    %cond3A_65 = arith.constant 0 : i32
    %cond3A_66 = arith.cmpi ne, %convert_element_type3A_64, %cond3A_65 : i32
    scf.if %cond3A_66 {
      "tpu.region"() ({
        %run_scoped3A = tpu.sem_alloc : memref<!tpu.dma_semaphore, #tpu.memory_space<semaphore_mem>>
        %dma_start3A_188 = arith.constant 0 : i32
        %dma_start3A_189 = tpu.memref_slice %arg16[%add3A_61, %dma_start3A_188] : memref<10000x128xf32, #tpu.memory_space<vmem_shared>> -> memref<80x128xf32, #tpu.memory_space<vmem_shared>>
        %dma_start3A_190 = arith.constant 0 : i32
        %dma_start3A_191 = tpu.memref_slice %arg16[%add3A_61, %dma_start3A_190] : memref<10000x128xf32, #tpu.memory_space<vmem_shared>> -> memref<80x128xf32, #tpu.memory_space<vmem_shared>>
        tpu.enqueue_dma source(%arg15 : memref<80x128xf32, #tpu.memory_space<vmem>>) target(%dma_start3A_191 : memref<80x128xf32, #tpu.memory_space<vmem_shared>>) target_semaphore(%run_scoped3A : memref<!tpu.dma_semaphore, #tpu.memory_space<semaphore_mem>>)
        %dma_wait3A_192 = arith.constant 0 : i32
        %dma_wait3A_193 = tpu.memref_slice %arg16[%add3A_61, %dma_wait3A_192] : memref<10000x128xf32, #tpu.memory_space<vmem_shared>> -> memref<80x128xf32, #tpu.memory_space<vmem_shared>>
        %dma_wait3A_194 = arith.constant 0 : i32
        %dma_wait3A_195 = tpu.memref_slice %arg16[%add3A_61, %dma_wait3A_194] : memref<10000x128xf32, #tpu.memory_space<vmem_shared>> -> memref<80x128xf32, #tpu.memory_space<vmem_shared>>
        tpu.wait_dma2 semaphore(%run_scoped3A : memref<!tpu.dma_semaphore, #tpu.memory_space<semaphore_mem>>) src(%arg15 : memref<80x128xf32, #tpu.memory_space<vmem>>) dst(%dma_wait3A_195 : memref<80x128xf32, #tpu.memory_space<vmem_shared>>)
        tpu.yield
      }) : () -> ()
    } else {
    }
    %mul3A_67 = arith.constant 640 : i32
    %mul3A_68 = arith.muli %arg1, %mul3A_67 : i32
    %add3A_69 = arith.constant 560 : i32
    %add3A_70 = arith.addi %mul3A_68, %add3A_69 : i32
    %lt3A_71 = arith.constant 10000 : i32
    %lt3A_72 = arith.cmpi slt, %add3A_70, %lt3A_71 : i32
    %convert_element_type3A_73 = arith.extui %lt3A_72 : i1 to i32
    %cond3A_74 = arith.constant 0 : i32
    %cond3A_75 = arith.cmpi ne, %convert_element_type3A_73, %cond3A_74 : i32
    scf.if %cond3A_75 {
      "tpu.region"() ({
        %run_scoped3A = tpu.sem_alloc : memref<!tpu.dma_semaphore, #tpu.memory_space<semaphore_mem>>
        %dma_start3A_188 = arith.constant 0 : i32
        %dma_start3A_189 = tpu.memref_slice %arg16[%add3A_70, %dma_start3A_188] : memref<10000x128xf32, #tpu.memory_space<vmem_shared>> -> memref<80x128xf32, #tpu.memory_space<vmem_shared>>
        %dma_start3A_190 = arith.constant 0 : i32
        %dma_start3A_191 = tpu.memref_slice %arg16[%add3A_70, %dma_start3A_190] : memref<10000x128xf32, #tpu.memory_space<vmem_shared>> -> memref<80x128xf32, #tpu.memory_space<vmem_shared>>
        tpu.enqueue_dma source(%arg15 : memref<80x128xf32, #tpu.memory_space<vmem>>) target(%dma_start3A_191 : memref<80x128xf32, #tpu.memory_space<vmem_shared>>) target_semaphore(%run_scoped3A : memref<!tpu.dma_semaphore, #tpu.memory_space<semaphore_mem>>)
        %dma_wait3A_192 = arith.constant 0 : i32
        %dma_wait3A_193 = tpu.memref_slice %arg16[%add3A_70, %dma_wait3A_192] : memref<10000x128xf32, #tpu.memory_space<vmem_shared>> -> memref<80x128xf32, #tpu.memory_space<vmem_shared>>
        %dma_wait3A_194 = arith.constant 0 : i32
        %dma_wait3A_195 = tpu.memref_slice %arg16[%add3A_70, %dma_wait3A_194] : memref<10000x128xf32, #tpu.memory_space<vmem_shared>> -> memref<80x128xf32, #tpu.memory_space<vmem_shared>>
        tpu.wait_dma2 semaphore(%run_scoped3A : memref<!tpu.dma_semaphore, #tpu.memory_space<semaphore_mem>>) src(%arg15 : memref<80x128xf32, #tpu.memory_space<vmem>>) dst(%dma_wait3A_195 : memref<80x128xf32, #tpu.memory_space<vmem_shared>>)
        tpu.yield
      }) : () -> ()
    } else {
    }
    %barrier3A = arith.constant 0 : index
    tpu.barrier barrier_id(%barrier3A)
    %add3A_76 = arith.constant 0 : i32
    %add3A_77 = arith.addi %mul3A_2, %add3A_76 : i32
    %dma_start3A = tpu.memref_slice %arg3[%add3A_77] : memref<320256xi32, #tpu.memory_space<hbm>> -> memref<128xi32, #tpu.memory_space<hbm>>
    %dma_start3A_78 = tpu.memref_slice %arg3[%add3A_77] : memref<320256xi32, #tpu.memory_space<hbm>> -> memref<128xi32, #tpu.memory_space<hbm>>
    tpu.enqueue_dma source(%dma_start3A_78 : memref<128xi32, #tpu.memory_space<hbm>>) target(%arg6 : memref<128xi32, #tpu.memory_space<vmem>>) target_semaphore(%arg19 : memref<!tpu.dma_semaphore, #tpu.memory_space<semaphore_mem>>)
    %dma_start3A_79 = tpu.memref_slice %arg4[%add3A_77] : memref<320256xi32, #tpu.memory_space<hbm>> -> memref<128xi32, #tpu.memory_space<hbm>>
    %dma_start3A_80 = tpu.memref_slice %arg4[%add3A_77] : memref<320256xi32, #tpu.memory_space<hbm>> -> memref<128xi32, #tpu.memory_space<hbm>>
    tpu.enqueue_dma source(%dma_start3A_80 : memref<128xi32, #tpu.memory_space<hbm>>) target(%arg7 : memref<128xi32, #tpu.memory_space<vmem>>) target_semaphore(%arg19 : memref<!tpu.dma_semaphore, #tpu.memory_space<semaphore_mem>>)
    %add3A_81 = arith.constant 128 : i32
    %add3A_82 = arith.addi %mul3A_2, %add3A_81 : i32
    %dma_start3A_83 = tpu.memref_slice %arg3[%add3A_82] : memref<320256xi32, #tpu.memory_space<hbm>> -> memref<128xi32, #tpu.memory_space<hbm>>
    %dma_start3A_84 = tpu.memref_slice %arg3[%add3A_82] : memref<320256xi32, #tpu.memory_space<hbm>> -> memref<128xi32, #tpu.memory_space<hbm>>
    tpu.enqueue_dma source(%dma_start3A_84 : memref<128xi32, #tpu.memory_space<hbm>>) target(%arg8 : memref<128xi32, #tpu.memory_space<vmem>>) target_semaphore(%arg20 : memref<!tpu.dma_semaphore, #tpu.memory_space<semaphore_mem>>)
    %dma_start3A_85 = tpu.memref_slice %arg4[%add3A_82] : memref<320256xi32, #tpu.memory_space<hbm>> -> memref<128xi32, #tpu.memory_space<hbm>>
    %dma_start3A_86 = tpu.memref_slice %arg4[%add3A_82] : memref<320256xi32, #tpu.memory_space<hbm>> -> memref<128xi32, #tpu.memory_space<hbm>>
    tpu.enqueue_dma source(%dma_start3A_86 : memref<128xi32, #tpu.memory_space<hbm>>) target(%arg9 : memref<128xi32, #tpu.memory_space<vmem>>) target_semaphore(%arg20 : memref<!tpu.dma_semaphore, #tpu.memory_space<semaphore_mem>>)
    %dma_wait3A = arith.constant 0 : i32
    %dma_wait3A_87 = tpu.memref_slice %arg3[%dma_wait3A] : memref<320256xi32, #tpu.memory_space<hbm>> -> memref<128xi32, #tpu.memory_space<hbm>>
    %dma_wait3A_88 = arith.constant 0 : i32
    %dma_wait3A_89 = tpu.memref_slice %arg3[%dma_wait3A_88] : memref<320256xi32, #tpu.memory_space<hbm>> -> memref<128xi32, #tpu.memory_space<hbm>>
    tpu.wait_dma2 semaphore(%arg19 : memref<!tpu.dma_semaphore, #tpu.memory_space<semaphore_mem>>) src(%dma_wait3A_89 : memref<128xi32, #tpu.memory_space<hbm>>) dst(%arg6 : memref<128xi32, #tpu.memory_space<vmem>>)
    %dma_wait3A_90 = arith.constant 0 : i32
    %dma_wait3A_91 = tpu.memref_slice %arg4[%dma_wait3A_90] : memref<320256xi32, #tpu.memory_space<hbm>> -> memref<128xi32, #tpu.memory_space<hbm>>
    %dma_wait3A_92 = arith.constant 0 : i32
    %dma_wait3A_93 = tpu.memref_slice %arg4[%dma_wait3A_92] : memref<320256xi32, #tpu.memory_space<hbm>> -> memref<128xi32, #tpu.memory_space<hbm>>
    tpu.wait_dma2 semaphore(%arg19 : memref<!tpu.dma_semaphore, #tpu.memory_space<semaphore_mem>>) src(%dma_wait3A_93 : memref<128xi32, #tpu.memory_space<hbm>>) dst(%arg7 : memref<128xi32, #tpu.memory_space<vmem>>)
    %dma_start3A_94 = arith.constant 0 : i32
    %dma_start3A_95 = arith.constant 0 : i32
    %dma_start3A_96 = tpu.memref_slice %arg2[%dma_start3A_94, %dma_start3A_95] : memref<10000x128xf32, #tpu.memory_space<hbm>> -> memref<10000x128xf32, #tpu.memory_space<hbm>>
    tpu.enqueue_indirect_dma source(%dma_start3A_96 : memref<10000x128xf32, #tpu.memory_space<hbm>>) target(%arg12 : memref<128x128xf32, #tpu.memory_space<vmem>>) offsets(%arg6 : memref<128xi32, #tpu.memory_space<vmem>>) semaphore(%arg17 : memref<!tpu.dma_semaphore, #tpu.memory_space<semaphore_mem>>)
    %scan3A_97 = arith.constant 0 : i32
    %scan3A_98 = arith.constant 39 : i32
    %scan3A_99 = arith.addi %scan3A_97, %scan3A_98 : i32
    %scan3A_100 = arith.constant 1 : i32
    scf.for %scan3A_188 = %scan3A_97 to %scan3A_99 step %scan3A_100  : i32 {
      %mul3A_189 = arith.constant 2 : i32
      %mul3A_190 = arith.muli %scan3A_188, %mul3A_189 : i32
      %add3A_191 = arith.constant 0 : i32
      %add3A_192 = arith.addi %add3A_191, %mul3A_190 : i32
      %dma_wait3A_193 = arith.constant 0 : i32
      %dma_wait3A_194 = tpu.memref_slice %arg3[%dma_wait3A_193] : memref<320256xi32, #tpu.memory_space<hbm>> -> memref<128xi32, #tpu.memory_space<hbm>>
      %dma_wait3A_195 = arith.constant 0 : i32
      %dma_wait3A_196 = tpu.memref_slice %arg3[%dma_wait3A_195] : memref<320256xi32, #tpu.memory_space<hbm>> -> memref<128xi32, #tpu.memory_space<hbm>>
      tpu.wait_dma2 semaphore(%arg20 : memref<!tpu.dma_semaphore, #tpu.memory_space<semaphore_mem>>) src(%dma_wait3A_196 : memref<128xi32, #tpu.memory_space<hbm>>) dst(%arg8 : memref<128xi32, #tpu.memory_space<vmem>>)
      %dma_wait3A_197 = arith.constant 0 : i32
      %dma_wait3A_198 = tpu.memref_slice %arg4[%dma_wait3A_197] : memref<320256xi32, #tpu.memory_space<hbm>> -> memref<128xi32, #tpu.memory_space<hbm>>
      %dma_wait3A_199 = arith.constant 0 : i32
      %dma_wait3A_200 = tpu.memref_slice %arg4[%dma_wait3A_199] : memref<320256xi32, #tpu.memory_space<hbm>> -> memref<128xi32, #tpu.memory_space<hbm>>
      tpu.wait_dma2 semaphore(%arg20 : memref<!tpu.dma_semaphore, #tpu.memory_space<semaphore_mem>>) src(%dma_wait3A_200 : memref<128xi32, #tpu.memory_space<hbm>>) dst(%arg9 : memref<128xi32, #tpu.memory_space<vmem>>)
      %dma_start3A_201 = arith.constant 0 : i32
      %dma_start3A_202 = arith.constant 0 : i32
      %dma_start3A_203 = tpu.memref_slice %arg2[%dma_start3A_201, %dma_start3A_202] : memref<10000x128xf32, #tpu.memory_space<hbm>> -> memref<10000x128xf32, #tpu.memory_space<hbm>>
      tpu.enqueue_indirect_dma source(%dma_start3A_203 : memref<10000x128xf32, #tpu.memory_space<hbm>>) target(%arg13 : memref<128x128xf32, #tpu.memory_space<vmem>>) offsets(%arg8 : memref<128xi32, #tpu.memory_space<vmem>>) semaphore(%arg18 : memref<!tpu.dma_semaphore, #tpu.memory_space<semaphore_mem>>)
      %dma_wait3A_204 = arith.constant 0 : i32
      %dma_wait3A_205 = arith.constant 0 : i32
      %dma_wait3A_206 = tpu.memref_slice %arg2[%dma_wait3A_204, %dma_wait3A_205] : memref<10000x128xf32, #tpu.memory_space<hbm>> -> memref<10000x128xf32, #tpu.memory_space<hbm>>
      tpu.wait_indirect_dma semaphore(%arg17 : memref<!tpu.dma_semaphore, #tpu.memory_space<semaphore_mem>>) src(%dma_wait3A_206 : memref<10000x128xf32, #tpu.memory_space<hbm>>) dst(%arg12 : memref<128x128xf32, #tpu.memory_space<vmem>>)
      "tpu.region"() ({
        %run_scoped3A = tpu.sem_alloc : memref<!tpu.dma_semaphore, #tpu.memory_space<semaphore_mem>>
        %dma_start3A_239 = arith.constant 0 : i32
        %dma_start3A_240 = arith.constant 0 : i32
        %dma_start3A_241 = tpu.memref_slice %arg16[%dma_start3A_239, %dma_start3A_240] : memref<10000x128xf32, #tpu.memory_space<vmem_shared>> -> memref<10000x128xf32, #tpu.memory_space<vmem_shared>>
        tpu.enqueue_indirect_dma source(%arg12 : memref<128x128xf32, #tpu.memory_space<vmem>>) target(%dma_start3A_241 : memref<10000x128xf32, #tpu.memory_space<vmem_shared>>) offsets(%arg7 : memref<128xi32, #tpu.memory_space<vmem>>) semaphore(%run_scoped3A : memref<!tpu.dma_semaphore, #tpu.memory_space<semaphore_mem>>) {add = true}
        %dma_wait3A_242 = arith.constant 0 : i32
        %dma_wait3A_243 = arith.constant 0 : i32
        %dma_wait3A_244 = tpu.memref_slice %arg16[%dma_wait3A_242, %dma_wait3A_243] : memref<10000x128xf32, #tpu.memory_space<vmem_shared>> -> memref<10000x128xf32, #tpu.memory_space<vmem_shared>>
        tpu.wait_indirect_dma semaphore(%run_scoped3A : memref<!tpu.dma_semaphore, #tpu.memory_space<semaphore_mem>>) src(%arg12 : memref<128x128xf32, #tpu.memory_space<vmem>>) dst(%dma_wait3A_244 : memref<10000x128xf32, #tpu.memory_space<vmem_shared>>)
        tpu.yield
      }) : () -> ()
      %add3A_207 = arith.constant 2 : i32
      %add3A_208 = arith.addi %add3A_192, %add3A_207 : i32
      %mul3A_209 = arith.constant 128 : i32
      %mul3A_210 = arith.muli %add3A_208, %mul3A_209 : i32
      %add3A_211 = arith.addi %mul3A_2, %mul3A_210 : i32
      %dma_start3A_212 = tpu.memref_slice %arg3[%add3A_211] : memref<320256xi32, #tpu.memory_space<hbm>> -> memref<128xi32, #tpu.memory_space<hbm>>
      %dma_start3A_213 = tpu.memref_slice %arg3[%add3A_211] : memref<320256xi32, #tpu.memory_space<hbm>> -> memref<128xi32, #tpu.memory_space<hbm>>
      tpu.enqueue_dma source(%dma_start3A_213 : memref<128xi32, #tpu.memory_space<hbm>>) target(%arg6 : memref<128xi32, #tpu.memory_space<vmem>>) target_semaphore(%arg19 : memref<!tpu.dma_semaphore, #tpu.memory_space<semaphore_mem>>)
      %dma_start3A_214 = tpu.memref_slice %arg4[%add3A_211] : memref<320256xi32, #tpu.memory_space<hbm>> -> memref<128xi32, #tpu.memory_space<hbm>>
      %dma_start3A_215 = tpu.memref_slice %arg4[%add3A_211] : memref<320256xi32, #tpu.memory_space<hbm>> -> memref<128xi32, #tpu.memory_space<hbm>>
      tpu.enqueue_dma source(%dma_start3A_215 : memref<128xi32, #tpu.memory_space<hbm>>) target(%arg7 : memref<128xi32, #tpu.memory_space<vmem>>) target_semaphore(%arg19 : memref<!tpu.dma_semaphore, #tpu.memory_space<semaphore_mem>>)
      %dma_wait3A_216 = arith.constant 0 : i32
      %dma_wait3A_217 = arith.constant 0 : i32
      %dma_wait3A_218 = tpu.memref_slice %arg2[%dma_wait3A_216, %dma_wait3A_217] : memref<10000x128xf32, #tpu.memory_space<hbm>> -> memref<10000x128xf32, #tpu.memory_space<hbm>>
      tpu.wait_indirect_dma semaphore(%arg18 : memref<!tpu.dma_semaphore, #tpu.memory_space<semaphore_mem>>) src(%dma_wait3A_218 : memref<10000x128xf32, #tpu.memory_space<hbm>>) dst(%arg13 : memref<128x128xf32, #tpu.memory_space<vmem>>)
      "tpu.region"() ({
        %run_scoped3A = tpu.sem_alloc : memref<!tpu.dma_semaphore, #tpu.memory_space<semaphore_mem>>
        %dma_start3A_239 = arith.constant 0 : i32
        %dma_start3A_240 = arith.constant 0 : i32
        %dma_start3A_241 = tpu.memref_slice %arg16[%dma_start3A_239, %dma_start3A_240] : memref<10000x128xf32, #tpu.memory_space<vmem_shared>> -> memref<10000x128xf32, #tpu.memory_space<vmem_shared>>
        tpu.enqueue_indirect_dma source(%arg13 : memref<128x128xf32, #tpu.memory_space<vmem>>) target(%dma_start3A_241 : memref<10000x128xf32, #tpu.memory_space<vmem_shared>>) offsets(%arg9 : memref<128xi32, #tpu.memory_space<vmem>>) semaphore(%run_scoped3A : memref<!tpu.dma_semaphore, #tpu.memory_space<semaphore_mem>>) {add = true}
        %dma_wait3A_242 = arith.constant 0 : i32
        %dma_wait3A_243 = arith.constant 0 : i32
        %dma_wait3A_244 = tpu.memref_slice %arg16[%dma_wait3A_242, %dma_wait3A_243] : memref<10000x128xf32, #tpu.memory_space<vmem_shared>> -> memref<10000x128xf32, #tpu.memory_space<vmem_shared>>
        tpu.wait_indirect_dma semaphore(%run_scoped3A : memref<!tpu.dma_semaphore, #tpu.memory_space<semaphore_mem>>) src(%arg13 : memref<128x128xf32, #tpu.memory_space<vmem>>) dst(%dma_wait3A_244 : memref<10000x128xf32, #tpu.memory_space<vmem_shared>>)
        tpu.yield
      }) : () -> ()
      %add3A_219 = arith.constant 3 : i32
      %add3A_220 = arith.addi %add3A_192, %add3A_219 : i32
      %mul3A_221 = arith.constant 128 : i32
      %mul3A_222 = arith.muli %add3A_220, %mul3A_221 : i32
      %add3A_223 = arith.addi %mul3A_2, %mul3A_222 : i32
      %dma_start3A_224 = tpu.memref_slice %arg3[%add3A_223] : memref<320256xi32, #tpu.memory_space<hbm>> -> memref<128xi32, #tpu.memory_space<hbm>>
      %dma_start3A_225 = tpu.memref_slice %arg3[%add3A_223] : memref<320256xi32, #tpu.memory_space<hbm>> -> memref<128xi32, #tpu.memory_space<hbm>>
      tpu.enqueue_dma source(%dma_start3A_225 : memref<128xi32, #tpu.memory_space<hbm>>) target(%arg8 : memref<128xi32, #tpu.memory_space<vmem>>) target_semaphore(%arg20 : memref<!tpu.dma_semaphore, #tpu.memory_space<semaphore_mem>>)
      %dma_start3A_226 = tpu.memref_slice %arg4[%add3A_223] : memref<320256xi32, #tpu.memory_space<hbm>> -> memref<128xi32, #tpu.memory_space<hbm>>
      %dma_start3A_227 = tpu.memref_slice %arg4[%add3A_223] : memref<320256xi32, #tpu.memory_space<hbm>> -> memref<128xi32, #tpu.memory_space<hbm>>
      tpu.enqueue_dma source(%dma_start3A_227 : memref<128xi32, #tpu.memory_space<hbm>>) target(%arg9 : memref<128xi32, #tpu.memory_space<vmem>>) target_semaphore(%arg20 : memref<!tpu.dma_semaphore, #tpu.memory_space<semaphore_mem>>)
      %dma_wait3A_228 = arith.constant 0 : i32
      %dma_wait3A_229 = tpu.memref_slice %arg3[%dma_wait3A_228] : memref<320256xi32, #tpu.memory_space<hbm>> -> memref<128xi32, #tpu.memory_space<hbm>>
      %dma_wait3A_230 = arith.constant 0 : i32
      %dma_wait3A_231 = tpu.memref_slice %arg3[%dma_wait3A_230] : memref<320256xi32, #tpu.memory_space<hbm>> -> memref<128xi32, #tpu.memory_space<hbm>>
      tpu.wait_dma2 semaphore(%arg19 : memref<!tpu.dma_semaphore, #tpu.memory_space<semaphore_mem>>) src(%dma_wait3A_231 : memref<128xi32, #tpu.memory_space<hbm>>) dst(%arg6 : memref<128xi32, #tpu.memory_space<vmem>>)
      %dma_wait3A_232 = arith.constant 0 : i32
      %dma_wait3A_233 = tpu.memref_slice %arg4[%dma_wait3A_232] : memref<320256xi32, #tpu.memory_space<hbm>> -> memref<128xi32, #tpu.memory_space<hbm>>
      %dma_wait3A_234 = arith.constant 0 : i32
      %dma_wait3A_235 = tpu.memref_slice %arg4[%dma_wait3A_234] : memref<320256xi32, #tpu.memory_space<hbm>> -> memref<128xi32, #tpu.memory_space<hbm>>
      tpu.wait_dma2 semaphore(%arg19 : memref<!tpu.dma_semaphore, #tpu.memory_space<semaphore_mem>>) src(%dma_wait3A_235 : memref<128xi32, #tpu.memory_space<hbm>>) dst(%arg7 : memref<128xi32, #tpu.memory_space<vmem>>)
      %dma_start3A_236 = arith.constant 0 : i32
      %dma_start3A_237 = arith.constant 0 : i32
      %dma_start3A_238 = tpu.memref_slice %arg2[%dma_start3A_236, %dma_start3A_237] : memref<10000x128xf32, #tpu.memory_space<hbm>> -> memref<10000x128xf32, #tpu.memory_space<hbm>>
      tpu.enqueue_indirect_dma source(%dma_start3A_238 : memref<10000x128xf32, #tpu.memory_space<hbm>>) target(%arg12 : memref<128x128xf32, #tpu.memory_space<vmem>>) offsets(%arg6 : memref<128xi32, #tpu.memory_space<vmem>>) semaphore(%arg17 : memref<!tpu.dma_semaphore, #tpu.memory_space<semaphore_mem>>)
    }
    %scan3A_101 = arith.constant 39 : i32
    %dma_wait3A_102 = arith.constant 0 : i32
    %dma_wait3A_103 = arith.constant 0 : i32
    %dma_wait3A_104 = tpu.memref_slice %arg2[%dma_wait3A_102, %dma_wait3A_103] : memref<10000x128xf32, #tpu.memory_space<hbm>> -> memref<10000x128xf32, #tpu.memory_space<hbm>>
    tpu.wait_indirect_dma semaphore(%arg17 : memref<!tpu.dma_semaphore, #tpu.memory_space<semaphore_mem>>) src(%dma_wait3A_104 : memref<10000x128xf32, #tpu.memory_space<hbm>>) dst(%arg12 : memref<128x128xf32, #tpu.memory_space<vmem>>)
    %dma_wait3A_105 = arith.constant 0 : i32
    %dma_wait3A_106 = tpu.memref_slice %arg3[%dma_wait3A_105] : memref<320256xi32, #tpu.memory_space<hbm>> -> memref<128xi32, #tpu.memory_space<hbm>>
    %dma_wait3A_107 = arith.constant 0 : i32
    %dma_wait3A_108 = tpu.memref_slice %arg3[%dma_wait3A_107] : memref<320256xi32, #tpu.memory_space<hbm>> -> memref<128xi32, #tpu.memory_space<hbm>>
    tpu.wait_dma2 semaphore(%arg20 : memref<!tpu.dma_semaphore, #tpu.memory_space<semaphore_mem>>) src(%dma_wait3A_108 : memref<128xi32, #tpu.memory_space<hbm>>) dst(%arg8 : memref<128xi32, #tpu.memory_space<vmem>>)
    %dma_wait3A_109 = arith.constant 0 : i32
    %dma_wait3A_110 = tpu.memref_slice %arg4[%dma_wait3A_109] : memref<320256xi32, #tpu.memory_space<hbm>> -> memref<128xi32, #tpu.memory_space<hbm>>
    %dma_wait3A_111 = arith.constant 0 : i32
    %dma_wait3A_112 = tpu.memref_slice %arg4[%dma_wait3A_111] : memref<320256xi32, #tpu.memory_space<hbm>> -> memref<128xi32, #tpu.memory_space<hbm>>
    tpu.wait_dma2 semaphore(%arg20 : memref<!tpu.dma_semaphore, #tpu.memory_space<semaphore_mem>>) src(%dma_wait3A_112 : memref<128xi32, #tpu.memory_space<hbm>>) dst(%arg9 : memref<128xi32, #tpu.memory_space<vmem>>)
    %add3A_113 = arith.constant 9984 : i32
    %add3A_114 = arith.addi %mul3A_2, %add3A_113 : i32
    "tpu.region"() ({
      %run_scoped3A = tpu.sem_alloc : memref<!tpu.dma_semaphore, #tpu.memory_space<semaphore_mem>>
      %dma_start3A_188 = tpu.memref_slice %arg3[%add3A_114] : memref<320256xi32, #tpu.memory_space<hbm>> -> memref<16xi32, #tpu.memory_space<hbm>>
      %dma_start3A_189 = tpu.memref_slice %arg3[%add3A_114] : memref<320256xi32, #tpu.memory_space<hbm>> -> memref<16xi32, #tpu.memory_space<hbm>>
      tpu.enqueue_dma source(%dma_start3A_189 : memref<16xi32, #tpu.memory_space<hbm>>) target(%arg10 : memref<16xi32, #tpu.memory_space<vmem>>) target_semaphore(%run_scoped3A : memref<!tpu.dma_semaphore, #tpu.memory_space<semaphore_mem>>)
      %dma_wait3A_190 = tpu.memref_slice %arg3[%add3A_114] : memref<320256xi32, #tpu.memory_space<hbm>> -> memref<16xi32, #tpu.memory_space<hbm>>
      %dma_wait3A_191 = tpu.memref_slice %arg3[%add3A_114] : memref<320256xi32, #tpu.memory_space<hbm>> -> memref<16xi32, #tpu.memory_space<hbm>>
      tpu.wait_dma2 semaphore(%run_scoped3A : memref<!tpu.dma_semaphore, #tpu.memory_space<semaphore_mem>>) src(%dma_wait3A_191 : memref<16xi32, #tpu.memory_space<hbm>>) dst(%arg10 : memref<16xi32, #tpu.memory_space<vmem>>)
      tpu.yield
    }) : () -> ()
    "tpu.region"() ({
      %run_scoped3A = tpu.sem_alloc : memref<!tpu.dma_semaphore, #tpu.memory_space<semaphore_mem>>
      %dma_start3A_188 = tpu.memref_slice %arg4[%add3A_114] : memref<320256xi32, #tpu.memory_space<hbm>> -> memref<16xi32, #tpu.memory_space<hbm>>
      %dma_start3A_189 = tpu.memref_slice %arg4[%add3A_114] : memref<320256xi32, #tpu.memory_space<hbm>> -> memref<16xi32, #tpu.memory_space<hbm>>
      tpu.enqueue_dma source(%dma_start3A_189 : memref<16xi32, #tpu.memory_space<hbm>>) target(%arg11 : memref<16xi32, #tpu.memory_space<vmem>>) target_semaphore(%run_scoped3A : memref<!tpu.dma_semaphore, #tpu.memory_space<semaphore_mem>>)
      %dma_wait3A_190 = tpu.memref_slice %arg4[%add3A_114] : memref<320256xi32, #tpu.memory_space<hbm>> -> memref<16xi32, #tpu.memory_space<hbm>>
      %dma_wait3A_191 = tpu.memref_slice %arg4[%add3A_114] : memref<320256xi32, #tpu.memory_space<hbm>> -> memref<16xi32, #tpu.memory_space<hbm>>
      tpu.wait_dma2 semaphore(%run_scoped3A : memref<!tpu.dma_semaphore, #tpu.memory_space<semaphore_mem>>) src(%dma_wait3A_191 : memref<16xi32, #tpu.memory_space<hbm>>) dst(%arg11 : memref<16xi32, #tpu.memory_space<vmem>>)
      tpu.yield
    }) : () -> ()
    "tpu.region"() ({
      %run_scoped3A = tpu.sem_alloc : memref<!tpu.dma_semaphore, #tpu.memory_space<semaphore_mem>>
      %dma_start3A_188 = arith.constant 0 : i32
      %dma_start3A_189 = arith.constant 0 : i32
      %dma_start3A_190 = tpu.memref_slice %arg2[%dma_start3A_188, %dma_start3A_189] : memref<10000x128xf32, #tpu.memory_space<hbm>> -> memref<10000x128xf32, #tpu.memory_space<hbm>>
      tpu.enqueue_indirect_dma source(%dma_start3A_190 : memref<10000x128xf32, #tpu.memory_space<hbm>>) target(%arg14 : memref<16x128xf32, #tpu.memory_space<vmem>>) offsets(%arg10 : memref<16xi32, #tpu.memory_space<vmem>>) semaphore(%run_scoped3A : memref<!tpu.dma_semaphore, #tpu.memory_space<semaphore_mem>>)
      %dma_wait3A_191 = arith.constant 0 : i32
      %dma_wait3A_192 = arith.constant 0 : i32
      %dma_wait3A_193 = tpu.memref_slice %arg2[%dma_wait3A_191, %dma_wait3A_192] : memref<10000x128xf32, #tpu.memory_space<hbm>> -> memref<10000x128xf32, #tpu.memory_space<hbm>>
      tpu.wait_indirect_dma semaphore(%run_scoped3A : memref<!tpu.dma_semaphore, #tpu.memory_space<semaphore_mem>>) src(%dma_wait3A_193 : memref<10000x128xf32, #tpu.memory_space<hbm>>) dst(%arg14 : memref<16x128xf32, #tpu.memory_space<vmem>>)
      tpu.yield
    }) : () -> ()
    "tpu.region"() ({
      %run_scoped3A = tpu.sem_alloc : memref<!tpu.dma_semaphore, #tpu.memory_space<semaphore_mem>>
      %dma_start3A_188 = arith.constant 0 : i32
      %dma_start3A_189 = arith.constant 0 : i32
      %dma_start3A_190 = tpu.memref_slice %arg16[%dma_start3A_188, %dma_start3A_189] : memref<10000x128xf32, #tpu.memory_space<vmem_shared>> -> memref<10000x128xf32, #tpu.memory_space<vmem_shared>>
      tpu.enqueue_indirect_dma source(%arg14 : memref<16x128xf32, #tpu.memory_space<vmem>>) target(%dma_start3A_190 : memref<10000x128xf32, #tpu.memory_space<vmem_shared>>) offsets(%arg11 : memref<16xi32, #tpu.memory_space<vmem>>) semaphore(%run_scoped3A : memref<!tpu.dma_semaphore, #tpu.memory_space<semaphore_mem>>) {add = true}
      %dma_wait3A_191 = arith.constant 0 : i32
      %dma_wait3A_192 = arith.constant 0 : i32
      %dma_wait3A_193 = tpu.memref_slice %arg16[%dma_wait3A_191, %dma_wait3A_192] : memref<10000x128xf32, #tpu.memory_space<vmem_shared>> -> memref<10000x128xf32, #tpu.memory_space<vmem_shared>>
      tpu.wait_indirect_dma semaphore(%run_scoped3A : memref<!tpu.dma_semaphore, #tpu.memory_space<semaphore_mem>>) src(%arg14 : memref<16x128xf32, #tpu.memory_space<vmem>>) dst(%dma_wait3A_193 : memref<10000x128xf32, #tpu.memory_space<vmem_shared>>)
      tpu.yield
    }) : () -> ()
    %barrier3A_115 = arith.constant 0 : index
    tpu.barrier barrier_id(%barrier3A_115)
    %mul3A_116 = arith.constant 640 : i32
    %mul3A_117 = arith.muli %arg1, %mul3A_116 : i32
    %add3A_118 = arith.constant 0 : i32
    %add3A_119 = arith.addi %mul3A_117, %add3A_118 : i32
    %lt3A_120 = arith.constant 10000 : i32
    %lt3A_121 = arith.cmpi slt, %add3A_119, %lt3A_120 : i32
    %convert_element_type3A_122 = arith.extui %lt3A_121 : i1 to i32
    %cond3A_123 = arith.constant 0 : i32
    %cond3A_124 = arith.cmpi ne, %convert_element_type3A_122, %cond3A_123 : i32
    scf.if %cond3A_124 {
      "tpu.region"() ({
        %run_scoped3A = tpu.sem_alloc : memref<!tpu.dma_semaphore, #tpu.memory_space<semaphore_mem>>
        %dma_start3A_188 = arith.constant 0 : i32
        %dma_start3A_189 = tpu.memref_slice %arg5[%arg0, %add3A_119, %dma_start3A_188] : memref<2x10000x128xf32, #tpu.memory_space<hbm>> -> memref<1x80x128xf32, #tpu.memory_space<hbm>>
        %dma_start3A_190 = tpu.memref_squeeze %dma_start3A_189 : memref<1x80x128xf32, #tpu.memory_space<hbm>> -> memref<80x128xf32, #tpu.memory_space<hbm>>
        %dma_start3A_191 = arith.constant 0 : i32
        %dma_start3A_192 = tpu.memref_slice %arg16[%add3A_119, %dma_start3A_191] : memref<10000x128xf32, #tpu.memory_space<vmem_shared>> -> memref<80x128xf32, #tpu.memory_space<vmem_shared>>
        tpu.enqueue_dma source(%dma_start3A_192 : memref<80x128xf32, #tpu.memory_space<vmem_shared>>) target(%dma_start3A_190 : memref<80x128xf32, #tpu.memory_space<hbm>>) target_semaphore(%run_scoped3A : memref<!tpu.dma_semaphore, #tpu.memory_space<semaphore_mem>>)
        %dma_wait3A_193 = arith.constant 0 : i32
        %dma_wait3A_194 = tpu.memref_slice %arg5[%arg0, %add3A_119, %dma_wait3A_193] : memref<2x10000x128xf32, #tpu.memory_space<hbm>> -> memref<1x80x128xf32, #tpu.memory_space<hbm>>
        %dma_wait3A_195 = tpu.memref_squeeze %dma_wait3A_194 : memref<1x80x128xf32, #tpu.memory_space<hbm>> -> memref<80x128xf32, #tpu.memory_space<hbm>>
        %dma_wait3A_196 = arith.constant 0 : i32
        %dma_wait3A_197 = tpu.memref_slice %arg16[%add3A_119, %dma_wait3A_196] : memref<10000x128xf32, #tpu.memory_space<vmem_shared>> -> memref<80x128xf32, #tpu.memory_space<vmem_shared>>
        tpu.wait_dma2 semaphore(%run_scoped3A : memref<!tpu.dma_semaphore, #tpu.memory_space<semaphore_mem>>) src(%dma_wait3A_197 : memref<80x128xf32, #tpu.memory_space<vmem_shared>>) dst(%dma_wait3A_195 : memref<80x128xf32, #tpu.memory_space<hbm>>)
        tpu.yield
      }) : () -> ()
    } else {
    }
    %mul3A_125 = arith.constant 640 : i32
    %mul3A_126 = arith.muli %arg1, %mul3A_125 : i32
    %add3A_127 = arith.constant 80 : i32
    %add3A_128 = arith.addi %mul3A_126, %add3A_127 : i32
    %lt3A_129 = arith.constant 10000 : i32
    %lt3A_130 = arith.cmpi slt, %add3A_128, %lt3A_129 : i32
    %convert_element_type3A_131 = arith.extui %lt3A_130 : i1 to i32
    %cond3A_132 = arith.constant 0 : i32
    %cond3A_133 = arith.cmpi ne, %convert_element_type3A_131, %cond3A_132 : i32
    scf.if %cond3A_133 {
      "tpu.region"() ({
        %run_scoped3A = tpu.sem_alloc : memref<!tpu.dma_semaphore, #tpu.memory_space<semaphore_mem>>
        %dma_start3A_188 = arith.constant 0 : i32
        %dma_start3A_189 = tpu.memref_slice %arg5[%arg0, %add3A_128, %dma_start3A_188] : memref<2x10000x128xf32, #tpu.memory_space<hbm>> -> memref<1x80x128xf32, #tpu.memory_space<hbm>>
        %dma_start3A_190 = tpu.memref_squeeze %dma_start3A_189 : memref<1x80x128xf32, #tpu.memory_space<hbm>> -> memref<80x128xf32, #tpu.memory_space<hbm>>
        %dma_start3A_191 = arith.constant 0 : i32
        %dma_start3A_192 = tpu.memref_slice %arg16[%add3A_128, %dma_start3A_191] : memref<10000x128xf32, #tpu.memory_space<vmem_shared>> -> memref<80x128xf32, #tpu.memory_space<vmem_shared>>
        tpu.enqueue_dma source(%dma_start3A_192 : memref<80x128xf32, #tpu.memory_space<vmem_shared>>) target(%dma_start3A_190 : memref<80x128xf32, #tpu.memory_space<hbm>>) target_semaphore(%run_scoped3A : memref<!tpu.dma_semaphore, #tpu.memory_space<semaphore_mem>>)
        %dma_wait3A_193 = arith.constant 0 : i32
        %dma_wait3A_194 = tpu.memref_slice %arg5[%arg0, %add3A_128, %dma_wait3A_193] : memref<2x10000x128xf32, #tpu.memory_space<hbm>> -> memref<1x80x128xf32, #tpu.memory_space<hbm>>
        %dma_wait3A_195 = tpu.memref_squeeze %dma_wait3A_194 : memref<1x80x128xf32, #tpu.memory_space<hbm>> -> memref<80x128xf32, #tpu.memory_space<hbm>>
        %dma_wait3A_196 = arith.constant 0 : i32
        %dma_wait3A_197 = tpu.memref_slice %arg16[%add3A_128, %dma_wait3A_196] : memref<10000x128xf32, #tpu.memory_space<vmem_shared>> -> memref<80x128xf32, #tpu.memory_space<vmem_shared>>
        tpu.wait_dma2 semaphore(%run_scoped3A : memref<!tpu.dma_semaphore, #tpu.memory_space<semaphore_mem>>) src(%dma_wait3A_197 : memref<80x128xf32, #tpu.memory_space<vmem_shared>>) dst(%dma_wait3A_195 : memref<80x128xf32, #tpu.memory_space<hbm>>)
        tpu.yield
      }) : () -> ()
    } else {
    }
    %mul3A_134 = arith.constant 640 : i32
    %mul3A_135 = arith.muli %arg1, %mul3A_134 : i32
    %add3A_136 = arith.constant 160 : i32
    %add3A_137 = arith.addi %mul3A_135, %add3A_136 : i32
    %lt3A_138 = arith.constant 10000 : i32
    %lt3A_139 = arith.cmpi slt, %add3A_137, %lt3A_138 : i32
    %convert_element_type3A_140 = arith.extui %lt3A_139 : i1 to i32
    %cond3A_141 = arith.constant 0 : i32
    %cond3A_142 = arith.cmpi ne, %convert_element_type3A_140, %cond3A_141 : i32
    scf.if %cond3A_142 {
      "tpu.region"() ({
        %run_scoped3A = tpu.sem_alloc : memref<!tpu.dma_semaphore, #tpu.memory_space<semaphore_mem>>
        %dma_start3A_188 = arith.constant 0 : i32
        %dma_start3A_189 = tpu.memref_slice %arg5[%arg0, %add3A_137, %dma_start3A_188] : memref<2x10000x128xf32, #tpu.memory_space<hbm>> -> memref<1x80x128xf32, #tpu.memory_space<hbm>>
        %dma_start3A_190 = tpu.memref_squeeze %dma_start3A_189 : memref<1x80x128xf32, #tpu.memory_space<hbm>> -> memref<80x128xf32, #tpu.memory_space<hbm>>
        %dma_start3A_191 = arith.constant 0 : i32
        %dma_start3A_192 = tpu.memref_slice %arg16[%add3A_137, %dma_start3A_191] : memref<10000x128xf32, #tpu.memory_space<vmem_shared>> -> memref<80x128xf32, #tpu.memory_space<vmem_shared>>
        tpu.enqueue_dma source(%dma_start3A_192 : memref<80x128xf32, #tpu.memory_space<vmem_shared>>) target(%dma_start3A_190 : memref<80x128xf32, #tpu.memory_space<hbm>>) target_semaphore(%run_scoped3A : memref<!tpu.dma_semaphore, #tpu.memory_space<semaphore_mem>>)
        %dma_wait3A_193 = arith.constant 0 : i32
        %dma_wait3A_194 = tpu.memref_slice %arg5[%arg0, %add3A_137, %dma_wait3A_193] : memref<2x10000x128xf32, #tpu.memory_space<hbm>> -> memref<1x80x128xf32, #tpu.memory_space<hbm>>
        %dma_wait3A_195 = tpu.memref_squeeze %dma_wait3A_194 : memref<1x80x128xf32, #tpu.memory_space<hbm>> -> memref<80x128xf32, #tpu.memory_space<hbm>>
        %dma_wait3A_196 = arith.constant 0 : i32
        %dma_wait3A_197 = tpu.memref_slice %arg16[%add3A_137, %dma_wait3A_196] : memref<10000x128xf32, #tpu.memory_space<vmem_shared>> -> memref<80x128xf32, #tpu.memory_space<vmem_shared>>
        tpu.wait_dma2 semaphore(%run_scoped3A : memref<!tpu.dma_semaphore, #tpu.memory_space<semaphore_mem>>) src(%dma_wait3A_197 : memref<80x128xf32, #tpu.memory_space<vmem_shared>>) dst(%dma_wait3A_195 : memref<80x128xf32, #tpu.memory_space<hbm>>)
        tpu.yield
      }) : () -> ()
    } else {
    }
    %mul3A_143 = arith.constant 640 : i32
    %mul3A_144 = arith.muli %arg1, %mul3A_143 : i32
    %add3A_145 = arith.constant 240 : i32
    %add3A_146 = arith.addi %mul3A_144, %add3A_145 : i32
    %lt3A_147 = arith.constant 10000 : i32
    %lt3A_148 = arith.cmpi slt, %add3A_146, %lt3A_147 : i32
    %convert_element_type3A_149 = arith.extui %lt3A_148 : i1 to i32
    %cond3A_150 = arith.constant 0 : i32
    %cond3A_151 = arith.cmpi ne, %convert_element_type3A_149, %cond3A_150 : i32
    scf.if %cond3A_151 {
      "tpu.region"() ({
        %run_scoped3A = tpu.sem_alloc : memref<!tpu.dma_semaphore, #tpu.memory_space<semaphore_mem>>
        %dma_start3A_188 = arith.constant 0 : i32
        %dma_start3A_189 = tpu.memref_slice %arg5[%arg0, %add3A_146, %dma_start3A_188] : memref<2x10000x128xf32, #tpu.memory_space<hbm>> -> memref<1x80x128xf32, #tpu.memory_space<hbm>>
        %dma_start3A_190 = tpu.memref_squeeze %dma_start3A_189 : memref<1x80x128xf32, #tpu.memory_space<hbm>> -> memref<80x128xf32, #tpu.memory_space<hbm>>
        %dma_start3A_191 = arith.constant 0 : i32
        %dma_start3A_192 = tpu.memref_slice %arg16[%add3A_146, %dma_start3A_191] : memref<10000x128xf32, #tpu.memory_space<vmem_shared>> -> memref<80x128xf32, #tpu.memory_space<vmem_shared>>
        tpu.enqueue_dma source(%dma_start3A_192 : memref<80x128xf32, #tpu.memory_space<vmem_shared>>) target(%dma_start3A_190 : memref<80x128xf32, #tpu.memory_space<hbm>>) target_semaphore(%run_scoped3A : memref<!tpu.dma_semaphore, #tpu.memory_space<semaphore_mem>>)
        %dma_wait3A_193 = arith.constant 0 : i32
        %dma_wait3A_194 = tpu.memref_slice %arg5[%arg0, %add3A_146, %dma_wait3A_193] : memref<2x10000x128xf32, #tpu.memory_space<hbm>> -> memref<1x80x128xf32, #tpu.memory_space<hbm>>
        %dma_wait3A_195 = tpu.memref_squeeze %dma_wait3A_194 : memref<1x80x128xf32, #tpu.memory_space<hbm>> -> memref<80x128xf32, #tpu.memory_space<hbm>>
        %dma_wait3A_196 = arith.constant 0 : i32
        %dma_wait3A_197 = tpu.memref_slice %arg16[%add3A_146, %dma_wait3A_196] : memref<10000x128xf32, #tpu.memory_space<vmem_shared>> -> memref<80x128xf32, #tpu.memory_space<vmem_shared>>
        tpu.wait_dma2 semaphore(%run_scoped3A : memref<!tpu.dma_semaphore, #tpu.memory_space<semaphore_mem>>) src(%dma_wait3A_197 : memref<80x128xf32, #tpu.memory_space<vmem_shared>>) dst(%dma_wait3A_195 : memref<80x128xf32, #tpu.memory_space<hbm>>)
        tpu.yield
      }) : () -> ()
    } else {
    }
    %mul3A_152 = arith.constant 640 : i32
    %mul3A_153 = arith.muli %arg1, %mul3A_152 : i32
    %add3A_154 = arith.constant 320 : i32
    %add3A_155 = arith.addi %mul3A_153, %add3A_154 : i32
    %lt3A_156 = arith.constant 10000 : i32
    %lt3A_157 = arith.cmpi slt, %add3A_155, %lt3A_156 : i32
    %convert_element_type3A_158 = arith.extui %lt3A_157 : i1 to i32
    %cond3A_159 = arith.constant 0 : i32
    %cond3A_160 = arith.cmpi ne, %convert_element_type3A_158, %cond3A_159 : i32
    scf.if %cond3A_160 {
      "tpu.region"() ({
        %run_scoped3A = tpu.sem_alloc : memref<!tpu.dma_semaphore, #tpu.memory_space<semaphore_mem>>
        %dma_start3A_188 = arith.constant 0 : i32
        %dma_start3A_189 = tpu.memref_slice %arg5[%arg0, %add3A_155, %dma_start3A_188] : memref<2x10000x128xf32, #tpu.memory_space<hbm>> -> memref<1x80x128xf32, #tpu.memory_space<hbm>>
        %dma_start3A_190 = tpu.memref_squeeze %dma_start3A_189 : memref<1x80x128xf32, #tpu.memory_space<hbm>> -> memref<80x128xf32, #tpu.memory_space<hbm>>
        %dma_start3A_191 = arith.constant 0 : i32
        %dma_start3A_192 = tpu.memref_slice %arg16[%add3A_155, %dma_start3A_191] : memref<10000x128xf32, #tpu.memory_space<vmem_shared>> -> memref<80x128xf32, #tpu.memory_space<vmem_shared>>
        tpu.enqueue_dma source(%dma_start3A_192 : memref<80x128xf32, #tpu.memory_space<vmem_shared>>) target(%dma_start3A_190 : memref<80x128xf32, #tpu.memory_space<hbm>>) target_semaphore(%run_scoped3A : memref<!tpu.dma_semaphore, #tpu.memory_space<semaphore_mem>>)
        %dma_wait3A_193 = arith.constant 0 : i32
        %dma_wait3A_194 = tpu.memref_slice %arg5[%arg0, %add3A_155, %dma_wait3A_193] : memref<2x10000x128xf32, #tpu.memory_space<hbm>> -> memref<1x80x128xf32, #tpu.memory_space<hbm>>
        %dma_wait3A_195 = tpu.memref_squeeze %dma_wait3A_194 : memref<1x80x128xf32, #tpu.memory_space<hbm>> -> memref<80x128xf32, #tpu.memory_space<hbm>>
        %dma_wait3A_196 = arith.constant 0 : i32
        %dma_wait3A_197 = tpu.memref_slice %arg16[%add3A_155, %dma_wait3A_196] : memref<10000x128xf32, #tpu.memory_space<vmem_shared>> -> memref<80x128xf32, #tpu.memory_space<vmem_shared>>
        tpu.wait_dma2 semaphore(%run_scoped3A : memref<!tpu.dma_semaphore, #tpu.memory_space<semaphore_mem>>) src(%dma_wait3A_197 : memref<80x128xf32, #tpu.memory_space<vmem_shared>>) dst(%dma_wait3A_195 : memref<80x128xf32, #tpu.memory_space<hbm>>)
        tpu.yield
      }) : () -> ()
    } else {
    }
    %mul3A_161 = arith.constant 640 : i32
    %mul3A_162 = arith.muli %arg1, %mul3A_161 : i32
    %add3A_163 = arith.constant 400 : i32
    %add3A_164 = arith.addi %mul3A_162, %add3A_163 : i32
    %lt3A_165 = arith.constant 10000 : i32
    %lt3A_166 = arith.cmpi slt, %add3A_164, %lt3A_165 : i32
    %convert_element_type3A_167 = arith.extui %lt3A_166 : i1 to i32
    %cond3A_168 = arith.constant 0 : i32
    %cond3A_169 = arith.cmpi ne, %convert_element_type3A_167, %cond3A_168 : i32
    scf.if %cond3A_169 {
      "tpu.region"() ({
        %run_scoped3A = tpu.sem_alloc : memref<!tpu.dma_semaphore, #tpu.memory_space<semaphore_mem>>
        %dma_start3A_188 = arith.constant 0 : i32
        %dma_start3A_189 = tpu.memref_slice %arg5[%arg0, %add3A_164, %dma_start3A_188] : memref<2x10000x128xf32, #tpu.memory_space<hbm>> -> memref<1x80x128xf32, #tpu.memory_space<hbm>>
        %dma_start3A_190 = tpu.memref_squeeze %dma_start3A_189 : memref<1x80x128xf32, #tpu.memory_space<hbm>> -> memref<80x128xf32, #tpu.memory_space<hbm>>
        %dma_start3A_191 = arith.constant 0 : i32
        %dma_start3A_192 = tpu.memref_slice %arg16[%add3A_164, %dma_start3A_191] : memref<10000x128xf32, #tpu.memory_space<vmem_shared>> -> memref<80x128xf32, #tpu.memory_space<vmem_shared>>
        tpu.enqueue_dma source(%dma_start3A_192 : memref<80x128xf32, #tpu.memory_space<vmem_shared>>) target(%dma_start3A_190 : memref<80x128xf32, #tpu.memory_space<hbm>>) target_semaphore(%run_scoped3A : memref<!tpu.dma_semaphore, #tpu.memory_space<semaphore_mem>>)
        %dma_wait3A_193 = arith.constant 0 : i32
        %dma_wait3A_194 = tpu.memref_slice %arg5[%arg0, %add3A_164, %dma_wait3A_193] : memref<2x10000x128xf32, #tpu.memory_space<hbm>> -> memref<1x80x128xf32, #tpu.memory_space<hbm>>
        %dma_wait3A_195 = tpu.memref_squeeze %dma_wait3A_194 : memref<1x80x128xf32, #tpu.memory_space<hbm>> -> memref<80x128xf32, #tpu.memory_space<hbm>>
        %dma_wait3A_196 = arith.constant 0 : i32
        %dma_wait3A_197 = tpu.memref_slice %arg16[%add3A_164, %dma_wait3A_196] : memref<10000x128xf32, #tpu.memory_space<vmem_shared>> -> memref<80x128xf32, #tpu.memory_space<vmem_shared>>
        tpu.wait_dma2 semaphore(%run_scoped3A : memref<!tpu.dma_semaphore, #tpu.memory_space<semaphore_mem>>) src(%dma_wait3A_197 : memref<80x128xf32, #tpu.memory_space<vmem_shared>>) dst(%dma_wait3A_195 : memref<80x128xf32, #tpu.memory_space<hbm>>)
        tpu.yield
      }) : () -> ()
    } else {
    }
    %mul3A_170 = arith.constant 640 : i32
    %mul3A_171 = arith.muli %arg1, %mul3A_170 : i32
    %add3A_172 = arith.constant 480 : i32
    %add3A_173 = arith.addi %mul3A_171, %add3A_172 : i32
    %lt3A_174 = arith.constant 10000 : i32
    %lt3A_175 = arith.cmpi slt, %add3A_173, %lt3A_174 : i32
    %convert_element_type3A_176 = arith.extui %lt3A_175 : i1 to i32
    %cond3A_177 = arith.constant 0 : i32
    %cond3A_178 = arith.cmpi ne, %convert_element_type3A_176, %cond3A_177 : i32
    scf.if %cond3A_178 {
      "tpu.region"() ({
        %run_scoped3A = tpu.sem_alloc : memref<!tpu.dma_semaphore, #tpu.memory_space<semaphore_mem>>
        %dma_start3A_188 = arith.constant 0 : i32
        %dma_start3A_189 = tpu.memref_slice %arg5[%arg0, %add3A_173, %dma_start3A_188] : memref<2x10000x128xf32, #tpu.memory_space<hbm>> -> memref<1x80x128xf32, #tpu.memory_space<hbm>>
        %dma_start3A_190 = tpu.memref_squeeze %dma_start3A_189 : memref<1x80x128xf32, #tpu.memory_space<hbm>> -> memref<80x128xf32, #tpu.memory_space<hbm>>
        %dma_start3A_191 = arith.constant 0 : i32
        %dma_start3A_192 = tpu.memref_slice %arg16[%add3A_173, %dma_start3A_191] : memref<10000x128xf32, #tpu.memory_space<vmem_shared>> -> memref<80x128xf32, #tpu.memory_space<vmem_shared>>
        tpu.enqueue_dma source(%dma_start3A_192 : memref<80x128xf32, #tpu.memory_space<vmem_shared>>) target(%dma_start3A_190 : memref<80x128xf32, #tpu.memory_space<hbm>>) target_semaphore(%run_scoped3A : memref<!tpu.dma_semaphore, #tpu.memory_space<semaphore_mem>>)
        %dma_wait3A_193 = arith.constant 0 : i32
        %dma_wait3A_194 = tpu.memref_slice %arg5[%arg0, %add3A_173, %dma_wait3A_193] : memref<2x10000x128xf32, #tpu.memory_space<hbm>> -> memref<1x80x128xf32, #tpu.memory_space<hbm>>
        %dma_wait3A_195 = tpu.memref_squeeze %dma_wait3A_194 : memref<1x80x128xf32, #tpu.memory_space<hbm>> -> memref<80x128xf32, #tpu.memory_space<hbm>>
        %dma_wait3A_196 = arith.constant 0 : i32
        %dma_wait3A_197 = tpu.memref_slice %arg16[%add3A_173, %dma_wait3A_196] : memref<10000x128xf32, #tpu.memory_space<vmem_shared>> -> memref<80x128xf32, #tpu.memory_space<vmem_shared>>
        tpu.wait_dma2 semaphore(%run_scoped3A : memref<!tpu.dma_semaphore, #tpu.memory_space<semaphore_mem>>) src(%dma_wait3A_197 : memref<80x128xf32, #tpu.memory_space<vmem_shared>>) dst(%dma_wait3A_195 : memref<80x128xf32, #tpu.memory_space<hbm>>)
        tpu.yield
      }) : () -> ()
    } else {
    }
    %mul3A_179 = arith.constant 640 : i32
    %mul3A_180 = arith.muli %arg1, %mul3A_179 : i32
    %add3A_181 = arith.constant 560 : i32
    %add3A_182 = arith.addi %mul3A_180, %add3A_181 : i32
    %lt3A_183 = arith.constant 10000 : i32
    %lt3A_184 = arith.cmpi slt, %add3A_182, %lt3A_183 : i32
    %convert_element_type3A_185 = arith.extui %lt3A_184 : i1 to i32
    %cond3A_186 = arith.constant 0 : i32
    %cond3A_187 = arith.cmpi ne, %convert_element_type3A_185, %cond3A_186 : i32
    scf.if %cond3A_187 {
      "tpu.region"() ({
        %run_scoped3A = tpu.sem_alloc : memref<!tpu.dma_semaphore, #tpu.memory_space<semaphore_mem>>
        %dma_start3A_188 = arith.constant 0 : i32
        %dma_start3A_189 = tpu.memref_slice %arg5[%arg0, %add3A_182, %dma_start3A_188] : memref<2x10000x128xf32, #tpu.memory_space<hbm>> -> memref<1x80x128xf32, #tpu.memory_space<hbm>>
        %dma_start3A_190 = tpu.memref_squeeze %dma_start3A_189 : memref<1x80x128xf32, #tpu.memory_space<hbm>> -> memref<80x128xf32, #tpu.memory_space<hbm>>
        %dma_start3A_191 = arith.constant 0 : i32
        %dma_start3A_192 = tpu.memref_slice %arg16[%add3A_182, %dma_start3A_191] : memref<10000x128xf32, #tpu.memory_space<vmem_shared>> -> memref<80x128xf32, #tpu.memory_space<vmem_shared>>
        tpu.enqueue_dma source(%dma_start3A_192 : memref<80x128xf32, #tpu.memory_space<vmem_shared>>) target(%dma_start3A_190 : memref<80x128xf32, #tpu.memory_space<hbm>>) target_semaphore(%run_scoped3A : memref<!tpu.dma_semaphore, #tpu.memory_space<semaphore_mem>>)
        %dma_wait3A_193 = arith.constant 0 : i32
        %dma_wait3A_194 = tpu.memref_slice %arg5[%arg0, %add3A_182, %dma_wait3A_193] : memref<2x10000x128xf32, #tpu.memory_space<hbm>> -> memref<1x80x128xf32, #tpu.memory_space<hbm>>
        %dma_wait3A_195 = tpu.memref_squeeze %dma_wait3A_194 : memref<1x80x128xf32, #tpu.memory_space<hbm>> -> memref<80x128xf32, #tpu.memory_space<hbm>>
        %dma_wait3A_196 = arith.constant 0 : i32
        %dma_wait3A_197 = tpu.memref_slice %arg16[%add3A_182, %dma_wait3A_196] : memref<10000x128xf32, #tpu.memory_space<vmem_shared>> -> memref<80x128xf32, #tpu.memory_space<vmem_shared>>
        tpu.wait_dma2 semaphore(%run_scoped3A : memref<!tpu.dma_semaphore, #tpu.memory_space<semaphore_mem>>) src(%dma_wait3A_197 : memref<80x128xf32, #tpu.memory_space<vmem_shared>>) dst(%dma_wait3A_195 : memref<80x128xf32, #tpu.memory_space<hbm>>)
        tpu.yield
      }) : () -> ()
    } else {
    }
    return
  }
}

#map = affine_map<(d0, d1) -> (0)>
#map1 = affine_map<(d0, d1) -> (0, 0, 0)>
module attributes {stable_mosaic.version = 14 : i64} {
  func.func @_sc_deg_body(%arg0: i32, %arg1: i32, %arg2: memref<320000xi32, #tpu.memory_space<hbm>>, %arg3: memref<2x10000x128xf32, #tpu.memory_space<hbm>>, %arg4: memref<128xi32, #tpu.memory_space<vmem>>, %arg5: memref<128xi32, #tpu.memory_space<vmem>>, %arg6: memref<16xi32, #tpu.memory_space<vmem>>, %arg7: memref<128x128xf32, #tpu.memory_space<vmem>>, %arg8: memref<80x128xf32, #tpu.memory_space<vmem>>, %arg9: memref<10000x128xf32, #tpu.memory_space<vmem_shared>>, %arg10: memref<!tpu.dma_semaphore, #tpu.memory_space<semaphore_mem>>, %arg11: memref<!tpu.dma_semaphore, #tpu.memory_space<semaphore_mem>>) attributes {dimension_semantics = [#tpu.dimension_semantics<core_parallel>, #tpu.dimension_semantics<subcore_parallel>], iteration_bounds = array<i64: 2, 16>, scalar_prefetch = 0 : i64, scratch_operands = 8 : i64, tpu.core_type = #tpu.core_type<sc_vector_subcore>, window_params = [{transform_indices = #map}, {transform_indices = #map1}]} {
    %mul3A = arith.constant 16 : i32
    %mul3A_0 = arith.muli %arg0, %mul3A : i32
    %add3A = arith.addi %mul3A_0, %arg1 : i32
    %mul3A_1 = arith.constant 10000 : i32
    %mul3A_2 = arith.muli %add3A, %mul3A_1 : i32
    %scan3A = arith.constant 0 : i32
    %scan3A_3 = arith.constant 80 : i32
    %scan3A_4 = arith.addi %scan3A, %scan3A_3 : i32
    %scan3A_5 = arith.constant 1 : i32
    scf.for %scan3A_175 = %scan3A to %scan3A_4 step %scan3A_5  : i32 {
      %mul3A_176 = arith.constant 1 : i32
      %mul3A_177 = arith.muli %scan3A_175, %mul3A_176 : i32
      %add3A_178 = arith.constant 0 : i32
      %add3A_179 = arith.addi %add3A_178, %mul3A_177 : i32
      %scan3A_180 = arith.constant 0 : i32
      %scan3A_181 = arith.constant 8 : i32
      %scan3A_182 = arith.addi %scan3A_180, %scan3A_181 : i32
      %scan3A_183 = arith.constant 1 : i32
      scf.for %scan3A_185 = %scan3A_180 to %scan3A_182 step %scan3A_183  : i32 {
        %mul3A_186 = arith.constant 16 : i32
        %mul3A_187 = arith.muli %scan3A_185, %mul3A_186 : i32
        %add3A_188 = arith.constant 0 : i32
        %add3A_189 = arith.addi %add3A_188, %mul3A_187 : i32
        %broadcast_in_dim3A = arith.constant 0.000000e+00 : f32
        %broadcast_in_dim3A_190 = vector.broadcast %broadcast_in_dim3A : f32 to vector<1x16xf32>
        %swap3A = arith.index_cast %add3A_179 : i32 to index
        %swap3A_191 = arith.index_cast %add3A_189 : i32 to index
        %swap3A_192 = tpu.vector_load %arg8[%swap3A, %swap3A_191] {strides = array<i32>} : memref<80x128xf32, #tpu.memory_space<vmem>>, vector<1x16xf32>,
        %swap3A_193 = vector.shape_cast %swap3A_192 : vector<1x16xf32> to vector<1x16xf32>
        %swap3A_194 = vector.shape_cast %broadcast_in_dim3A_190 : vector<1x16xf32> to vector<1x16xf32>
        tpu.vector_store %arg8[%swap3A, %swap3A_191], %swap3A_194 {strides = array<i32>} : memref<80x128xf32, #tpu.memory_space<vmem>>, vector<1x16xf32>,
      }
      %scan3A_184 = arith.constant 8 : i32
    }
    %scan3A_6 = arith.constant 80 : i32
    %mul3A_7 = arith.constant 640 : i32
    %mul3A_8 = arith.muli %arg1, %mul3A_7 : i32
    %add3A_9 = arith.constant 0 : i32
    %add3A_10 = arith.addi %mul3A_8, %add3A_9 : i32
    %lt3A = arith.constant 10000 : i32
    %lt3A_11 = arith.cmpi slt, %add3A_10, %lt3A : i32
    %convert_element_type3A = arith.extui %lt3A_11 : i1 to i32
    %cond3A = arith.constant 0 : i32
    %cond3A_12 = arith.cmpi ne, %convert_element_type3A, %cond3A : i32
    scf.if %cond3A_12 {
      "tpu.region"() ({
        %run_scoped3A = tpu.sem_alloc : memref<!tpu.dma_semaphore, #tpu.memory_space<semaphore_mem>>
        %dma_start3A_175 = arith.constant 0 : i32
        %dma_start3A_176 = tpu.memref_slice %arg9[%add3A_10, %dma_start3A_175] : memref<10000x128xf32, #tpu.memory_space<vmem_shared>> -> memref<80x128xf32, #tpu.memory_space<vmem_shared>>
        %dma_start3A_177 = arith.constant 0 : i32
        %dma_start3A_178 = tpu.memref_slice %arg9[%add3A_10, %dma_start3A_177] : memref<10000x128xf32, #tpu.memory_space<vmem_shared>> -> memref<80x128xf32, #tpu.memory_space<vmem_shared>>
        tpu.enqueue_dma source(%arg8 : memref<80x128xf32, #tpu.memory_space<vmem>>) target(%dma_start3A_178 : memref<80x128xf32, #tpu.memory_space<vmem_shared>>) target_semaphore(%run_scoped3A : memref<!tpu.dma_semaphore, #tpu.memory_space<semaphore_mem>>)
        %dma_wait3A_179 = arith.constant 0 : i32
        %dma_wait3A_180 = tpu.memref_slice %arg9[%add3A_10, %dma_wait3A_179] : memref<10000x128xf32, #tpu.memory_space<vmem_shared>> -> memref<80x128xf32, #tpu.memory_space<vmem_shared>>
        %dma_wait3A_181 = arith.constant 0 : i32
        %dma_wait3A_182 = tpu.memref_slice %arg9[%add3A_10, %dma_wait3A_181] : memref<10000x128xf32, #tpu.memory_space<vmem_shared>> -> memref<80x128xf32, #tpu.memory_space<vmem_shared>>
        tpu.wait_dma2 semaphore(%run_scoped3A : memref<!tpu.dma_semaphore, #tpu.memory_space<semaphore_mem>>) src(%arg8 : memref<80x128xf32, #tpu.memory_space<vmem>>) dst(%dma_wait3A_182 : memref<80x128xf32, #tpu.memory_space<vmem_shared>>)
        tpu.yield
      }) : () -> ()
    } else {
    }
    %mul3A_13 = arith.constant 640 : i32
    %mul3A_14 = arith.muli %arg1, %mul3A_13 : i32
    %add3A_15 = arith.constant 80 : i32
    %add3A_16 = arith.addi %mul3A_14, %add3A_15 : i32
    %lt3A_17 = arith.constant 10000 : i32
    %lt3A_18 = arith.cmpi slt, %add3A_16, %lt3A_17 : i32
    %convert_element_type3A_19 = arith.extui %lt3A_18 : i1 to i32
    %cond3A_20 = arith.constant 0 : i32
    %cond3A_21 = arith.cmpi ne, %convert_element_type3A_19, %cond3A_20 : i32
    scf.if %cond3A_21 {
      "tpu.region"() ({
        %run_scoped3A = tpu.sem_alloc : memref<!tpu.dma_semaphore, #tpu.memory_space<semaphore_mem>>
        %dma_start3A_175 = arith.constant 0 : i32
        %dma_start3A_176 = tpu.memref_slice %arg9[%add3A_16, %dma_start3A_175] : memref<10000x128xf32, #tpu.memory_space<vmem_shared>> -> memref<80x128xf32, #tpu.memory_space<vmem_shared>>
        %dma_start3A_177 = arith.constant 0 : i32
        %dma_start3A_178 = tpu.memref_slice %arg9[%add3A_16, %dma_start3A_177] : memref<10000x128xf32, #tpu.memory_space<vmem_shared>> -> memref<80x128xf32, #tpu.memory_space<vmem_shared>>
        tpu.enqueue_dma source(%arg8 : memref<80x128xf32, #tpu.memory_space<vmem>>) target(%dma_start3A_178 : memref<80x128xf32, #tpu.memory_space<vmem_shared>>) target_semaphore(%run_scoped3A : memref<!tpu.dma_semaphore, #tpu.memory_space<semaphore_mem>>)
        %dma_wait3A_179 = arith.constant 0 : i32
        %dma_wait3A_180 = tpu.memref_slice %arg9[%add3A_16, %dma_wait3A_179] : memref<10000x128xf32, #tpu.memory_space<vmem_shared>> -> memref<80x128xf32, #tpu.memory_space<vmem_shared>>
        %dma_wait3A_181 = arith.constant 0 : i32
        %dma_wait3A_182 = tpu.memref_slice %arg9[%add3A_16, %dma_wait3A_181] : memref<10000x128xf32, #tpu.memory_space<vmem_shared>> -> memref<80x128xf32, #tpu.memory_space<vmem_shared>>
        tpu.wait_dma2 semaphore(%run_scoped3A : memref<!tpu.dma_semaphore, #tpu.memory_space<semaphore_mem>>) src(%arg8 : memref<80x128xf32, #tpu.memory_space<vmem>>) dst(%dma_wait3A_182 : memref<80x128xf32, #tpu.memory_space<vmem_shared>>)
        tpu.yield
      }) : () -> ()
    } else {
    }
    %mul3A_22 = arith.constant 640 : i32
    %mul3A_23 = arith.muli %arg1, %mul3A_22 : i32
    %add3A_24 = arith.constant 160 : i32
    %add3A_25 = arith.addi %mul3A_23, %add3A_24 : i32
    %lt3A_26 = arith.constant 10000 : i32
    %lt3A_27 = arith.cmpi slt, %add3A_25, %lt3A_26 : i32
    %convert_element_type3A_28 = arith.extui %lt3A_27 : i1 to i32
    %cond3A_29 = arith.constant 0 : i32
    %cond3A_30 = arith.cmpi ne, %convert_element_type3A_28, %cond3A_29 : i32
    scf.if %cond3A_30 {
      "tpu.region"() ({
        %run_scoped3A = tpu.sem_alloc : memref<!tpu.dma_semaphore, #tpu.memory_space<semaphore_mem>>
        %dma_start3A_175 = arith.constant 0 : i32
        %dma_start3A_176 = tpu.memref_slice %arg9[%add3A_25, %dma_start3A_175] : memref<10000x128xf32, #tpu.memory_space<vmem_shared>> -> memref<80x128xf32, #tpu.memory_space<vmem_shared>>
        %dma_start3A_177 = arith.constant 0 : i32
        %dma_start3A_178 = tpu.memref_slice %arg9[%add3A_25, %dma_start3A_177] : memref<10000x128xf32, #tpu.memory_space<vmem_shared>> -> memref<80x128xf32, #tpu.memory_space<vmem_shared>>
        tpu.enqueue_dma source(%arg8 : memref<80x128xf32, #tpu.memory_space<vmem>>) target(%dma_start3A_178 : memref<80x128xf32, #tpu.memory_space<vmem_shared>>) target_semaphore(%run_scoped3A : memref<!tpu.dma_semaphore, #tpu.memory_space<semaphore_mem>>)
        %dma_wait3A_179 = arith.constant 0 : i32
        %dma_wait3A_180 = tpu.memref_slice %arg9[%add3A_25, %dma_wait3A_179] : memref<10000x128xf32, #tpu.memory_space<vmem_shared>> -> memref<80x128xf32, #tpu.memory_space<vmem_shared>>
        %dma_wait3A_181 = arith.constant 0 : i32
        %dma_wait3A_182 = tpu.memref_slice %arg9[%add3A_25, %dma_wait3A_181] : memref<10000x128xf32, #tpu.memory_space<vmem_shared>> -> memref<80x128xf32, #tpu.memory_space<vmem_shared>>
        tpu.wait_dma2 semaphore(%run_scoped3A : memref<!tpu.dma_semaphore, #tpu.memory_space<semaphore_mem>>) src(%arg8 : memref<80x128xf32, #tpu.memory_space<vmem>>) dst(%dma_wait3A_182 : memref<80x128xf32, #tpu.memory_space<vmem_shared>>)
        tpu.yield
      }) : () -> ()
    } else {
    }
    %mul3A_31 = arith.constant 640 : i32
    %mul3A_32 = arith.muli %arg1, %mul3A_31 : i32
    %add3A_33 = arith.constant 240 : i32
    %add3A_34 = arith.addi %mul3A_32, %add3A_33 : i32
    %lt3A_35 = arith.constant 10000 : i32
    %lt3A_36 = arith.cmpi slt, %add3A_34, %lt3A_35 : i32
    %convert_element_type3A_37 = arith.extui %lt3A_36 : i1 to i32
    %cond3A_38 = arith.constant 0 : i32
    %cond3A_39 = arith.cmpi ne, %convert_element_type3A_37, %cond3A_38 : i32
    scf.if %cond3A_39 {
      "tpu.region"() ({
        %run_scoped3A = tpu.sem_alloc : memref<!tpu.dma_semaphore, #tpu.memory_space<semaphore_mem>>
        %dma_start3A_175 = arith.constant 0 : i32
        %dma_start3A_176 = tpu.memref_slice %arg9[%add3A_34, %dma_start3A_175] : memref<10000x128xf32, #tpu.memory_space<vmem_shared>> -> memref<80x128xf32, #tpu.memory_space<vmem_shared>>
        %dma_start3A_177 = arith.constant 0 : i32
        %dma_start3A_178 = tpu.memref_slice %arg9[%add3A_34, %dma_start3A_177] : memref<10000x128xf32, #tpu.memory_space<vmem_shared>> -> memref<80x128xf32, #tpu.memory_space<vmem_shared>>
        tpu.enqueue_dma source(%arg8 : memref<80x128xf32, #tpu.memory_space<vmem>>) target(%dma_start3A_178 : memref<80x128xf32, #tpu.memory_space<vmem_shared>>) target_semaphore(%run_scoped3A : memref<!tpu.dma_semaphore, #tpu.memory_space<semaphore_mem>>)
        %dma_wait3A_179 = arith.constant 0 : i32
        %dma_wait3A_180 = tpu.memref_slice %arg9[%add3A_34, %dma_wait3A_179] : memref<10000x128xf32, #tpu.memory_space<vmem_shared>> -> memref<80x128xf32, #tpu.memory_space<vmem_shared>>
        %dma_wait3A_181 = arith.constant 0 : i32
        %dma_wait3A_182 = tpu.memref_slice %arg9[%add3A_34, %dma_wait3A_181] : memref<10000x128xf32, #tpu.memory_space<vmem_shared>> -> memref<80x128xf32, #tpu.memory_space<vmem_shared>>
        tpu.wait_dma2 semaphore(%run_scoped3A : memref<!tpu.dma_semaphore, #tpu.memory_space<semaphore_mem>>) src(%arg8 : memref<80x128xf32, #tpu.memory_space<vmem>>) dst(%dma_wait3A_182 : memref<80x128xf32, #tpu.memory_space<vmem_shared>>)
        tpu.yield
      }) : () -> ()
    } else {
    }
    %mul3A_40 = arith.constant 640 : i32
    %mul3A_41 = arith.muli %arg1, %mul3A_40 : i32
    %add3A_42 = arith.constant 320 : i32
    %add3A_43 = arith.addi %mul3A_41, %add3A_42 : i32
    %lt3A_44 = arith.constant 10000 : i32
    %lt3A_45 = arith.cmpi slt, %add3A_43, %lt3A_44 : i32
    %convert_element_type3A_46 = arith.extui %lt3A_45 : i1 to i32
    %cond3A_47 = arith.constant 0 : i32
    %cond3A_48 = arith.cmpi ne, %convert_element_type3A_46, %cond3A_47 : i32
    scf.if %cond3A_48 {
      "tpu.region"() ({
        %run_scoped3A = tpu.sem_alloc : memref<!tpu.dma_semaphore, #tpu.memory_space<semaphore_mem>>
        %dma_start3A_175 = arith.constant 0 : i32
        %dma_start3A_176 = tpu.memref_slice %arg9[%add3A_43, %dma_start3A_175] : memref<10000x128xf32, #tpu.memory_space<vmem_shared>> -> memref<80x128xf32, #tpu.memory_space<vmem_shared>>
        %dma_start3A_177 = arith.constant 0 : i32
        %dma_start3A_178 = tpu.memref_slice %arg9[%add3A_43, %dma_start3A_177] : memref<10000x128xf32, #tpu.memory_space<vmem_shared>> -> memref<80x128xf32, #tpu.memory_space<vmem_shared>>
        tpu.enqueue_dma source(%arg8 : memref<80x128xf32, #tpu.memory_space<vmem>>) target(%dma_start3A_178 : memref<80x128xf32, #tpu.memory_space<vmem_shared>>) target_semaphore(%run_scoped3A : memref<!tpu.dma_semaphore, #tpu.memory_space<semaphore_mem>>)
        %dma_wait3A_179 = arith.constant 0 : i32
        %dma_wait3A_180 = tpu.memref_slice %arg9[%add3A_43, %dma_wait3A_179] : memref<10000x128xf32, #tpu.memory_space<vmem_shared>> -> memref<80x128xf32, #tpu.memory_space<vmem_shared>>
        %dma_wait3A_181 = arith.constant 0 : i32
        %dma_wait3A_182 = tpu.memref_slice %arg9[%add3A_43, %dma_wait3A_181] : memref<10000x128xf32, #tpu.memory_space<vmem_shared>> -> memref<80x128xf32, #tpu.memory_space<vmem_shared>>
        tpu.wait_dma2 semaphore(%run_scoped3A : memref<!tpu.dma_semaphore, #tpu.memory_space<semaphore_mem>>) src(%arg8 : memref<80x128xf32, #tpu.memory_space<vmem>>) dst(%dma_wait3A_182 : memref<80x128xf32, #tpu.memory_space<vmem_shared>>)
        tpu.yield
      }) : () -> ()
    } else {
    }
    %mul3A_49 = arith.constant 640 : i32
    %mul3A_50 = arith.muli %arg1, %mul3A_49 : i32
    %add3A_51 = arith.constant 400 : i32
    %add3A_52 = arith.addi %mul3A_50, %add3A_51 : i32
    %lt3A_53 = arith.constant 10000 : i32
    %lt3A_54 = arith.cmpi slt, %add3A_52, %lt3A_53 : i32
    %convert_element_type3A_55 = arith.extui %lt3A_54 : i1 to i32
    %cond3A_56 = arith.constant 0 : i32
    %cond3A_57 = arith.cmpi ne, %convert_element_type3A_55, %cond3A_56 : i32
    scf.if %cond3A_57 {
      "tpu.region"() ({
        %run_scoped3A = tpu.sem_alloc : memref<!tpu.dma_semaphore, #tpu.memory_space<semaphore_mem>>
        %dma_start3A_175 = arith.constant 0 : i32
        %dma_start3A_176 = tpu.memref_slice %arg9[%add3A_52, %dma_start3A_175] : memref<10000x128xf32, #tpu.memory_space<vmem_shared>> -> memref<80x128xf32, #tpu.memory_space<vmem_shared>>
        %dma_start3A_177 = arith.constant 0 : i32
        %dma_start3A_178 = tpu.memref_slice %arg9[%add3A_52, %dma_start3A_177] : memref<10000x128xf32, #tpu.memory_space<vmem_shared>> -> memref<80x128xf32, #tpu.memory_space<vmem_shared>>
        tpu.enqueue_dma source(%arg8 : memref<80x128xf32, #tpu.memory_space<vmem>>) target(%dma_start3A_178 : memref<80x128xf32, #tpu.memory_space<vmem_shared>>) target_semaphore(%run_scoped3A : memref<!tpu.dma_semaphore, #tpu.memory_space<semaphore_mem>>)
        %dma_wait3A_179 = arith.constant 0 : i32
        %dma_wait3A_180 = tpu.memref_slice %arg9[%add3A_52, %dma_wait3A_179] : memref<10000x128xf32, #tpu.memory_space<vmem_shared>> -> memref<80x128xf32, #tpu.memory_space<vmem_shared>>
        %dma_wait3A_181 = arith.constant 0 : i32
        %dma_wait3A_182 = tpu.memref_slice %arg9[%add3A_52, %dma_wait3A_181] : memref<10000x128xf32, #tpu.memory_space<vmem_shared>> -> memref<80x128xf32, #tpu.memory_space<vmem_shared>>
        tpu.wait_dma2 semaphore(%run_scoped3A : memref<!tpu.dma_semaphore, #tpu.memory_space<semaphore_mem>>) src(%arg8 : memref<80x128xf32, #tpu.memory_space<vmem>>) dst(%dma_wait3A_182 : memref<80x128xf32, #tpu.memory_space<vmem_shared>>)
        tpu.yield
      }) : () -> ()
    } else {
    }
    %mul3A_58 = arith.constant 640 : i32
    %mul3A_59 = arith.muli %arg1, %mul3A_58 : i32
    %add3A_60 = arith.constant 480 : i32
    %add3A_61 = arith.addi %mul3A_59, %add3A_60 : i32
    %lt3A_62 = arith.constant 10000 : i32
    %lt3A_63 = arith.cmpi slt, %add3A_61, %lt3A_62 : i32
    %convert_element_type3A_64 = arith.extui %lt3A_63 : i1 to i32
    %cond3A_65 = arith.constant 0 : i32
    %cond3A_66 = arith.cmpi ne, %convert_element_type3A_64, %cond3A_65 : i32
    scf.if %cond3A_66 {
      "tpu.region"() ({
        %run_scoped3A = tpu.sem_alloc : memref<!tpu.dma_semaphore, #tpu.memory_space<semaphore_mem>>
        %dma_start3A_175 = arith.constant 0 : i32
        %dma_start3A_176 = tpu.memref_slice %arg9[%add3A_61, %dma_start3A_175] : memref<10000x128xf32, #tpu.memory_space<vmem_shared>> -> memref<80x128xf32, #tpu.memory_space<vmem_shared>>
        %dma_start3A_177 = arith.constant 0 : i32
        %dma_start3A_178 = tpu.memref_slice %arg9[%add3A_61, %dma_start3A_177] : memref<10000x128xf32, #tpu.memory_space<vmem_shared>> -> memref<80x128xf32, #tpu.memory_space<vmem_shared>>
        tpu.enqueue_dma source(%arg8 : memref<80x128xf32, #tpu.memory_space<vmem>>) target(%dma_start3A_178 : memref<80x128xf32, #tpu.memory_space<vmem_shared>>) target_semaphore(%run_scoped3A : memref<!tpu.dma_semaphore, #tpu.memory_space<semaphore_mem>>)
        %dma_wait3A_179 = arith.constant 0 : i32
        %dma_wait3A_180 = tpu.memref_slice %arg9[%add3A_61, %dma_wait3A_179] : memref<10000x128xf32, #tpu.memory_space<vmem_shared>> -> memref<80x128xf32, #tpu.memory_space<vmem_shared>>
        %dma_wait3A_181 = arith.constant 0 : i32
        %dma_wait3A_182 = tpu.memref_slice %arg9[%add3A_61, %dma_wait3A_181] : memref<10000x128xf32, #tpu.memory_space<vmem_shared>> -> memref<80x128xf32, #tpu.memory_space<vmem_shared>>
        tpu.wait_dma2 semaphore(%run_scoped3A : memref<!tpu.dma_semaphore, #tpu.memory_space<semaphore_mem>>) src(%arg8 : memref<80x128xf32, #tpu.memory_space<vmem>>) dst(%dma_wait3A_182 : memref<80x128xf32, #tpu.memory_space<vmem_shared>>)
        tpu.yield
      }) : () -> ()
    } else {
    }
    %mul3A_67 = arith.constant 640 : i32
    %mul3A_68 = arith.muli %arg1, %mul3A_67 : i32
    %add3A_69 = arith.constant 560 : i32
    %add3A_70 = arith.addi %mul3A_68, %add3A_69 : i32
    %lt3A_71 = arith.constant 10000 : i32
    %lt3A_72 = arith.cmpi slt, %add3A_70, %lt3A_71 : i32
    %convert_element_type3A_73 = arith.extui %lt3A_72 : i1 to i32
    %cond3A_74 = arith.constant 0 : i32
    %cond3A_75 = arith.cmpi ne, %convert_element_type3A_73, %cond3A_74 : i32
    scf.if %cond3A_75 {
      "tpu.region"() ({
        %run_scoped3A = tpu.sem_alloc : memref<!tpu.dma_semaphore, #tpu.memory_space<semaphore_mem>>
        %dma_start3A_175 = arith.constant 0 : i32
        %dma_start3A_176 = tpu.memref_slice %arg9[%add3A_70, %dma_start3A_175] : memref<10000x128xf32, #tpu.memory_space<vmem_shared>> -> memref<80x128xf32, #tpu.memory_space<vmem_shared>>
        %dma_start3A_177 = arith.constant 0 : i32
        %dma_start3A_178 = tpu.memref_slice %arg9[%add3A_70, %dma_start3A_177] : memref<10000x128xf32, #tpu.memory_space<vmem_shared>> -> memref<80x128xf32, #tpu.memory_space<vmem_shared>>
        tpu.enqueue_dma source(%arg8 : memref<80x128xf32, #tpu.memory_space<vmem>>) target(%dma_start3A_178 : memref<80x128xf32, #tpu.memory_space<vmem_shared>>) target_semaphore(%run_scoped3A : memref<!tpu.dma_semaphore, #tpu.memory_space<semaphore_mem>>)
        %dma_wait3A_179 = arith.constant 0 : i32
        %dma_wait3A_180 = tpu.memref_slice %arg9[%add3A_70, %dma_wait3A_179] : memref<10000x128xf32, #tpu.memory_space<vmem_shared>> -> memref<80x128xf32, #tpu.memory_space<vmem_shared>>
        %dma_wait3A_181 = arith.constant 0 : i32
        %dma_wait3A_182 = tpu.memref_slice %arg9[%add3A_70, %dma_wait3A_181] : memref<10000x128xf32, #tpu.memory_space<vmem_shared>> -> memref<80x128xf32, #tpu.memory_space<vmem_shared>>
        tpu.wait_dma2 semaphore(%run_scoped3A : memref<!tpu.dma_semaphore, #tpu.memory_space<semaphore_mem>>) src(%arg8 : memref<80x128xf32, #tpu.memory_space<vmem>>) dst(%dma_wait3A_182 : memref<80x128xf32, #tpu.memory_space<vmem_shared>>)
        tpu.yield
      }) : () -> ()
    } else {
    }
    %scan3A_76 = arith.constant 0 : i32
    %scan3A_77 = arith.constant 128 : i32
    %scan3A_78 = arith.addi %scan3A_76, %scan3A_77 : i32
    %scan3A_79 = arith.constant 1 : i32
    scf.for %scan3A_175 = %scan3A_76 to %scan3A_78 step %scan3A_79  : i32 {
      %mul3A_176 = arith.constant 1 : i32
      %mul3A_177 = arith.muli %scan3A_175, %mul3A_176 : i32
      %add3A_178 = arith.constant 0 : i32
      %add3A_179 = arith.addi %add3A_178, %mul3A_177 : i32
      %scan3A_180 = arith.constant 0 : i32
      %scan3A_181 = arith.constant 8 : i32
      %scan3A_182 = arith.addi %scan3A_180, %scan3A_181 : i32
      %scan3A_183 = arith.constant 1 : i32
      scf.for %scan3A_185 = %scan3A_180 to %scan3A_182 step %scan3A_183  : i32 {
        %mul3A_186 = arith.constant 16 : i32
        %mul3A_187 = arith.muli %scan3A_185, %mul3A_186 : i32
        %add3A_188 = arith.constant 0 : i32
        %add3A_189 = arith.addi %add3A_188, %mul3A_187 : i32
        %broadcast_in_dim3A = arith.constant 1.000000e+00 : f32
        %broadcast_in_dim3A_190 = vector.broadcast %broadcast_in_dim3A : f32 to vector<1x16xf32>
        %swap3A = arith.index_cast %add3A_179 : i32 to index
        %swap3A_191 = arith.index_cast %add3A_189 : i32 to index
        %swap3A_192 = tpu.vector_load %arg7[%swap3A, %swap3A_191] {strides = array<i32>} : memref<128x128xf32, #tpu.memory_space<vmem>>, vector<1x16xf32>,
        %swap3A_193 = vector.shape_cast %swap3A_192 : vector<1x16xf32> to vector<1x16xf32>
        %swap3A_194 = vector.shape_cast %broadcast_in_dim3A_190 : vector<1x16xf32> to vector<1x16xf32>
        tpu.vector_store %arg7[%swap3A, %swap3A_191], %swap3A_194 {strides = array<i32>} : memref<128x128xf32, #tpu.memory_space<vmem>>, vector<1x16xf32>,
      }
      %scan3A_184 = arith.constant 8 : i32
    }
    %scan3A_80 = arith.constant 128 : i32
    %barrier3A = arith.constant 0 : index
    tpu.barrier barrier_id(%barrier3A)
    %add3A_81 = arith.constant 0 : i32
    %add3A_82 = arith.addi %mul3A_2, %add3A_81 : i32
    %dma_start3A = tpu.memref_slice %arg2[%add3A_82] : memref<320000xi32, #tpu.memory_space<hbm>> -> memref<128xi32, #tpu.memory_space<hbm>>
    %dma_start3A_83 = tpu.memref_slice %arg2[%add3A_82] : memref<320000xi32, #tpu.memory_space<hbm>> -> memref<128xi32, #tpu.memory_space<hbm>>
    tpu.enqueue_dma source(%dma_start3A_83 : memref<128xi32, #tpu.memory_space<hbm>>) target(%arg4 : memref<128xi32, #tpu.memory_space<vmem>>) target_semaphore(%arg10 : memref<!tpu.dma_semaphore, #tpu.memory_space<semaphore_mem>>)
    %scan3A_84 = arith.constant 0 : i32
    %scan3A_85 = arith.constant 38 : i32
    %scan3A_86 = arith.addi %scan3A_84, %scan3A_85 : i32
    %scan3A_87 = arith.constant 1 : i32
    scf.for %scan3A_175 = %scan3A_84 to %scan3A_86 step %scan3A_87  : i32 {
      %mul3A_176 = arith.constant 2 : i32
      %mul3A_177 = arith.muli %scan3A_175, %mul3A_176 : i32
      %add3A_178 = arith.constant 0 : i32
      %add3A_179 = arith.addi %add3A_178, %mul3A_177 : i32
      %add3A_180 = arith.constant 1 : i32
      %add3A_181 = arith.addi %add3A_179, %add3A_180 : i32
      %mul3A_182 = arith.constant 128 : i32
      %mul3A_183 = arith.muli %add3A_181, %mul3A_182 : i32
      %add3A_184 = arith.addi %mul3A_2, %mul3A_183 : i32
      %dma_start3A_185 = tpu.memref_slice %arg2[%add3A_184] : memref<320000xi32, #tpu.memory_space<hbm>> -> memref<128xi32, #tpu.memory_space<hbm>>
      %dma_start3A_186 = tpu.memref_slice %arg2[%add3A_184] : memref<320000xi32, #tpu.memory_space<hbm>> -> memref<128xi32, #tpu.memory_space<hbm>>
      tpu.enqueue_dma source(%dma_start3A_186 : memref<128xi32, #tpu.memory_space<hbm>>) target(%arg5 : memref<128xi32, #tpu.memory_space<vmem>>) target_semaphore(%arg11 : memref<!tpu.dma_semaphore, #tpu.memory_space<semaphore_mem>>)
      %dma_wait3A_187 = arith.constant 0 : i32
      %dma_wait3A_188 = tpu.memref_slice %arg2[%dma_wait3A_187] : memref<320000xi32, #tpu.memory_space<hbm>> -> memref<128xi32, #tpu.memory_space<hbm>>
      %dma_wait3A_189 = arith.constant 0 : i32
      %dma_wait3A_190 = tpu.memref_slice %arg2[%dma_wait3A_189] : memref<320000xi32, #tpu.memory_space<hbm>> -> memref<128xi32, #tpu.memory_space<hbm>>
      tpu.wait_dma2 semaphore(%arg10 : memref<!tpu.dma_semaphore, #tpu.memory_space<semaphore_mem>>) src(%dma_wait3A_190 : memref<128xi32, #tpu.memory_space<hbm>>) dst(%arg4 : memref<128xi32, #tpu.memory_space<vmem>>)
      "tpu.region"() ({
        %run_scoped3A = tpu.sem_alloc : memref<!tpu.dma_semaphore, #tpu.memory_space<semaphore_mem>>
        %dma_start3A_202 = arith.constant 0 : i32
        %dma_start3A_203 = arith.constant 0 : i32
        %dma_start3A_204 = tpu.memref_slice %arg9[%dma_start3A_202, %dma_start3A_203] : memref<10000x128xf32, #tpu.memory_space<vmem_shared>> -> memref<10000x128xf32, #tpu.memory_space<vmem_shared>>
        tpu.enqueue_indirect_dma source(%arg7 : memref<128x128xf32, #tpu.memory_space<vmem>>) target(%dma_start3A_204 : memref<10000x128xf32, #tpu.memory_space<vmem_shared>>) offsets(%arg4 : memref<128xi32, #tpu.memory_space<vmem>>) semaphore(%run_scoped3A : memref<!tpu.dma_semaphore, #tpu.memory_space<semaphore_mem>>) {add = true}
        %dma_wait3A_205 = arith.constant 0 : i32
        %dma_wait3A_206 = arith.constant 0 : i32
        %dma_wait3A_207 = tpu.memref_slice %arg9[%dma_wait3A_205, %dma_wait3A_206] : memref<10000x128xf32, #tpu.memory_space<vmem_shared>> -> memref<10000x128xf32, #tpu.memory_space<vmem_shared>>
        tpu.wait_indirect_dma semaphore(%run_scoped3A : memref<!tpu.dma_semaphore, #tpu.memory_space<semaphore_mem>>) src(%arg7 : memref<128x128xf32, #tpu.memory_space<vmem>>) dst(%dma_wait3A_207 : memref<10000x128xf32, #tpu.memory_space<vmem_shared>>)
        tpu.yield
      }) : () -> ()
      %add3A_191 = arith.constant 2 : i32
      %add3A_192 = arith.addi %add3A_179, %add3A_191 : i32
      %mul3A_193 = arith.constant 128 : i32
      %mul3A_194 = arith.muli %add3A_192, %mul3A_193 : i32
      %add3A_195 = arith.addi %mul3A_2, %mul3A_194 : i32
      %dma_start3A_196 = tpu.memref_slice %arg2[%add3A_195] : memref<320000xi32, #tpu.memory_space<hbm>> -> memref<128xi32, #tpu.memory_space<hbm>>
      %dma_start3A_197 = tpu.memref_slice %arg2[%add3A_195] : memref<320000xi32, #tpu.memory_space<hbm>> -> memref<128xi32, #tpu.memory_space<hbm>>
      tpu.enqueue_dma source(%dma_start3A_197 : memref<128xi32, #tpu.memory_space<hbm>>) target(%arg4 : memref<128xi32, #tpu.memory_space<vmem>>) target_semaphore(%arg10 : memref<!tpu.dma_semaphore, #tpu.memory_space<semaphore_mem>>)
      %dma_wait3A_198 = arith.constant 0 : i32
      %dma_wait3A_199 = tpu.memref_slice %arg2[%dma_wait3A_198] : memref<320000xi32, #tpu.memory_space<hbm>> -> memref<128xi32, #tpu.memory_space<hbm>>
      %dma_wait3A_200 = arith.constant 0 : i32
      %dma_wait3A_201 = tpu.memref_slice %arg2[%dma_wait3A_200] : memref<320000xi32, #tpu.memory_space<hbm>> -> memref<128xi32, #tpu.memory_space<hbm>>
      tpu.wait_dma2 semaphore(%arg11 : memref<!tpu.dma_semaphore, #tpu.memory_space<semaphore_mem>>) src(%dma_wait3A_201 : memref<128xi32, #tpu.memory_space<hbm>>) dst(%arg5 : memref<128xi32, #tpu.memory_space<vmem>>)
      "tpu.region"() ({
        %run_scoped3A = tpu.sem_alloc : memref<!tpu.dma_semaphore, #tpu.memory_space<semaphore_mem>>
        %dma_start3A_202 = arith.constant 0 : i32
        %dma_start3A_203 = arith.constant 0 : i32
        %dma_start3A_204 = tpu.memref_slice %arg9[%dma_start3A_202, %dma_start3A_203] : memref<10000x128xf32, #tpu.memory_space<vmem_shared>> -> memref<10000x128xf32, #tpu.memory_space<vmem_shared>>
        tpu.enqueue_indirect_dma source(%arg7 : memref<128x128xf32, #tpu.memory_space<vmem>>) target(%dma_start3A_204 : memref<10000x128xf32, #tpu.memory_space<vmem_shared>>) offsets(%arg5 : memref<128xi32, #tpu.memory_space<vmem>>) semaphore(%run_scoped3A : memref<!tpu.dma_semaphore, #tpu.memory_space<semaphore_mem>>) {add = true}
        %dma_wait3A_205 = arith.constant 0 : i32
        %dma_wait3A_206 = arith.constant 0 : i32
        %dma_wait3A_207 = tpu.memref_slice %arg9[%dma_wait3A_205, %dma_wait3A_206] : memref<10000x128xf32, #tpu.memory_space<vmem_shared>> -> memref<10000x128xf32, #tpu.memory_space<vmem_shared>>
        tpu.wait_indirect_dma semaphore(%run_scoped3A : memref<!tpu.dma_semaphore, #tpu.memory_space<semaphore_mem>>) src(%arg7 : memref<128x128xf32, #tpu.memory_space<vmem>>) dst(%dma_wait3A_207 : memref<10000x128xf32, #tpu.memory_space<vmem_shared>>)
        tpu.yield
      }) : () -> ()
    }
    %scan3A_88 = arith.constant 38 : i32
    %add3A_89 = arith.constant 9856 : i32
    %add3A_90 = arith.addi %mul3A_2, %add3A_89 : i32
    %dma_start3A_91 = tpu.memref_slice %arg2[%add3A_90] : memref<320000xi32, #tpu.memory_space<hbm>> -> memref<128xi32, #tpu.memory_space<hbm>>
    %dma_start3A_92 = tpu.memref_slice %arg2[%add3A_90] : memref<320000xi32, #tpu.memory_space<hbm>> -> memref<128xi32, #tpu.memory_space<hbm>>
    tpu.enqueue_dma source(%dma_start3A_92 : memref<128xi32, #tpu.memory_space<hbm>>) target(%arg5 : memref<128xi32, #tpu.memory_space<vmem>>) target_semaphore(%arg11 : memref<!tpu.dma_semaphore, #tpu.memory_space<semaphore_mem>>)
    %dma_wait3A = arith.constant 0 : i32
    %dma_wait3A_93 = tpu.memref_slice %arg2[%dma_wait3A] : memref<320000xi32, #tpu.memory_space<hbm>> -> memref<128xi32, #tpu.memory_space<hbm>>
    %dma_wait3A_94 = arith.constant 0 : i32
    %dma_wait3A_95 = tpu.memref_slice %arg2[%dma_wait3A_94] : memref<320000xi32, #tpu.memory_space<hbm>> -> memref<128xi32, #tpu.memory_space<hbm>>
    tpu.wait_dma2 semaphore(%arg10 : memref<!tpu.dma_semaphore, #tpu.memory_space<semaphore_mem>>) src(%dma_wait3A_95 : memref<128xi32, #tpu.memory_space<hbm>>) dst(%arg4 : memref<128xi32, #tpu.memory_space<vmem>>)
    "tpu.region"() ({
      %run_scoped3A = tpu.sem_alloc : memref<!tpu.dma_semaphore, #tpu.memory_space<semaphore_mem>>
      %dma_start3A_175 = arith.constant 0 : i32
      %dma_start3A_176 = arith.constant 0 : i32
      %dma_start3A_177 = tpu.memref_slice %arg9[%dma_start3A_175, %dma_start3A_176] : memref<10000x128xf32, #tpu.memory_space<vmem_shared>> -> memref<10000x128xf32, #tpu.memory_space<vmem_shared>>
      tpu.enqueue_indirect_dma source(%arg7 : memref<128x128xf32, #tpu.memory_space<vmem>>) target(%dma_start3A_177 : memref<10000x128xf32, #tpu.memory_space<vmem_shared>>) offsets(%arg4 : memref<128xi32, #tpu.memory_space<vmem>>) semaphore(%run_scoped3A : memref<!tpu.dma_semaphore, #tpu.memory_space<semaphore_mem>>) {add = true}
      %dma_wait3A_178 = arith.constant 0 : i32
      %dma_wait3A_179 = arith.constant 0 : i32
      %dma_wait3A_180 = tpu.memref_slice %arg9[%dma_wait3A_178, %dma_wait3A_179] : memref<10000x128xf32, #tpu.memory_space<vmem_shared>> -> memref<10000x128xf32, #tpu.memory_space<vmem_shared>>
      tpu.wait_indirect_dma semaphore(%run_scoped3A : memref<!tpu.dma_semaphore, #tpu.memory_space<semaphore_mem>>) src(%arg7 : memref<128x128xf32, #tpu.memory_space<vmem>>) dst(%dma_wait3A_180 : memref<10000x128xf32, #tpu.memory_space<vmem_shared>>)
      tpu.yield
    }) : () -> ()
    %add3A_96 = arith.constant 9984 : i32
    %add3A_97 = arith.addi %mul3A_2, %add3A_96 : i32
    "tpu.region"() ({
      %run_scoped3A = tpu.sem_alloc : memref<!tpu.dma_semaphore, #tpu.memory_space<semaphore_mem>>
      %dma_start3A_175 = tpu.memref_slice %arg2[%add3A_97] : memref<320000xi32, #tpu.memory_space<hbm>> -> memref<16xi32, #tpu.memory_space<hbm>>
      %dma_start3A_176 = tpu.memref_slice %arg2[%add3A_97] : memref<320000xi32, #tpu.memory_space<hbm>> -> memref<16xi32, #tpu.memory_space<hbm>>
      tpu.enqueue_dma source(%dma_start3A_176 : memref<16xi32, #tpu.memory_space<hbm>>) target(%arg6 : memref<16xi32, #tpu.memory_space<vmem>>) target_semaphore(%run_scoped3A : memref<!tpu.dma_semaphore, #tpu.memory_space<semaphore_mem>>)
      %dma_wait3A_177 = tpu.memref_slice %arg2[%add3A_97] : memref<320000xi32, #tpu.memory_space<hbm>> -> memref<16xi32, #tpu.memory_space<hbm>>
      %dma_wait3A_178 = tpu.memref_slice %arg2[%add3A_97] : memref<320000xi32, #tpu.memory_space<hbm>> -> memref<16xi32, #tpu.memory_space<hbm>>
      tpu.wait_dma2 semaphore(%run_scoped3A : memref<!tpu.dma_semaphore, #tpu.memory_space<semaphore_mem>>) src(%dma_wait3A_178 : memref<16xi32, #tpu.memory_space<hbm>>) dst(%arg6 : memref<16xi32, #tpu.memory_space<vmem>>)
      tpu.yield
    }) : () -> ()
    %dma_wait3A_98 = arith.constant 0 : i32
    %dma_wait3A_99 = tpu.memref_slice %arg2[%dma_wait3A_98] : memref<320000xi32, #tpu.memory_space<hbm>> -> memref<128xi32, #tpu.memory_space<hbm>>
    %dma_wait3A_100 = arith.constant 0 : i32
    %dma_wait3A_101 = tpu.memref_slice %arg2[%dma_wait3A_100] : memref<320000xi32, #tpu.memory_space<hbm>> -> memref<128xi32, #tpu.memory_space<hbm>>
    tpu.wait_dma2 semaphore(%arg11 : memref<!tpu.dma_semaphore, #tpu.memory_space<semaphore_mem>>) src(%dma_wait3A_101 : memref<128xi32, #tpu.memory_space<hbm>>) dst(%arg5 : memref<128xi32, #tpu.memory_space<vmem>>)
    "tpu.region"() ({
      %run_scoped3A = tpu.sem_alloc : memref<!tpu.dma_semaphore, #tpu.memory_space<semaphore_mem>>
      %dma_start3A_175 = arith.constant 0 : i32
      %dma_start3A_176 = arith.constant 0 : i32
      %dma_start3A_177 = tpu.memref_slice %arg9[%dma_start3A_175, %dma_start3A_176] : memref<10000x128xf32, #tpu.memory_space<vmem_shared>> -> memref<10000x128xf32, #tpu.memory_space<vmem_shared>>
      tpu.enqueue_indirect_dma source(%arg7 : memref<128x128xf32, #tpu.memory_space<vmem>>) target(%dma_start3A_177 : memref<10000x128xf32, #tpu.memory_space<vmem_shared>>) offsets(%arg5 : memref<128xi32, #tpu.memory_space<vmem>>) semaphore(%run_scoped3A : memref<!tpu.dma_semaphore, #tpu.memory_space<semaphore_mem>>) {add = true}
      %dma_wait3A_178 = arith.constant 0 : i32
      %dma_wait3A_179 = arith.constant 0 : i32
      %dma_wait3A_180 = tpu.memref_slice %arg9[%dma_wait3A_178, %dma_wait3A_179] : memref<10000x128xf32, #tpu.memory_space<vmem_shared>> -> memref<10000x128xf32, #tpu.memory_space<vmem_shared>>
      tpu.wait_indirect_dma semaphore(%run_scoped3A : memref<!tpu.dma_semaphore, #tpu.memory_space<semaphore_mem>>) src(%arg7 : memref<128x128xf32, #tpu.memory_space<vmem>>) dst(%dma_wait3A_180 : memref<10000x128xf32, #tpu.memory_space<vmem_shared>>)
      tpu.yield
    }) : () -> ()
    "tpu.region"() ({
      %run_scoped3A = tpu.sem_alloc : memref<!tpu.dma_semaphore, #tpu.memory_space<semaphore_mem>>
      %dma_start3A_175 = arith.constant 0 : i32
      %dma_start3A_176 = arith.constant 0 : i32
      %dma_start3A_177 = tpu.memref_slice %arg7[%dma_start3A_175, %dma_start3A_176] : memref<128x128xf32, #tpu.memory_space<vmem>> -> memref<16x128xf32, #tpu.memory_space<vmem>>
      %dma_start3A_178 = arith.constant 0 : i32
      %dma_start3A_179 = arith.constant 0 : i32
      %dma_start3A_180 = tpu.memref_slice %arg9[%dma_start3A_178, %dma_start3A_179] : memref<10000x128xf32, #tpu.memory_space<vmem_shared>> -> memref<10000x128xf32, #tpu.memory_space<vmem_shared>>
      tpu.enqueue_indirect_dma source(%dma_start3A_177 : memref<16x128xf32, #tpu.memory_space<vmem>>) target(%dma_start3A_180 : memref<10000x128xf32, #tpu.memory_space<vmem_shared>>) offsets(%arg6 : memref<16xi32, #tpu.memory_space<vmem>>) semaphore(%run_scoped3A : memref<!tpu.dma_semaphore, #tpu.memory_space<semaphore_mem>>) {add = true}
      %dma_wait3A_181 = arith.constant 0 : i32
      %dma_wait3A_182 = arith.constant 0 : i32
      %dma_wait3A_183 = tpu.memref_slice %arg7[%dma_wait3A_181, %dma_wait3A_182] : memref<128x128xf32, #tpu.memory_space<vmem>> -> memref<16x128xf32, #tpu.memory_space<vmem>>
      %dma_wait3A_184 = arith.constant 0 : i32
      %dma_wait3A_185 = arith.constant 0 : i32
      %dma_wait3A_186 = tpu.memref_slice %arg9[%dma_wait3A_184, %dma_wait3A_185] : memref<10000x128xf32, #tpu.memory_space<vmem_shared>> -> memref<10000x128xf32, #tpu.memory_space<vmem_shared>>
      tpu.wait_indirect_dma semaphore(%run_scoped3A : memref<!tpu.dma_semaphore, #tpu.memory_space<semaphore_mem>>) src(%dma_wait3A_183 : memref<16x128xf32, #tpu.memory_space<vmem>>) dst(%dma_wait3A_186 : memref<10000x128xf32, #tpu.memory_space<vmem_shared>>)
      tpu.yield
    }) : () -> ()
    %barrier3A_102 = arith.constant 0 : index
    tpu.barrier barrier_id(%barrier3A_102)
    %mul3A_103 = arith.constant 640 : i32
    %mul3A_104 = arith.muli %arg1, %mul3A_103 : i32
    %add3A_105 = arith.constant 0 : i32
    %add3A_106 = arith.addi %mul3A_104, %add3A_105 : i32
    %lt3A_107 = arith.constant 10000 : i32
    %lt3A_108 = arith.cmpi slt, %add3A_106, %lt3A_107 : i32
    %convert_element_type3A_109 = arith.extui %lt3A_108 : i1 to i32
    %cond3A_110 = arith.constant 0 : i32
    %cond3A_111 = arith.cmpi ne, %convert_element_type3A_109, %cond3A_110 : i32
    scf.if %cond3A_111 {
      "tpu.region"() ({
        %run_scoped3A = tpu.sem_alloc : memref<!tpu.dma_semaphore, #tpu.memory_space<semaphore_mem>>
        %dma_start3A_175 = arith.constant 0 : i32
        %dma_start3A_176 = tpu.memref_slice %arg3[%arg0, %add3A_106, %dma_start3A_175] : memref<2x10000x128xf32, #tpu.memory_space<hbm>> -> memref<1x80x128xf32, #tpu.memory_space<hbm>>
        %dma_start3A_177 = tpu.memref_squeeze %dma_start3A_176 : memref<1x80x128xf32, #tpu.memory_space<hbm>> -> memref<80x128xf32, #tpu.memory_space<hbm>>
        %dma_start3A_178 = arith.constant 0 : i32
        %dma_start3A_179 = tpu.memref_slice %arg9[%add3A_106, %dma_start3A_178] : memref<10000x128xf32, #tpu.memory_space<vmem_shared>> -> memref<80x128xf32, #tpu.memory_space<vmem_shared>>
        tpu.enqueue_dma source(%dma_start3A_179 : memref<80x128xf32, #tpu.memory_space<vmem_shared>>) target(%dma_start3A_177 : memref<80x128xf32, #tpu.memory_space<hbm>>) target_semaphore(%run_scoped3A : memref<!tpu.dma_semaphore, #tpu.memory_space<semaphore_mem>>)
        %dma_wait3A_180 = arith.constant 0 : i32
        %dma_wait3A_181 = tpu.memref_slice %arg3[%arg0, %add3A_106, %dma_wait3A_180] : memref<2x10000x128xf32, #tpu.memory_space<hbm>> -> memref<1x80x128xf32, #tpu.memory_space<hbm>>
        %dma_wait3A_182 = tpu.memref_squeeze %dma_wait3A_181 : memref<1x80x128xf32, #tpu.memory_space<hbm>> -> memref<80x128xf32, #tpu.memory_space<hbm>>
        %dma_wait3A_183 = arith.constant 0 : i32
        %dma_wait3A_184 = tpu.memref_slice %arg9[%add3A_106, %dma_wait3A_183] : memref<10000x128xf32, #tpu.memory_space<vmem_shared>> -> memref<80x128xf32, #tpu.memory_space<vmem_shared>>
        tpu.wait_dma2 semaphore(%run_scoped3A : memref<!tpu.dma_semaphore, #tpu.memory_space<semaphore_mem>>) src(%dma_wait3A_184 : memref<80x128xf32, #tpu.memory_space<vmem_shared>>) dst(%dma_wait3A_182 : memref<80x128xf32, #tpu.memory_space<hbm>>)
        tpu.yield
      }) : () -> ()
    } else {
    }
    %mul3A_112 = arith.constant 640 : i32
    %mul3A_113 = arith.muli %arg1, %mul3A_112 : i32
    %add3A_114 = arith.constant 80 : i32
    %add3A_115 = arith.addi %mul3A_113, %add3A_114 : i32
    %lt3A_116 = arith.constant 10000 : i32
    %lt3A_117 = arith.cmpi slt, %add3A_115, %lt3A_116 : i32
    %convert_element_type3A_118 = arith.extui %lt3A_117 : i1 to i32
    %cond3A_119 = arith.constant 0 : i32
    %cond3A_120 = arith.cmpi ne, %convert_element_type3A_118, %cond3A_119 : i32
    scf.if %cond3A_120 {
      "tpu.region"() ({
        %run_scoped3A = tpu.sem_alloc : memref<!tpu.dma_semaphore, #tpu.memory_space<semaphore_mem>>
        %dma_start3A_175 = arith.constant 0 : i32
        %dma_start3A_176 = tpu.memref_slice %arg3[%arg0, %add3A_115, %dma_start3A_175] : memref<2x10000x128xf32, #tpu.memory_space<hbm>> -> memref<1x80x128xf32, #tpu.memory_space<hbm>>
        %dma_start3A_177 = tpu.memref_squeeze %dma_start3A_176 : memref<1x80x128xf32, #tpu.memory_space<hbm>> -> memref<80x128xf32, #tpu.memory_space<hbm>>
        %dma_start3A_178 = arith.constant 0 : i32
        %dma_start3A_179 = tpu.memref_slice %arg9[%add3A_115, %dma_start3A_178] : memref<10000x128xf32, #tpu.memory_space<vmem_shared>> -> memref<80x128xf32, #tpu.memory_space<vmem_shared>>
        tpu.enqueue_dma source(%dma_start3A_179 : memref<80x128xf32, #tpu.memory_space<vmem_shared>>) target(%dma_start3A_177 : memref<80x128xf32, #tpu.memory_space<hbm>>) target_semaphore(%run_scoped3A : memref<!tpu.dma_semaphore, #tpu.memory_space<semaphore_mem>>)
        %dma_wait3A_180 = arith.constant 0 : i32
        %dma_wait3A_181 = tpu.memref_slice %arg3[%arg0, %add3A_115, %dma_wait3A_180] : memref<2x10000x128xf32, #tpu.memory_space<hbm>> -> memref<1x80x128xf32, #tpu.memory_space<hbm>>
        %dma_wait3A_182 = tpu.memref_squeeze %dma_wait3A_181 : memref<1x80x128xf32, #tpu.memory_space<hbm>> -> memref<80x128xf32, #tpu.memory_space<hbm>>
        %dma_wait3A_183 = arith.constant 0 : i32
        %dma_wait3A_184 = tpu.memref_slice %arg9[%add3A_115, %dma_wait3A_183] : memref<10000x128xf32, #tpu.memory_space<vmem_shared>> -> memref<80x128xf32, #tpu.memory_space<vmem_shared>>
        tpu.wait_dma2 semaphore(%run_scoped3A : memref<!tpu.dma_semaphore, #tpu.memory_space<semaphore_mem>>) src(%dma_wait3A_184 : memref<80x128xf32, #tpu.memory_space<vmem_shared>>) dst(%dma_wait3A_182 : memref<80x128xf32, #tpu.memory_space<hbm>>)
        tpu.yield
      }) : () -> ()
    } else {
    }
    %mul3A_121 = arith.constant 640 : i32
    %mul3A_122 = arith.muli %arg1, %mul3A_121 : i32
    %add3A_123 = arith.constant 160 : i32
    %add3A_124 = arith.addi %mul3A_122, %add3A_123 : i32
    %lt3A_125 = arith.constant 10000 : i32
    %lt3A_126 = arith.cmpi slt, %add3A_124, %lt3A_125 : i32
    %convert_element_type3A_127 = arith.extui %lt3A_126 : i1 to i32
    %cond3A_128 = arith.constant 0 : i32
    %cond3A_129 = arith.cmpi ne, %convert_element_type3A_127, %cond3A_128 : i32
    scf.if %cond3A_129 {
      "tpu.region"() ({
        %run_scoped3A = tpu.sem_alloc : memref<!tpu.dma_semaphore, #tpu.memory_space<semaphore_mem>>
        %dma_start3A_175 = arith.constant 0 : i32
        %dma_start3A_176 = tpu.memref_slice %arg3[%arg0, %add3A_124, %dma_start3A_175] : memref<2x10000x128xf32, #tpu.memory_space<hbm>> -> memref<1x80x128xf32, #tpu.memory_space<hbm>>
        %dma_start3A_177 = tpu.memref_squeeze %dma_start3A_176 : memref<1x80x128xf32, #tpu.memory_space<hbm>> -> memref<80x128xf32, #tpu.memory_space<hbm>>
        %dma_start3A_178 = arith.constant 0 : i32
        %dma_start3A_179 = tpu.memref_slice %arg9[%add3A_124, %dma_start3A_178] : memref<10000x128xf32, #tpu.memory_space<vmem_shared>> -> memref<80x128xf32, #tpu.memory_space<vmem_shared>>
        tpu.enqueue_dma source(%dma_start3A_179 : memref<80x128xf32, #tpu.memory_space<vmem_shared>>) target(%dma_start3A_177 : memref<80x128xf32, #tpu.memory_space<hbm>>) target_semaphore(%run_scoped3A : memref<!tpu.dma_semaphore, #tpu.memory_space<semaphore_mem>>)
        %dma_wait3A_180 = arith.constant 0 : i32
        %dma_wait3A_181 = tpu.memref_slice %arg3[%arg0, %add3A_124, %dma_wait3A_180] : memref<2x10000x128xf32, #tpu.memory_space<hbm>> -> memref<1x80x128xf32, #tpu.memory_space<hbm>>
        %dma_wait3A_182 = tpu.memref_squeeze %dma_wait3A_181 : memref<1x80x128xf32, #tpu.memory_space<hbm>> -> memref<80x128xf32, #tpu.memory_space<hbm>>
        %dma_wait3A_183 = arith.constant 0 : i32
        %dma_wait3A_184 = tpu.memref_slice %arg9[%add3A_124, %dma_wait3A_183] : memref<10000x128xf32, #tpu.memory_space<vmem_shared>> -> memref<80x128xf32, #tpu.memory_space<vmem_shared>>
        tpu.wait_dma2 semaphore(%run_scoped3A : memref<!tpu.dma_semaphore, #tpu.memory_space<semaphore_mem>>) src(%dma_wait3A_184 : memref<80x128xf32, #tpu.memory_space<vmem_shared>>) dst(%dma_wait3A_182 : memref<80x128xf32, #tpu.memory_space<hbm>>)
        tpu.yield
      }) : () -> ()
    } else {
    }
    %mul3A_130 = arith.constant 640 : i32
    %mul3A_131 = arith.muli %arg1, %mul3A_130 : i32
    %add3A_132 = arith.constant 240 : i32
    %add3A_133 = arith.addi %mul3A_131, %add3A_132 : i32
    %lt3A_134 = arith.constant 10000 : i32
    %lt3A_135 = arith.cmpi slt, %add3A_133, %lt3A_134 : i32
    %convert_element_type3A_136 = arith.extui %lt3A_135 : i1 to i32
    %cond3A_137 = arith.constant 0 : i32
    %cond3A_138 = arith.cmpi ne, %convert_element_type3A_136, %cond3A_137 : i32
    scf.if %cond3A_138 {
      "tpu.region"() ({
        %run_scoped3A = tpu.sem_alloc : memref<!tpu.dma_semaphore, #tpu.memory_space<semaphore_mem>>
        %dma_start3A_175 = arith.constant 0 : i32
        %dma_start3A_176 = tpu.memref_slice %arg3[%arg0, %add3A_133, %dma_start3A_175] : memref<2x10000x128xf32, #tpu.memory_space<hbm>> -> memref<1x80x128xf32, #tpu.memory_space<hbm>>
        %dma_start3A_177 = tpu.memref_squeeze %dma_start3A_176 : memref<1x80x128xf32, #tpu.memory_space<hbm>> -> memref<80x128xf32, #tpu.memory_space<hbm>>
        %dma_start3A_178 = arith.constant 0 : i32
        %dma_start3A_179 = tpu.memref_slice %arg9[%add3A_133, %dma_start3A_178] : memref<10000x128xf32, #tpu.memory_space<vmem_shared>> -> memref<80x128xf32, #tpu.memory_space<vmem_shared>>
        tpu.enqueue_dma source(%dma_start3A_179 : memref<80x128xf32, #tpu.memory_space<vmem_shared>>) target(%dma_start3A_177 : memref<80x128xf32, #tpu.memory_space<hbm>>) target_semaphore(%run_scoped3A : memref<!tpu.dma_semaphore, #tpu.memory_space<semaphore_mem>>)
        %dma_wait3A_180 = arith.constant 0 : i32
        %dma_wait3A_181 = tpu.memref_slice %arg3[%arg0, %add3A_133, %dma_wait3A_180] : memref<2x10000x128xf32, #tpu.memory_space<hbm>> -> memref<1x80x128xf32, #tpu.memory_space<hbm>>
        %dma_wait3A_182 = tpu.memref_squeeze %dma_wait3A_181 : memref<1x80x128xf32, #tpu.memory_space<hbm>> -> memref<80x128xf32, #tpu.memory_space<hbm>>
        %dma_wait3A_183 = arith.constant 0 : i32
        %dma_wait3A_184 = tpu.memref_slice %arg9[%add3A_133, %dma_wait3A_183] : memref<10000x128xf32, #tpu.memory_space<vmem_shared>> -> memref<80x128xf32, #tpu.memory_space<vmem_shared>>
        tpu.wait_dma2 semaphore(%run_scoped3A : memref<!tpu.dma_semaphore, #tpu.memory_space<semaphore_mem>>) src(%dma_wait3A_184 : memref<80x128xf32, #tpu.memory_space<vmem_shared>>) dst(%dma_wait3A_182 : memref<80x128xf32, #tpu.memory_space<hbm>>)
        tpu.yield
      }) : () -> ()
    } else {
    }
    %mul3A_139 = arith.constant 640 : i32
    %mul3A_140 = arith.muli %arg1, %mul3A_139 : i32
    %add3A_141 = arith.constant 320 : i32
    %add3A_142 = arith.addi %mul3A_140, %add3A_141 : i32
    %lt3A_143 = arith.constant 10000 : i32
    %lt3A_144 = arith.cmpi slt, %add3A_142, %lt3A_143 : i32
    %convert_element_type3A_145 = arith.extui %lt3A_144 : i1 to i32
    %cond3A_146 = arith.constant 0 : i32
    %cond3A_147 = arith.cmpi ne, %convert_element_type3A_145, %cond3A_146 : i32
    scf.if %cond3A_147 {
      "tpu.region"() ({
        %run_scoped3A = tpu.sem_alloc : memref<!tpu.dma_semaphore, #tpu.memory_space<semaphore_mem>>
        %dma_start3A_175 = arith.constant 0 : i32
        %dma_start3A_176 = tpu.memref_slice %arg3[%arg0, %add3A_142, %dma_start3A_175] : memref<2x10000x128xf32, #tpu.memory_space<hbm>> -> memref<1x80x128xf32, #tpu.memory_space<hbm>>
        %dma_start3A_177 = tpu.memref_squeeze %dma_start3A_176 : memref<1x80x128xf32, #tpu.memory_space<hbm>> -> memref<80x128xf32, #tpu.memory_space<hbm>>
        %dma_start3A_178 = arith.constant 0 : i32
        %dma_start3A_179 = tpu.memref_slice %arg9[%add3A_142, %dma_start3A_178] : memref<10000x128xf32, #tpu.memory_space<vmem_shared>> -> memref<80x128xf32, #tpu.memory_space<vmem_shared>>
        tpu.enqueue_dma source(%dma_start3A_179 : memref<80x128xf32, #tpu.memory_space<vmem_shared>>) target(%dma_start3A_177 : memref<80x128xf32, #tpu.memory_space<hbm>>) target_semaphore(%run_scoped3A : memref<!tpu.dma_semaphore, #tpu.memory_space<semaphore_mem>>)
        %dma_wait3A_180 = arith.constant 0 : i32
        %dma_wait3A_181 = tpu.memref_slice %arg3[%arg0, %add3A_142, %dma_wait3A_180] : memref<2x10000x128xf32, #tpu.memory_space<hbm>> -> memref<1x80x128xf32, #tpu.memory_space<hbm>>
        %dma_wait3A_182 = tpu.memref_squeeze %dma_wait3A_181 : memref<1x80x128xf32, #tpu.memory_space<hbm>> -> memref<80x128xf32, #tpu.memory_space<hbm>>
        %dma_wait3A_183 = arith.constant 0 : i32
        %dma_wait3A_184 = tpu.memref_slice %arg9[%add3A_142, %dma_wait3A_183] : memref<10000x128xf32, #tpu.memory_space<vmem_shared>> -> memref<80x128xf32, #tpu.memory_space<vmem_shared>>
        tpu.wait_dma2 semaphore(%run_scoped3A : memref<!tpu.dma_semaphore, #tpu.memory_space<semaphore_mem>>) src(%dma_wait3A_184 : memref<80x128xf32, #tpu.memory_space<vmem_shared>>) dst(%dma_wait3A_182 : memref<80x128xf32, #tpu.memory_space<hbm>>)
        tpu.yield
      }) : () -> ()
    } else {
    }
    %mul3A_148 = arith.constant 640 : i32
    %mul3A_149 = arith.muli %arg1, %mul3A_148 : i32
    %add3A_150 = arith.constant 400 : i32
    %add3A_151 = arith.addi %mul3A_149, %add3A_150 : i32
    %lt3A_152 = arith.constant 10000 : i32
    %lt3A_153 = arith.cmpi slt, %add3A_151, %lt3A_152 : i32
    %convert_element_type3A_154 = arith.extui %lt3A_153 : i1 to i32
    %cond3A_155 = arith.constant 0 : i32
    %cond3A_156 = arith.cmpi ne, %convert_element_type3A_154, %cond3A_155 : i32
    scf.if %cond3A_156 {
      "tpu.region"() ({
        %run_scoped3A = tpu.sem_alloc : memref<!tpu.dma_semaphore, #tpu.memory_space<semaphore_mem>>
        %dma_start3A_175 = arith.constant 0 : i32
        %dma_start3A_176 = tpu.memref_slice %arg3[%arg0, %add3A_151, %dma_start3A_175] : memref<2x10000x128xf32, #tpu.memory_space<hbm>> -> memref<1x80x128xf32, #tpu.memory_space<hbm>>
        %dma_start3A_177 = tpu.memref_squeeze %dma_start3A_176 : memref<1x80x128xf32, #tpu.memory_space<hbm>> -> memref<80x128xf32, #tpu.memory_space<hbm>>
        %dma_start3A_178 = arith.constant 0 : i32
        %dma_start3A_179 = tpu.memref_slice %arg9[%add3A_151, %dma_start3A_178] : memref<10000x128xf32, #tpu.memory_space<vmem_shared>> -> memref<80x128xf32, #tpu.memory_space<vmem_shared>>
        tpu.enqueue_dma source(%dma_start3A_179 : memref<80x128xf32, #tpu.memory_space<vmem_shared>>) target(%dma_start3A_177 : memref<80x128xf32, #tpu.memory_space<hbm>>) target_semaphore(%run_scoped3A : memref<!tpu.dma_semaphore, #tpu.memory_space<semaphore_mem>>)
        %dma_wait3A_180 = arith.constant 0 : i32
        %dma_wait3A_181 = tpu.memref_slice %arg3[%arg0, %add3A_151, %dma_wait3A_180] : memref<2x10000x128xf32, #tpu.memory_space<hbm>> -> memref<1x80x128xf32, #tpu.memory_space<hbm>>
        %dma_wait3A_182 = tpu.memref_squeeze %dma_wait3A_181 : memref<1x80x128xf32, #tpu.memory_space<hbm>> -> memref<80x128xf32, #tpu.memory_space<hbm>>
        %dma_wait3A_183 = arith.constant 0 : i32
        %dma_wait3A_184 = tpu.memref_slice %arg9[%add3A_151, %dma_wait3A_183] : memref<10000x128xf32, #tpu.memory_space<vmem_shared>> -> memref<80x128xf32, #tpu.memory_space<vmem_shared>>
        tpu.wait_dma2 semaphore(%run_scoped3A : memref<!tpu.dma_semaphore, #tpu.memory_space<semaphore_mem>>) src(%dma_wait3A_184 : memref<80x128xf32, #tpu.memory_space<vmem_shared>>) dst(%dma_wait3A_182 : memref<80x128xf32, #tpu.memory_space<hbm>>)
        tpu.yield
      }) : () -> ()
    } else {
    }
    %mul3A_157 = arith.constant 640 : i32
    %mul3A_158 = arith.muli %arg1, %mul3A_157 : i32
    %add3A_159 = arith.constant 480 : i32
    %add3A_160 = arith.addi %mul3A_158, %add3A_159 : i32
    %lt3A_161 = arith.constant 10000 : i32
    %lt3A_162 = arith.cmpi slt, %add3A_160, %lt3A_161 : i32
    %convert_element_type3A_163 = arith.extui %lt3A_162 : i1 to i32
    %cond3A_164 = arith.constant 0 : i32
    %cond3A_165 = arith.cmpi ne, %convert_element_type3A_163, %cond3A_164 : i32
    scf.if %cond3A_165 {
      "tpu.region"() ({
        %run_scoped3A = tpu.sem_alloc : memref<!tpu.dma_semaphore, #tpu.memory_space<semaphore_mem>>
        %dma_start3A_175 = arith.constant 0 : i32
        %dma_start3A_176 = tpu.memref_slice %arg3[%arg0, %add3A_160, %dma_start3A_175] : memref<2x10000x128xf32, #tpu.memory_space<hbm>> -> memref<1x80x128xf32, #tpu.memory_space<hbm>>
        %dma_start3A_177 = tpu.memref_squeeze %dma_start3A_176 : memref<1x80x128xf32, #tpu.memory_space<hbm>> -> memref<80x128xf32, #tpu.memory_space<hbm>>
        %dma_start3A_178 = arith.constant 0 : i32
        %dma_start3A_179 = tpu.memref_slice %arg9[%add3A_160, %dma_start3A_178] : memref<10000x128xf32, #tpu.memory_space<vmem_shared>> -> memref<80x128xf32, #tpu.memory_space<vmem_shared>>
        tpu.enqueue_dma source(%dma_start3A_179 : memref<80x128xf32, #tpu.memory_space<vmem_shared>>) target(%dma_start3A_177 : memref<80x128xf32, #tpu.memory_space<hbm>>) target_semaphore(%run_scoped3A : memref<!tpu.dma_semaphore, #tpu.memory_space<semaphore_mem>>)
        %dma_wait3A_180 = arith.constant 0 : i32
        %dma_wait3A_181 = tpu.memref_slice %arg3[%arg0, %add3A_160, %dma_wait3A_180] : memref<2x10000x128xf32, #tpu.memory_space<hbm>> -> memref<1x80x128xf32, #tpu.memory_space<hbm>>
        %dma_wait3A_182 = tpu.memref_squeeze %dma_wait3A_181 : memref<1x80x128xf32, #tpu.memory_space<hbm>> -> memref<80x128xf32, #tpu.memory_space<hbm>>
        %dma_wait3A_183 = arith.constant 0 : i32
        %dma_wait3A_184 = tpu.memref_slice %arg9[%add3A_160, %dma_wait3A_183] : memref<10000x128xf32, #tpu.memory_space<vmem_shared>> -> memref<80x128xf32, #tpu.memory_space<vmem_shared>>
        tpu.wait_dma2 semaphore(%run_scoped3A : memref<!tpu.dma_semaphore, #tpu.memory_space<semaphore_mem>>) src(%dma_wait3A_184 : memref<80x128xf32, #tpu.memory_space<vmem_shared>>) dst(%dma_wait3A_182 : memref<80x128xf32, #tpu.memory_space<hbm>>)
        tpu.yield
      }) : () -> ()
    } else {
    }
    %mul3A_166 = arith.constant 640 : i32
    %mul3A_167 = arith.muli %arg1, %mul3A_166 : i32
    %add3A_168 = arith.constant 560 : i32
    %add3A_169 = arith.addi %mul3A_167, %add3A_168 : i32
    %lt3A_170 = arith.constant 10000 : i32
    %lt3A_171 = arith.cmpi slt, %add3A_169, %lt3A_170 : i32
    %convert_element_type3A_172 = arith.extui %lt3A_171 : i1 to i32
    %cond3A_173 = arith.constant 0 : i32
    %cond3A_174 = arith.cmpi ne, %convert_element_type3A_172, %cond3A_173 : i32
    scf.if %cond3A_174 {
      "tpu.region"() ({
        %run_scoped3A = tpu.sem_alloc : memref<!tpu.dma_semaphore, #tpu.memory_space<semaphore_mem>>
        %dma_start3A_175 = arith.constant 0 : i32
        %dma_start3A_176 = tpu.memref_slice %arg3[%arg0, %add3A_169, %dma_start3A_175] : memref<2x10000x128xf32, #tpu.memory_space<hbm>> -> memref<1x80x128xf32, #tpu.memory_space<hbm>>
        %dma_start3A_177 = tpu.memref_squeeze %dma_start3A_176 : memref<1x80x128xf32, #tpu.memory_space<hbm>> -> memref<80x128xf32, #tpu.memory_space<hbm>>
        %dma_start3A_178 = arith.constant 0 : i32
        %dma_start3A_179 = tpu.memref_slice %arg9[%add3A_169, %dma_start3A_178] : memref<10000x128xf32, #tpu.memory_space<vmem_shared>> -> memref<80x128xf32, #tpu.memory_space<vmem_shared>>
        tpu.enqueue_dma source(%dma_start3A_179 : memref<80x128xf32, #tpu.memory_space<vmem_shared>>) target(%dma_start3A_177 : memref<80x128xf32, #tpu.memory_space<hbm>>) target_semaphore(%run_scoped3A : memref<!tpu.dma_semaphore, #tpu.memory_space<semaphore_mem>>)
        %dma_wait3A_180 = arith.constant 0 : i32
        %dma_wait3A_181 = tpu.memref_slice %arg3[%arg0, %add3A_169, %dma_wait3A_180] : memref<2x10000x128xf32, #tpu.memory_space<hbm>> -> memref<1x80x128xf32, #tpu.memory_space<hbm>>
        %dma_wait3A_182 = tpu.memref_squeeze %dma_wait3A_181 : memref<1x80x128xf32, #tpu.memory_space<hbm>> -> memref<80x128xf32, #tpu.memory_space<hbm>>
        %dma_wait3A_183 = arith.constant 0 : i32
        %dma_wait3A_184 = tpu.memref_slice %arg9[%add3A_169, %dma_wait3A_183] : memref<10000x128xf32, #tpu.memory_space<vmem_shared>> -> memref<80x128xf32, #tpu.memory_space<vmem_shared>>
        tpu.wait_dma2 semaphore(%run_scoped3A : memref<!tpu.dma_semaphore, #tpu.memory_space<semaphore_mem>>) src(%dma_wait3A_184 : memref<80x128xf32, #tpu.memory_space<vmem_shared>>) dst(%dma_wait3A_182 : memref<80x128xf32, #tpu.memory_space<hbm>>)
        tpu.yield
      }) : () -> ()
    } else {
    }
    return
  }
}

#map = affine_map<(d0, d1) -> (0, 0)>
#map1 = affine_map<(d0, d1) -> (0)>
#map2 = affine_map<(d0, d1) -> (0, 0, 0)>
module attributes {stable_mosaic.version = 14 : i64} {
  func.func @_sc_agg_body(%arg0: i32, %arg1: i32, %arg2: memref<10000x128xf32, #tpu.memory_space<hbm>>, %arg3: memref<320256xi32, #tpu.memory_space<hbm>>, %arg4: memref<320256xi32, #tpu.memory_space<hbm>>, %arg5: memref<2x10000x128xf32, #tpu.memory_space<hbm>>, %arg6: memref<128xi32, #tpu.memory_space<vmem>>, %arg7: memref<128xi32, #tpu.memory_space<vmem>>, %arg8: memref<128xi32, #tpu.memory_space<vmem>>, %arg9: memref<128xi32, #tpu.memory_space<vmem>>, %arg10: memref<16xi32, #tpu.memory_space<vmem>>, %arg11: memref<16xi32, #tpu.memory_space<vmem>>, %arg12: memref<128x128xf32, #tpu.memory_space<vmem>>, %arg13: memref<128x128xf32, #tpu.memory_space<vmem>>, %arg14: memref<16x128xf32, #tpu.memory_space<vmem>>, %arg15: memref<80x128xf32, #tpu.memory_space<vmem>>, %arg16: memref<10000x128xf32, #tpu.memory_space<vmem_shared>>, %arg17: memref<!tpu.dma_semaphore, #tpu.memory_space<semaphore_mem>>, %arg18: memref<!tpu.dma_semaphore, #tpu.memory_space<semaphore_mem>>, %arg19: memref<!tpu.dma_semaphore, #tpu.memory_space<semaphore_mem>>, %arg20: memref<!tpu.dma_semaphore, #tpu.memory_space<semaphore_mem>>) attributes {dimension_semantics = [#tpu.dimension_semantics<core_parallel>, #tpu.dimension_semantics<subcore_parallel>], iteration_bounds = array<i64: 2, 16>, scalar_prefetch = 0 : i64, scratch_operands = 15 : i64, tpu.core_type = #tpu.core_type<sc_vector_subcore>, window_params = [{transform_indices = #map}, {transform_indices = #map1}, {transform_indices = #map1}, {transform_indices = #map2}]} {
    %mul3A = arith.constant 16 : i32
    %mul3A_0 = arith.muli %arg0, %mul3A : i32
    %add3A = arith.addi %mul3A_0, %arg1 : i32
    %mul3A_1 = arith.constant 10000 : i32
    %mul3A_2 = arith.muli %add3A, %mul3A_1 : i32
    %scan3A = arith.constant 0 : i32
    %scan3A_3 = arith.constant 80 : i32
    %scan3A_4 = arith.addi %scan3A, %scan3A_3 : i32
    %scan3A_5 = arith.constant 1 : i32
    scf.for %scan3A_188 = %scan3A to %scan3A_4 step %scan3A_5  : i32 {
      %mul3A_189 = arith.constant 1 : i32
      %mul3A_190 = arith.muli %scan3A_188, %mul3A_189 : i32
      %add3A_191 = arith.constant 0 : i32
      %add3A_192 = arith.addi %add3A_191, %mul3A_190 : i32
      %scan3A_193 = arith.constant 0 : i32
      %scan3A_194 = arith.constant 8 : i32
      %scan3A_195 = arith.addi %scan3A_193, %scan3A_194 : i32
      %scan3A_196 = arith.constant 1 : i32
      scf.for %scan3A_198 = %scan3A_193 to %scan3A_195 step %scan3A_196  : i32 {
        %mul3A_199 = arith.constant 16 : i32
        %mul3A_200 = arith.muli %scan3A_198, %mul3A_199 : i32
        %add3A_201 = arith.constant 0 : i32
        %add3A_202 = arith.addi %add3A_201, %mul3A_200 : i32
        %broadcast_in_dim3A = arith.constant 0.000000e+00 : f32
        %broadcast_in_dim3A_203 = vector.broadcast %broadcast_in_dim3A : f32 to vector<1x16xf32>
        %swap3A = arith.index_cast %add3A_192 : i32 to index
        %swap3A_204 = arith.index_cast %add3A_202 : i32 to index
        %swap3A_205 = tpu.vector_load %arg15[%swap3A, %swap3A_204] {strides = array<i32>} : memref<80x128xf32, #tpu.memory_space<vmem>>, vector<1x16xf32>,
        %swap3A_206 = vector.shape_cast %swap3A_205 : vector<1x16xf32> to vector<1x16xf32>
        %swap3A_207 = vector.shape_cast %broadcast_in_dim3A_203 : vector<1x16xf32> to vector<1x16xf32>
        tpu.vector_store %arg15[%swap3A, %swap3A_204], %swap3A_207 {strides = array<i32>} : memref<80x128xf32, #tpu.memory_space<vmem>>, vector<1x16xf32>,
      }
      %scan3A_197 = arith.constant 8 : i32
    }
    %scan3A_6 = arith.constant 80 : i32
    %mul3A_7 = arith.constant 640 : i32
    %mul3A_8 = arith.muli %arg1, %mul3A_7 : i32
    %add3A_9 = arith.constant 0 : i32
    %add3A_10 = arith.addi %mul3A_8, %add3A_9 : i32
    %lt3A = arith.constant 10000 : i32
    %lt3A_11 = arith.cmpi slt, %add3A_10, %lt3A : i32
    %convert_element_type3A = arith.extui %lt3A_11 : i1 to i32
    %cond3A = arith.constant 0 : i32
    %cond3A_12 = arith.cmpi ne, %convert_element_type3A, %cond3A : i32
    scf.if %cond3A_12 {
      "tpu.region"() ({
        %run_scoped3A = tpu.sem_alloc : memref<!tpu.dma_semaphore, #tpu.memory_space<semaphore_mem>>
        %dma_start3A_188 = arith.constant 0 : i32
        %dma_start3A_189 = tpu.memref_slice %arg16[%add3A_10, %dma_start3A_188] : memref<10000x128xf32, #tpu.memory_space<vmem_shared>> -> memref<80x128xf32, #tpu.memory_space<vmem_shared>>
        %dma_start3A_190 = arith.constant 0 : i32
        %dma_start3A_191 = tpu.memref_slice %arg16[%add3A_10, %dma_start3A_190] : memref<10000x128xf32, #tpu.memory_space<vmem_shared>> -> memref<80x128xf32, #tpu.memory_space<vmem_shared>>
        tpu.enqueue_dma source(%arg15 : memref<80x128xf32, #tpu.memory_space<vmem>>) target(%dma_start3A_191 : memref<80x128xf32, #tpu.memory_space<vmem_shared>>) target_semaphore(%run_scoped3A : memref<!tpu.dma_semaphore, #tpu.memory_space<semaphore_mem>>)
        %dma_wait3A_192 = arith.constant 0 : i32
        %dma_wait3A_193 = tpu.memref_slice %arg16[%add3A_10, %dma_wait3A_192] : memref<10000x128xf32, #tpu.memory_space<vmem_shared>> -> memref<80x128xf32, #tpu.memory_space<vmem_shared>>
        %dma_wait3A_194 = arith.constant 0 : i32
        %dma_wait3A_195 = tpu.memref_slice %arg16[%add3A_10, %dma_wait3A_194] : memref<10000x128xf32, #tpu.memory_space<vmem_shared>> -> memref<80x128xf32, #tpu.memory_space<vmem_shared>>
        tpu.wait_dma2 semaphore(%run_scoped3A : memref<!tpu.dma_semaphore, #tpu.memory_space<semaphore_mem>>) src(%arg15 : memref<80x128xf32, #tpu.memory_space<vmem>>) dst(%dma_wait3A_195 : memref<80x128xf32, #tpu.memory_space<vmem_shared>>)
        tpu.yield
      }) : () -> ()
    } else {
    }
    %mul3A_13 = arith.constant 640 : i32
    %mul3A_14 = arith.muli %arg1, %mul3A_13 : i32
    %add3A_15 = arith.constant 80 : i32
    %add3A_16 = arith.addi %mul3A_14, %add3A_15 : i32
    %lt3A_17 = arith.constant 10000 : i32
    %lt3A_18 = arith.cmpi slt, %add3A_16, %lt3A_17 : i32
    %convert_element_type3A_19 = arith.extui %lt3A_18 : i1 to i32
    %cond3A_20 = arith.constant 0 : i32
    %cond3A_21 = arith.cmpi ne, %convert_element_type3A_19, %cond3A_20 : i32
    scf.if %cond3A_21 {
      "tpu.region"() ({
        %run_scoped3A = tpu.sem_alloc : memref<!tpu.dma_semaphore, #tpu.memory_space<semaphore_mem>>
        %dma_start3A_188 = arith.constant 0 : i32
        %dma_start3A_189 = tpu.memref_slice %arg16[%add3A_16, %dma_start3A_188] : memref<10000x128xf32, #tpu.memory_space<vmem_shared>> -> memref<80x128xf32, #tpu.memory_space<vmem_shared>>
        %dma_start3A_190 = arith.constant 0 : i32
        %dma_start3A_191 = tpu.memref_slice %arg16[%add3A_16, %dma_start3A_190] : memref<10000x128xf32, #tpu.memory_space<vmem_shared>> -> memref<80x128xf32, #tpu.memory_space<vmem_shared>>
        tpu.enqueue_dma source(%arg15 : memref<80x128xf32, #tpu.memory_space<vmem>>) target(%dma_start3A_191 : memref<80x128xf32, #tpu.memory_space<vmem_shared>>) target_semaphore(%run_scoped3A : memref<!tpu.dma_semaphore, #tpu.memory_space<semaphore_mem>>)
        %dma_wait3A_192 = arith.constant 0 : i32
        %dma_wait3A_193 = tpu.memref_slice %arg16[%add3A_16, %dma_wait3A_192] : memref<10000x128xf32, #tpu.memory_space<vmem_shared>> -> memref<80x128xf32, #tpu.memory_space<vmem_shared>>
        %dma_wait3A_194 = arith.constant 0 : i32
        %dma_wait3A_195 = tpu.memref_slice %arg16[%add3A_16, %dma_wait3A_194] : memref<10000x128xf32, #tpu.memory_space<vmem_shared>> -> memref<80x128xf32, #tpu.memory_space<vmem_shared>>
        tpu.wait_dma2 semaphore(%run_scoped3A : memref<!tpu.dma_semaphore, #tpu.memory_space<semaphore_mem>>) src(%arg15 : memref<80x128xf32, #tpu.memory_space<vmem>>) dst(%dma_wait3A_195 : memref<80x128xf32, #tpu.memory_space<vmem_shared>>)
        tpu.yield
      }) : () -> ()
    } else {
    }
    %mul3A_22 = arith.constant 640 : i32
    %mul3A_23 = arith.muli %arg1, %mul3A_22 : i32
    %add3A_24 = arith.constant 160 : i32
    %add3A_25 = arith.addi %mul3A_23, %add3A_24 : i32
    %lt3A_26 = arith.constant 10000 : i32
    %lt3A_27 = arith.cmpi slt, %add3A_25, %lt3A_26 : i32
    %convert_element_type3A_28 = arith.extui %lt3A_27 : i1 to i32
    %cond3A_29 = arith.constant 0 : i32
    %cond3A_30 = arith.cmpi ne, %convert_element_type3A_28, %cond3A_29 : i32
    scf.if %cond3A_30 {
      "tpu.region"() ({
        %run_scoped3A = tpu.sem_alloc : memref<!tpu.dma_semaphore, #tpu.memory_space<semaphore_mem>>
        %dma_start3A_188 = arith.constant 0 : i32
        %dma_start3A_189 = tpu.memref_slice %arg16[%add3A_25, %dma_start3A_188] : memref<10000x128xf32, #tpu.memory_space<vmem_shared>> -> memref<80x128xf32, #tpu.memory_space<vmem_shared>>
        %dma_start3A_190 = arith.constant 0 : i32
        %dma_start3A_191 = tpu.memref_slice %arg16[%add3A_25, %dma_start3A_190] : memref<10000x128xf32, #tpu.memory_space<vmem_shared>> -> memref<80x128xf32, #tpu.memory_space<vmem_shared>>
        tpu.enqueue_dma source(%arg15 : memref<80x128xf32, #tpu.memory_space<vmem>>) target(%dma_start3A_191 : memref<80x128xf32, #tpu.memory_space<vmem_shared>>) target_semaphore(%run_scoped3A : memref<!tpu.dma_semaphore, #tpu.memory_space<semaphore_mem>>)
        %dma_wait3A_192 = arith.constant 0 : i32
        %dma_wait3A_193 = tpu.memref_slice %arg16[%add3A_25, %dma_wait3A_192] : memref<10000x128xf32, #tpu.memory_space<vmem_shared>> -> memref<80x128xf32, #tpu.memory_space<vmem_shared>>
        %dma_wait3A_194 = arith.constant 0 : i32
        %dma_wait3A_195 = tpu.memref_slice %arg16[%add3A_25, %dma_wait3A_194] : memref<10000x128xf32, #tpu.memory_space<vmem_shared>> -> memref<80x128xf32, #tpu.memory_space<vmem_shared>>
        tpu.wait_dma2 semaphore(%run_scoped3A : memref<!tpu.dma_semaphore, #tpu.memory_space<semaphore_mem>>) src(%arg15 : memref<80x128xf32, #tpu.memory_space<vmem>>) dst(%dma_wait3A_195 : memref<80x128xf32, #tpu.memory_space<vmem_shared>>)
        tpu.yield
      }) : () -> ()
    } else {
    }
    %mul3A_31 = arith.constant 640 : i32
    %mul3A_32 = arith.muli %arg1, %mul3A_31 : i32
    %add3A_33 = arith.constant 240 : i32
    %add3A_34 = arith.addi %mul3A_32, %add3A_33 : i32
    %lt3A_35 = arith.constant 10000 : i32
    %lt3A_36 = arith.cmpi slt, %add3A_34, %lt3A_35 : i32
    %convert_element_type3A_37 = arith.extui %lt3A_36 : i1 to i32
    %cond3A_38 = arith.constant 0 : i32
    %cond3A_39 = arith.cmpi ne, %convert_element_type3A_37, %cond3A_38 : i32
    scf.if %cond3A_39 {
      "tpu.region"() ({
        %run_scoped3A = tpu.sem_alloc : memref<!tpu.dma_semaphore, #tpu.memory_space<semaphore_mem>>
        %dma_start3A_188 = arith.constant 0 : i32
        %dma_start3A_189 = tpu.memref_slice %arg16[%add3A_34, %dma_start3A_188] : memref<10000x128xf32, #tpu.memory_space<vmem_shared>> -> memref<80x128xf32, #tpu.memory_space<vmem_shared>>
        %dma_start3A_190 = arith.constant 0 : i32
        %dma_start3A_191 = tpu.memref_slice %arg16[%add3A_34, %dma_start3A_190] : memref<10000x128xf32, #tpu.memory_space<vmem_shared>> -> memref<80x128xf32, #tpu.memory_space<vmem_shared>>
        tpu.enqueue_dma source(%arg15 : memref<80x128xf32, #tpu.memory_space<vmem>>) target(%dma_start3A_191 : memref<80x128xf32, #tpu.memory_space<vmem_shared>>) target_semaphore(%run_scoped3A : memref<!tpu.dma_semaphore, #tpu.memory_space<semaphore_mem>>)
        %dma_wait3A_192 = arith.constant 0 : i32
        %dma_wait3A_193 = tpu.memref_slice %arg16[%add3A_34, %dma_wait3A_192] : memref<10000x128xf32, #tpu.memory_space<vmem_shared>> -> memref<80x128xf32, #tpu.memory_space<vmem_shared>>
        %dma_wait3A_194 = arith.constant 0 : i32
        %dma_wait3A_195 = tpu.memref_slice %arg16[%add3A_34, %dma_wait3A_194] : memref<10000x128xf32, #tpu.memory_space<vmem_shared>> -> memref<80x128xf32, #tpu.memory_space<vmem_shared>>
        tpu.wait_dma2 semaphore(%run_scoped3A : memref<!tpu.dma_semaphore, #tpu.memory_space<semaphore_mem>>) src(%arg15 : memref<80x128xf32, #tpu.memory_space<vmem>>) dst(%dma_wait3A_195 : memref<80x128xf32, #tpu.memory_space<vmem_shared>>)
        tpu.yield
      }) : () -> ()
    } else {
    }
    %mul3A_40 = arith.constant 640 : i32
    %mul3A_41 = arith.muli %arg1, %mul3A_40 : i32
    %add3A_42 = arith.constant 320 : i32
    %add3A_43 = arith.addi %mul3A_41, %add3A_42 : i32
    %lt3A_44 = arith.constant 10000 : i32
    %lt3A_45 = arith.cmpi slt, %add3A_43, %lt3A_44 : i32
    %convert_element_type3A_46 = arith.extui %lt3A_45 : i1 to i32
    %cond3A_47 = arith.constant 0 : i32
    %cond3A_48 = arith.cmpi ne, %convert_element_type3A_46, %cond3A_47 : i32
    scf.if %cond3A_48 {
      "tpu.region"() ({
        %run_scoped3A = tpu.sem_alloc : memref<!tpu.dma_semaphore, #tpu.memory_space<semaphore_mem>>
        %dma_start3A_188 = arith.constant 0 : i32
        %dma_start3A_189 = tpu.memref_slice %arg16[%add3A_43, %dma_start3A_188] : memref<10000x128xf32, #tpu.memory_space<vmem_shared>> -> memref<80x128xf32, #tpu.memory_space<vmem_shared>>
        %dma_start3A_190 = arith.constant 0 : i32
        %dma_start3A_191 = tpu.memref_slice %arg16[%add3A_43, %dma_start3A_190] : memref<10000x128xf32, #tpu.memory_space<vmem_shared>> -> memref<80x128xf32, #tpu.memory_space<vmem_shared>>
        tpu.enqueue_dma source(%arg15 : memref<80x128xf32, #tpu.memory_space<vmem>>) target(%dma_start3A_191 : memref<80x128xf32, #tpu.memory_space<vmem_shared>>) target_semaphore(%run_scoped3A : memref<!tpu.dma_semaphore, #tpu.memory_space<semaphore_mem>>)
        %dma_wait3A_192 = arith.constant 0 : i32
        %dma_wait3A_193 = tpu.memref_slice %arg16[%add3A_43, %dma_wait3A_192] : memref<10000x128xf32, #tpu.memory_space<vmem_shared>> -> memref<80x128xf32, #tpu.memory_space<vmem_shared>>
        %dma_wait3A_194 = arith.constant 0 : i32
        %dma_wait3A_195 = tpu.memref_slice %arg16[%add3A_43, %dma_wait3A_194] : memref<10000x128xf32, #tpu.memory_space<vmem_shared>> -> memref<80x128xf32, #tpu.memory_space<vmem_shared>>
        tpu.wait_dma2 semaphore(%run_scoped3A : memref<!tpu.dma_semaphore, #tpu.memory_space<semaphore_mem>>) src(%arg15 : memref<80x128xf32, #tpu.memory_space<vmem>>) dst(%dma_wait3A_195 : memref<80x128xf32, #tpu.memory_space<vmem_shared>>)
        tpu.yield
      }) : () -> ()
    } else {
    }
    %mul3A_49 = arith.constant 640 : i32
    %mul3A_50 = arith.muli %arg1, %mul3A_49 : i32
    %add3A_51 = arith.constant 400 : i32
    %add3A_52 = arith.addi %mul3A_50, %add3A_51 : i32
    %lt3A_53 = arith.constant 10000 : i32
    %lt3A_54 = arith.cmpi slt, %add3A_52, %lt3A_53 : i32
    %convert_element_type3A_55 = arith.extui %lt3A_54 : i1 to i32
    %cond3A_56 = arith.constant 0 : i32
    %cond3A_57 = arith.cmpi ne, %convert_element_type3A_55, %cond3A_56 : i32
    scf.if %cond3A_57 {
      "tpu.region"() ({
        %run_scoped3A = tpu.sem_alloc : memref<!tpu.dma_semaphore, #tpu.memory_space<semaphore_mem>>
        %dma_start3A_188 = arith.constant 0 : i32
        %dma_start3A_189 = tpu.memref_slice %arg16[%add3A_52, %dma_start3A_188] : memref<10000x128xf32, #tpu.memory_space<vmem_shared>> -> memref<80x128xf32, #tpu.memory_space<vmem_shared>>
        %dma_start3A_190 = arith.constant 0 : i32
        %dma_start3A_191 = tpu.memref_slice %arg16[%add3A_52, %dma_start3A_190] : memref<10000x128xf32, #tpu.memory_space<vmem_shared>> -> memref<80x128xf32, #tpu.memory_space<vmem_shared>>
        tpu.enqueue_dma source(%arg15 : memref<80x128xf32, #tpu.memory_space<vmem>>) target(%dma_start3A_191 : memref<80x128xf32, #tpu.memory_space<vmem_shared>>) target_semaphore(%run_scoped3A : memref<!tpu.dma_semaphore, #tpu.memory_space<semaphore_mem>>)
        %dma_wait3A_192 = arith.constant 0 : i32
        %dma_wait3A_193 = tpu.memref_slice %arg16[%add3A_52, %dma_wait3A_192] : memref<10000x128xf32, #tpu.memory_space<vmem_shared>> -> memref<80x128xf32, #tpu.memory_space<vmem_shared>>
        %dma_wait3A_194 = arith.constant 0 : i32
        %dma_wait3A_195 = tpu.memref_slice %arg16[%add3A_52, %dma_wait3A_194] : memref<10000x128xf32, #tpu.memory_space<vmem_shared>> -> memref<80x128xf32, #tpu.memory_space<vmem_shared>>
        tpu.wait_dma2 semaphore(%run_scoped3A : memref<!tpu.dma_semaphore, #tpu.memory_space<semaphore_mem>>) src(%arg15 : memref<80x128xf32, #tpu.memory_space<vmem>>) dst(%dma_wait3A_195 : memref<80x128xf32, #tpu.memory_space<vmem_shared>>)
        tpu.yield
      }) : () -> ()
    } else {
    }
    %mul3A_58 = arith.constant 640 : i32
    %mul3A_59 = arith.muli %arg1, %mul3A_58 : i32
    %add3A_60 = arith.constant 480 : i32
    %add3A_61 = arith.addi %mul3A_59, %add3A_60 : i32
    %lt3A_62 = arith.constant 10000 : i32
    %lt3A_63 = arith.cmpi slt, %add3A_61, %lt3A_62 : i32
    %convert_element_type3A_64 = arith.extui %lt3A_63 : i1 to i32
    %cond3A_65 = arith.constant 0 : i32
    %cond3A_66 = arith.cmpi ne, %convert_element_type3A_64, %cond3A_65 : i32
    scf.if %cond3A_66 {
      "tpu.region"() ({
        %run_scoped3A = tpu.sem_alloc : memref<!tpu.dma_semaphore, #tpu.memory_space<semaphore_mem>>
        %dma_start3A_188 = arith.constant 0 : i32
        %dma_start3A_189 = tpu.memref_slice %arg16[%add3A_61, %dma_start3A_188] : memref<10000x128xf32, #tpu.memory_space<vmem_shared>> -> memref<80x128xf32, #tpu.memory_space<vmem_shared>>
        %dma_start3A_190 = arith.constant 0 : i32
        %dma_start3A_191 = tpu.memref_slice %arg16[%add3A_61, %dma_start3A_190] : memref<10000x128xf32, #tpu.memory_space<vmem_shared>> -> memref<80x128xf32, #tpu.memory_space<vmem_shared>>
        tpu.enqueue_dma source(%arg15 : memref<80x128xf32, #tpu.memory_space<vmem>>) target(%dma_start3A_191 : memref<80x128xf32, #tpu.memory_space<vmem_shared>>) target_semaphore(%run_scoped3A : memref<!tpu.dma_semaphore, #tpu.memory_space<semaphore_mem>>)
        %dma_wait3A_192 = arith.constant 0 : i32
        %dma_wait3A_193 = tpu.memref_slice %arg16[%add3A_61, %dma_wait3A_192] : memref<10000x128xf32, #tpu.memory_space<vmem_shared>> -> memref<80x128xf32, #tpu.memory_space<vmem_shared>>
        %dma_wait3A_194 = arith.constant 0 : i32
        %dma_wait3A_195 = tpu.memref_slice %arg16[%add3A_61, %dma_wait3A_194] : memref<10000x128xf32, #tpu.memory_space<vmem_shared>> -> memref<80x128xf32, #tpu.memory_space<vmem_shared>>
        tpu.wait_dma2 semaphore(%run_scoped3A : memref<!tpu.dma_semaphore, #tpu.memory_space<semaphore_mem>>) src(%arg15 : memref<80x128xf32, #tpu.memory_space<vmem>>) dst(%dma_wait3A_195 : memref<80x128xf32, #tpu.memory_space<vmem_shared>>)
        tpu.yield
      }) : () -> ()
    } else {
    }
    %mul3A_67 = arith.constant 640 : i32
    %mul3A_68 = arith.muli %arg1, %mul3A_67 : i32
    %add3A_69 = arith.constant 560 : i32
    %add3A_70 = arith.addi %mul3A_68, %add3A_69 : i32
    %lt3A_71 = arith.constant 10000 : i32
    %lt3A_72 = arith.cmpi slt, %add3A_70, %lt3A_71 : i32
    %convert_element_type3A_73 = arith.extui %lt3A_72 : i1 to i32
    %cond3A_74 = arith.constant 0 : i32
    %cond3A_75 = arith.cmpi ne, %convert_element_type3A_73, %cond3A_74 : i32
    scf.if %cond3A_75 {
      "tpu.region"() ({
        %run_scoped3A = tpu.sem_alloc : memref<!tpu.dma_semaphore, #tpu.memory_space<semaphore_mem>>
        %dma_start3A_188 = arith.constant 0 : i32
        %dma_start3A_189 = tpu.memref_slice %arg16[%add3A_70, %dma_start3A_188] : memref<10000x128xf32, #tpu.memory_space<vmem_shared>> -> memref<80x128xf32, #tpu.memory_space<vmem_shared>>
        %dma_start3A_190 = arith.constant 0 : i32
        %dma_start3A_191 = tpu.memref_slice %arg16[%add3A_70, %dma_start3A_190] : memref<10000x128xf32, #tpu.memory_space<vmem_shared>> -> memref<80x128xf32, #tpu.memory_space<vmem_shared>>
        tpu.enqueue_dma source(%arg15 : memref<80x128xf32, #tpu.memory_space<vmem>>) target(%dma_start3A_191 : memref<80x128xf32, #tpu.memory_space<vmem_shared>>) target_semaphore(%run_scoped3A : memref<!tpu.dma_semaphore, #tpu.memory_space<semaphore_mem>>)
        %dma_wait3A_192 = arith.constant 0 : i32
        %dma_wait3A_193 = tpu.memref_slice %arg16[%add3A_70, %dma_wait3A_192] : memref<10000x128xf32, #tpu.memory_space<vmem_shared>> -> memref<80x128xf32, #tpu.memory_space<vmem_shared>>
        %dma_wait3A_194 = arith.constant 0 : i32
        %dma_wait3A_195 = tpu.memref_slice %arg16[%add3A_70, %dma_wait3A_194] : memref<10000x128xf32, #tpu.memory_space<vmem_shared>> -> memref<80x128xf32, #tpu.memory_space<vmem_shared>>
        tpu.wait_dma2 semaphore(%run_scoped3A : memref<!tpu.dma_semaphore, #tpu.memory_space<semaphore_mem>>) src(%arg15 : memref<80x128xf32, #tpu.memory_space<vmem>>) dst(%dma_wait3A_195 : memref<80x128xf32, #tpu.memory_space<vmem_shared>>)
        tpu.yield
      }) : () -> ()
    } else {
    }
    %barrier3A = arith.constant 0 : index
    tpu.barrier barrier_id(%barrier3A)
    %add3A_76 = arith.constant 0 : i32
    %add3A_77 = arith.addi %mul3A_2, %add3A_76 : i32
    %dma_start3A = tpu.memref_slice %arg3[%add3A_77] : memref<320256xi32, #tpu.memory_space<hbm>> -> memref<128xi32, #tpu.memory_space<hbm>>
    %dma_start3A_78 = tpu.memref_slice %arg3[%add3A_77] : memref<320256xi32, #tpu.memory_space<hbm>> -> memref<128xi32, #tpu.memory_space<hbm>>
    tpu.enqueue_dma source(%dma_start3A_78 : memref<128xi32, #tpu.memory_space<hbm>>) target(%arg6 : memref<128xi32, #tpu.memory_space<vmem>>) target_semaphore(%arg19 : memref<!tpu.dma_semaphore, #tpu.memory_space<semaphore_mem>>)
    %dma_start3A_79 = tpu.memref_slice %arg4[%add3A_77] : memref<320256xi32, #tpu.memory_space<hbm>> -> memref<128xi32, #tpu.memory_space<hbm>>
    %dma_start3A_80 = tpu.memref_slice %arg4[%add3A_77] : memref<320256xi32, #tpu.memory_space<hbm>> -> memref<128xi32, #tpu.memory_space<hbm>>
    tpu.enqueue_dma source(%dma_start3A_80 : memref<128xi32, #tpu.memory_space<hbm>>) target(%arg7 : memref<128xi32, #tpu.memory_space<vmem>>) target_semaphore(%arg19 : memref<!tpu.dma_semaphore, #tpu.memory_space<semaphore_mem>>)
    %add3A_81 = arith.constant 128 : i32
    %add3A_82 = arith.addi %mul3A_2, %add3A_81 : i32
    %dma_start3A_83 = tpu.memref_slice %arg3[%add3A_82] : memref<320256xi32, #tpu.memory_space<hbm>> -> memref<128xi32, #tpu.memory_space<hbm>>
    %dma_start3A_84 = tpu.memref_slice %arg3[%add3A_82] : memref<320256xi32, #tpu.memory_space<hbm>> -> memref<128xi32, #tpu.memory_space<hbm>>
    tpu.enqueue_dma source(%dma_start3A_84 : memref<128xi32, #tpu.memory_space<hbm>>) target(%arg8 : memref<128xi32, #tpu.memory_space<vmem>>) target_semaphore(%arg20 : memref<!tpu.dma_semaphore, #tpu.memory_space<semaphore_mem>>)
    %dma_start3A_85 = tpu.memref_slice %arg4[%add3A_82] : memref<320256xi32, #tpu.memory_space<hbm>> -> memref<128xi32, #tpu.memory_space<hbm>>
    %dma_start3A_86 = tpu.memref_slice %arg4[%add3A_82] : memref<320256xi32, #tpu.memory_space<hbm>> -> memref<128xi32, #tpu.memory_space<hbm>>
    tpu.enqueue_dma source(%dma_start3A_86 : memref<128xi32, #tpu.memory_space<hbm>>) target(%arg9 : memref<128xi32, #tpu.memory_space<vmem>>) target_semaphore(%arg20 : memref<!tpu.dma_semaphore, #tpu.memory_space<semaphore_mem>>)
    %dma_wait3A = arith.constant 0 : i32
    %dma_wait3A_87 = tpu.memref_slice %arg3[%dma_wait3A] : memref<320256xi32, #tpu.memory_space<hbm>> -> memref<128xi32, #tpu.memory_space<hbm>>
    %dma_wait3A_88 = arith.constant 0 : i32
    %dma_wait3A_89 = tpu.memref_slice %arg3[%dma_wait3A_88] : memref<320256xi32, #tpu.memory_space<hbm>> -> memref<128xi32, #tpu.memory_space<hbm>>
    tpu.wait_dma2 semaphore(%arg19 : memref<!tpu.dma_semaphore, #tpu.memory_space<semaphore_mem>>) src(%dma_wait3A_89 : memref<128xi32, #tpu.memory_space<hbm>>) dst(%arg6 : memref<128xi32, #tpu.memory_space<vmem>>)
    %dma_wait3A_90 = arith.constant 0 : i32
    %dma_wait3A_91 = tpu.memref_slice %arg4[%dma_wait3A_90] : memref<320256xi32, #tpu.memory_space<hbm>> -> memref<128xi32, #tpu.memory_space<hbm>>
    %dma_wait3A_92 = arith.constant 0 : i32
    %dma_wait3A_93 = tpu.memref_slice %arg4[%dma_wait3A_92] : memref<320256xi32, #tpu.memory_space<hbm>> -> memref<128xi32, #tpu.memory_space<hbm>>
    tpu.wait_dma2 semaphore(%arg19 : memref<!tpu.dma_semaphore, #tpu.memory_space<semaphore_mem>>) src(%dma_wait3A_93 : memref<128xi32, #tpu.memory_space<hbm>>) dst(%arg7 : memref<128xi32, #tpu.memory_space<vmem>>)
    %dma_start3A_94 = arith.constant 0 : i32
    %dma_start3A_95 = arith.constant 0 : i32
    %dma_start3A_96 = tpu.memref_slice %arg2[%dma_start3A_94, %dma_start3A_95] : memref<10000x128xf32, #tpu.memory_space<hbm>> -> memref<10000x128xf32, #tpu.memory_space<hbm>>
    tpu.enqueue_indirect_dma source(%dma_start3A_96 : memref<10000x128xf32, #tpu.memory_space<hbm>>) target(%arg12 : memref<128x128xf32, #tpu.memory_space<vmem>>) offsets(%arg6 : memref<128xi32, #tpu.memory_space<vmem>>) semaphore(%arg17 : memref<!tpu.dma_semaphore, #tpu.memory_space<semaphore_mem>>)
    %scan3A_97 = arith.constant 0 : i32
    %scan3A_98 = arith.constant 39 : i32
    %scan3A_99 = arith.addi %scan3A_97, %scan3A_98 : i32
    %scan3A_100 = arith.constant 1 : i32
    scf.for %scan3A_188 = %scan3A_97 to %scan3A_99 step %scan3A_100  : i32 {
      %mul3A_189 = arith.constant 2 : i32
      %mul3A_190 = arith.muli %scan3A_188, %mul3A_189 : i32
      %add3A_191 = arith.constant 0 : i32
      %add3A_192 = arith.addi %add3A_191, %mul3A_190 : i32
      %dma_wait3A_193 = arith.constant 0 : i32
      %dma_wait3A_194 = tpu.memref_slice %arg3[%dma_wait3A_193] : memref<320256xi32, #tpu.memory_space<hbm>> -> memref<128xi32, #tpu.memory_space<hbm>>
      %dma_wait3A_195 = arith.constant 0 : i32
      %dma_wait3A_196 = tpu.memref_slice %arg3[%dma_wait3A_195] : memref<320256xi32, #tpu.memory_space<hbm>> -> memref<128xi32, #tpu.memory_space<hbm>>
      tpu.wait_dma2 semaphore(%arg20 : memref<!tpu.dma_semaphore, #tpu.memory_space<semaphore_mem>>) src(%dma_wait3A_196 : memref<128xi32, #tpu.memory_space<hbm>>) dst(%arg8 : memref<128xi32, #tpu.memory_space<vmem>>)
      %dma_wait3A_197 = arith.constant 0 : i32
      %dma_wait3A_198 = tpu.memref_slice %arg4[%dma_wait3A_197] : memref<320256xi32, #tpu.memory_space<hbm>> -> memref<128xi32, #tpu.memory_space<hbm>>
      %dma_wait3A_199 = arith.constant 0 : i32
      %dma_wait3A_200 = tpu.memref_slice %arg4[%dma_wait3A_199] : memref<320256xi32, #tpu.memory_space<hbm>> -> memref<128xi32, #tpu.memory_space<hbm>>
      tpu.wait_dma2 semaphore(%arg20 : memref<!tpu.dma_semaphore, #tpu.memory_space<semaphore_mem>>) src(%dma_wait3A_200 : memref<128xi32, #tpu.memory_space<hbm>>) dst(%arg9 : memref<128xi32, #tpu.memory_space<vmem>>)
      %dma_start3A_201 = arith.constant 0 : i32
      %dma_start3A_202 = arith.constant 0 : i32
      %dma_start3A_203 = tpu.memref_slice %arg2[%dma_start3A_201, %dma_start3A_202] : memref<10000x128xf32, #tpu.memory_space<hbm>> -> memref<10000x128xf32, #tpu.memory_space<hbm>>
      tpu.enqueue_indirect_dma source(%dma_start3A_203 : memref<10000x128xf32, #tpu.memory_space<hbm>>) target(%arg13 : memref<128x128xf32, #tpu.memory_space<vmem>>) offsets(%arg8 : memref<128xi32, #tpu.memory_space<vmem>>) semaphore(%arg18 : memref<!tpu.dma_semaphore, #tpu.memory_space<semaphore_mem>>)
      %dma_wait3A_204 = arith.constant 0 : i32
      %dma_wait3A_205 = arith.constant 0 : i32
      %dma_wait3A_206 = tpu.memref_slice %arg2[%dma_wait3A_204, %dma_wait3A_205] : memref<10000x128xf32, #tpu.memory_space<hbm>> -> memref<10000x128xf32, #tpu.memory_space<hbm>>
      tpu.wait_indirect_dma semaphore(%arg17 : memref<!tpu.dma_semaphore, #tpu.memory_space<semaphore_mem>>) src(%dma_wait3A_206 : memref<10000x128xf32, #tpu.memory_space<hbm>>) dst(%arg12 : memref<128x128xf32, #tpu.memory_space<vmem>>)
      "tpu.region"() ({
        %run_scoped3A = tpu.sem_alloc : memref<!tpu.dma_semaphore, #tpu.memory_space<semaphore_mem>>
        %dma_start3A_239 = arith.constant 0 : i32
        %dma_start3A_240 = arith.constant 0 : i32
        %dma_start3A_241 = tpu.memref_slice %arg16[%dma_start3A_239, %dma_start3A_240] : memref<10000x128xf32, #tpu.memory_space<vmem_shared>> -> memref<10000x128xf32, #tpu.memory_space<vmem_shared>>
        tpu.enqueue_indirect_dma source(%arg12 : memref<128x128xf32, #tpu.memory_space<vmem>>) target(%dma_start3A_241 : memref<10000x128xf32, #tpu.memory_space<vmem_shared>>) offsets(%arg7 : memref<128xi32, #tpu.memory_space<vmem>>) semaphore(%run_scoped3A : memref<!tpu.dma_semaphore, #tpu.memory_space<semaphore_mem>>) {add = true}
        %dma_wait3A_242 = arith.constant 0 : i32
        %dma_wait3A_243 = arith.constant 0 : i32
        %dma_wait3A_244 = tpu.memref_slice %arg16[%dma_wait3A_242, %dma_wait3A_243] : memref<10000x128xf32, #tpu.memory_space<vmem_shared>> -> memref<10000x128xf32, #tpu.memory_space<vmem_shared>>
        tpu.wait_indirect_dma semaphore(%run_scoped3A : memref<!tpu.dma_semaphore, #tpu.memory_space<semaphore_mem>>) src(%arg12 : memref<128x128xf32, #tpu.memory_space<vmem>>) dst(%dma_wait3A_244 : memref<10000x128xf32, #tpu.memory_space<vmem_shared>>)
        tpu.yield
      }) : () -> ()
      %add3A_207 = arith.constant 2 : i32
      %add3A_208 = arith.addi %add3A_192, %add3A_207 : i32
      %mul3A_209 = arith.constant 128 : i32
      %mul3A_210 = arith.muli %add3A_208, %mul3A_209 : i32
      %add3A_211 = arith.addi %mul3A_2, %mul3A_210 : i32
      %dma_start3A_212 = tpu.memref_slice %arg3[%add3A_211] : memref<320256xi32, #tpu.memory_space<hbm>> -> memref<128xi32, #tpu.memory_space<hbm>>
      %dma_start3A_213 = tpu.memref_slice %arg3[%add3A_211] : memref<320256xi32, #tpu.memory_space<hbm>> -> memref<128xi32, #tpu.memory_space<hbm>>
      tpu.enqueue_dma source(%dma_start3A_213 : memref<128xi32, #tpu.memory_space<hbm>>) target(%arg6 : memref<128xi32, #tpu.memory_space<vmem>>) target_semaphore(%arg19 : memref<!tpu.dma_semaphore, #tpu.memory_space<semaphore_mem>>)
      %dma_start3A_214 = tpu.memref_slice %arg4[%add3A_211] : memref<320256xi32, #tpu.memory_space<hbm>> -> memref<128xi32, #tpu.memory_space<hbm>>
      %dma_start3A_215 = tpu.memref_slice %arg4[%add3A_211] : memref<320256xi32, #tpu.memory_space<hbm>> -> memref<128xi32, #tpu.memory_space<hbm>>
      tpu.enqueue_dma source(%dma_start3A_215 : memref<128xi32, #tpu.memory_space<hbm>>) target(%arg7 : memref<128xi32, #tpu.memory_space<vmem>>) target_semaphore(%arg19 : memref<!tpu.dma_semaphore, #tpu.memory_space<semaphore_mem>>)
      %dma_wait3A_216 = arith.constant 0 : i32
      %dma_wait3A_217 = arith.constant 0 : i32
      %dma_wait3A_218 = tpu.memref_slice %arg2[%dma_wait3A_216, %dma_wait3A_217] : memref<10000x128xf32, #tpu.memory_space<hbm>> -> memref<10000x128xf32, #tpu.memory_space<hbm>>
      tpu.wait_indirect_dma semaphore(%arg18 : memref<!tpu.dma_semaphore, #tpu.memory_space<semaphore_mem>>) src(%dma_wait3A_218 : memref<10000x128xf32, #tpu.memory_space<hbm>>) dst(%arg13 : memref<128x128xf32, #tpu.memory_space<vmem>>)
      "tpu.region"() ({
        %run_scoped3A = tpu.sem_alloc : memref<!tpu.dma_semaphore, #tpu.memory_space<semaphore_mem>>
        %dma_start3A_239 = arith.constant 0 : i32
        %dma_start3A_240 = arith.constant 0 : i32
        %dma_start3A_241 = tpu.memref_slice %arg16[%dma_start3A_239, %dma_start3A_240] : memref<10000x128xf32, #tpu.memory_space<vmem_shared>> -> memref<10000x128xf32, #tpu.memory_space<vmem_shared>>
        tpu.enqueue_indirect_dma source(%arg13 : memref<128x128xf32, #tpu.memory_space<vmem>>) target(%dma_start3A_241 : memref<10000x128xf32, #tpu.memory_space<vmem_shared>>) offsets(%arg9 : memref<128xi32, #tpu.memory_space<vmem>>) semaphore(%run_scoped3A : memref<!tpu.dma_semaphore, #tpu.memory_space<semaphore_mem>>) {add = true}
        %dma_wait3A_242 = arith.constant 0 : i32
        %dma_wait3A_243 = arith.constant 0 : i32
        %dma_wait3A_244 = tpu.memref_slice %arg16[%dma_wait3A_242, %dma_wait3A_243] : memref<10000x128xf32, #tpu.memory_space<vmem_shared>> -> memref<10000x128xf32, #tpu.memory_space<vmem_shared>>
        tpu.wait_indirect_dma semaphore(%run_scoped3A : memref<!tpu.dma_semaphore, #tpu.memory_space<semaphore_mem>>) src(%arg13 : memref<128x128xf32, #tpu.memory_space<vmem>>) dst(%dma_wait3A_244 : memref<10000x128xf32, #tpu.memory_space<vmem_shared>>)
        tpu.yield
      }) : () -> ()
      %add3A_219 = arith.constant 3 : i32
      %add3A_220 = arith.addi %add3A_192, %add3A_219 : i32
      %mul3A_221 = arith.constant 128 : i32
      %mul3A_222 = arith.muli %add3A_220, %mul3A_221 : i32
      %add3A_223 = arith.addi %mul3A_2, %mul3A_222 : i32
      %dma_start3A_224 = tpu.memref_slice %arg3[%add3A_223] : memref<320256xi32, #tpu.memory_space<hbm>> -> memref<128xi32, #tpu.memory_space<hbm>>
      %dma_start3A_225 = tpu.memref_slice %arg3[%add3A_223] : memref<320256xi32, #tpu.memory_space<hbm>> -> memref<128xi32, #tpu.memory_space<hbm>>
      tpu.enqueue_dma source(%dma_start3A_225 : memref<128xi32, #tpu.memory_space<hbm>>) target(%arg8 : memref<128xi32, #tpu.memory_space<vmem>>) target_semaphore(%arg20 : memref<!tpu.dma_semaphore, #tpu.memory_space<semaphore_mem>>)
      %dma_start3A_226 = tpu.memref_slice %arg4[%add3A_223] : memref<320256xi32, #tpu.memory_space<hbm>> -> memref<128xi32, #tpu.memory_space<hbm>>
      %dma_start3A_227 = tpu.memref_slice %arg4[%add3A_223] : memref<320256xi32, #tpu.memory_space<hbm>> -> memref<128xi32, #tpu.memory_space<hbm>>
      tpu.enqueue_dma source(%dma_start3A_227 : memref<128xi32, #tpu.memory_space<hbm>>) target(%arg9 : memref<128xi32, #tpu.memory_space<vmem>>) target_semaphore(%arg20 : memref<!tpu.dma_semaphore, #tpu.memory_space<semaphore_mem>>)
      %dma_wait3A_228 = arith.constant 0 : i32
      %dma_wait3A_229 = tpu.memref_slice %arg3[%dma_wait3A_228] : memref<320256xi32, #tpu.memory_space<hbm>> -> memref<128xi32, #tpu.memory_space<hbm>>
      %dma_wait3A_230 = arith.constant 0 : i32
      %dma_wait3A_231 = tpu.memref_slice %arg3[%dma_wait3A_230] : memref<320256xi32, #tpu.memory_space<hbm>> -> memref<128xi32, #tpu.memory_space<hbm>>
      tpu.wait_dma2 semaphore(%arg19 : memref<!tpu.dma_semaphore, #tpu.memory_space<semaphore_mem>>) src(%dma_wait3A_231 : memref<128xi32, #tpu.memory_space<hbm>>) dst(%arg6 : memref<128xi32, #tpu.memory_space<vmem>>)
      %dma_wait3A_232 = arith.constant 0 : i32
      %dma_wait3A_233 = tpu.memref_slice %arg4[%dma_wait3A_232] : memref<320256xi32, #tpu.memory_space<hbm>> -> memref<128xi32, #tpu.memory_space<hbm>>
      %dma_wait3A_234 = arith.constant 0 : i32
      %dma_wait3A_235 = tpu.memref_slice %arg4[%dma_wait3A_234] : memref<320256xi32, #tpu.memory_space<hbm>> -> memref<128xi32, #tpu.memory_space<hbm>>
      tpu.wait_dma2 semaphore(%arg19 : memref<!tpu.dma_semaphore, #tpu.memory_space<semaphore_mem>>) src(%dma_wait3A_235 : memref<128xi32, #tpu.memory_space<hbm>>) dst(%arg7 : memref<128xi32, #tpu.memory_space<vmem>>)
      %dma_start3A_236 = arith.constant 0 : i32
      %dma_start3A_237 = arith.constant 0 : i32
      %dma_start3A_238 = tpu.memref_slice %arg2[%dma_start3A_236, %dma_start3A_237] : memref<10000x128xf32, #tpu.memory_space<hbm>> -> memref<10000x128xf32, #tpu.memory_space<hbm>>
      tpu.enqueue_indirect_dma source(%dma_start3A_238 : memref<10000x128xf32, #tpu.memory_space<hbm>>) target(%arg12 : memref<128x128xf32, #tpu.memory_space<vmem>>) offsets(%arg6 : memref<128xi32, #tpu.memory_space<vmem>>) semaphore(%arg17 : memref<!tpu.dma_semaphore, #tpu.memory_space<semaphore_mem>>)
    }
    %scan3A_101 = arith.constant 39 : i32
    %dma_wait3A_102 = arith.constant 0 : i32
    %dma_wait3A_103 = arith.constant 0 : i32
    %dma_wait3A_104 = tpu.memref_slice %arg2[%dma_wait3A_102, %dma_wait3A_103] : memref<10000x128xf32, #tpu.memory_space<hbm>> -> memref<10000x128xf32, #tpu.memory_space<hbm>>
    tpu.wait_indirect_dma semaphore(%arg17 : memref<!tpu.dma_semaphore, #tpu.memory_space<semaphore_mem>>) src(%dma_wait3A_104 : memref<10000x128xf32, #tpu.memory_space<hbm>>) dst(%arg12 : memref<128x128xf32, #tpu.memory_space<vmem>>)
    %dma_wait3A_105 = arith.constant 0 : i32
    %dma_wait3A_106 = tpu.memref_slice %arg3[%dma_wait3A_105] : memref<320256xi32, #tpu.memory_space<hbm>> -> memref<128xi32, #tpu.memory_space<hbm>>
    %dma_wait3A_107 = arith.constant 0 : i32
    %dma_wait3A_108 = tpu.memref_slice %arg3[%dma_wait3A_107] : memref<320256xi32, #tpu.memory_space<hbm>> -> memref<128xi32, #tpu.memory_space<hbm>>
    tpu.wait_dma2 semaphore(%arg20 : memref<!tpu.dma_semaphore, #tpu.memory_space<semaphore_mem>>) src(%dma_wait3A_108 : memref<128xi32, #tpu.memory_space<hbm>>) dst(%arg8 : memref<128xi32, #tpu.memory_space<vmem>>)
    %dma_wait3A_109 = arith.constant 0 : i32
    %dma_wait3A_110 = tpu.memref_slice %arg4[%dma_wait3A_109] : memref<320256xi32, #tpu.memory_space<hbm>> -> memref<128xi32, #tpu.memory_space<hbm>>
    %dma_wait3A_111 = arith.constant 0 : i32
    %dma_wait3A_112 = tpu.memref_slice %arg4[%dma_wait3A_111] : memref<320256xi32, #tpu.memory_space<hbm>> -> memref<128xi32, #tpu.memory_space<hbm>>
    tpu.wait_dma2 semaphore(%arg20 : memref<!tpu.dma_semaphore, #tpu.memory_space<semaphore_mem>>) src(%dma_wait3A_112 : memref<128xi32, #tpu.memory_space<hbm>>) dst(%arg9 : memref<128xi32, #tpu.memory_space<vmem>>)
    %add3A_113 = arith.constant 9984 : i32
    %add3A_114 = arith.addi %mul3A_2, %add3A_113 : i32
    "tpu.region"() ({
      %run_scoped3A = tpu.sem_alloc : memref<!tpu.dma_semaphore, #tpu.memory_space<semaphore_mem>>
      %dma_start3A_188 = tpu.memref_slice %arg3[%add3A_114] : memref<320256xi32, #tpu.memory_space<hbm>> -> memref<16xi32, #tpu.memory_space<hbm>>
      %dma_start3A_189 = tpu.memref_slice %arg3[%add3A_114] : memref<320256xi32, #tpu.memory_space<hbm>> -> memref<16xi32, #tpu.memory_space<hbm>>
      tpu.enqueue_dma source(%dma_start3A_189 : memref<16xi32, #tpu.memory_space<hbm>>) target(%arg10 : memref<16xi32, #tpu.memory_space<vmem>>) target_semaphore(%run_scoped3A : memref<!tpu.dma_semaphore, #tpu.memory_space<semaphore_mem>>)
      %dma_wait3A_190 = tpu.memref_slice %arg3[%add3A_114] : memref<320256xi32, #tpu.memory_space<hbm>> -> memref<16xi32, #tpu.memory_space<hbm>>
      %dma_wait3A_191 = tpu.memref_slice %arg3[%add3A_114] : memref<320256xi32, #tpu.memory_space<hbm>> -> memref<16xi32, #tpu.memory_space<hbm>>
      tpu.wait_dma2 semaphore(%run_scoped3A : memref<!tpu.dma_semaphore, #tpu.memory_space<semaphore_mem>>) src(%dma_wait3A_191 : memref<16xi32, #tpu.memory_space<hbm>>) dst(%arg10 : memref<16xi32, #tpu.memory_space<vmem>>)
      tpu.yield
    }) : () -> ()
    "tpu.region"() ({
      %run_scoped3A = tpu.sem_alloc : memref<!tpu.dma_semaphore, #tpu.memory_space<semaphore_mem>>
      %dma_start3A_188 = tpu.memref_slice %arg4[%add3A_114] : memref<320256xi32, #tpu.memory_space<hbm>> -> memref<16xi32, #tpu.memory_space<hbm>>
      %dma_start3A_189 = tpu.memref_slice %arg4[%add3A_114] : memref<320256xi32, #tpu.memory_space<hbm>> -> memref<16xi32, #tpu.memory_space<hbm>>
      tpu.enqueue_dma source(%dma_start3A_189 : memref<16xi32, #tpu.memory_space<hbm>>) target(%arg11 : memref<16xi32, #tpu.memory_space<vmem>>) target_semaphore(%run_scoped3A : memref<!tpu.dma_semaphore, #tpu.memory_space<semaphore_mem>>)
      %dma_wait3A_190 = tpu.memref_slice %arg4[%add3A_114] : memref<320256xi32, #tpu.memory_space<hbm>> -> memref<16xi32, #tpu.memory_space<hbm>>
      %dma_wait3A_191 = tpu.memref_slice %arg4[%add3A_114] : memref<320256xi32, #tpu.memory_space<hbm>> -> memref<16xi32, #tpu.memory_space<hbm>>
      tpu.wait_dma2 semaphore(%run_scoped3A : memref<!tpu.dma_semaphore, #tpu.memory_space<semaphore_mem>>) src(%dma_wait3A_191 : memref<16xi32, #tpu.memory_space<hbm>>) dst(%arg11 : memref<16xi32, #tpu.memory_space<vmem>>)
      tpu.yield
    }) : () -> ()
    "tpu.region"() ({
      %run_scoped3A = tpu.sem_alloc : memref<!tpu.dma_semaphore, #tpu.memory_space<semaphore_mem>>
      %dma_start3A_188 = arith.constant 0 : i32
      %dma_start3A_189 = arith.constant 0 : i32
      %dma_start3A_190 = tpu.memref_slice %arg2[%dma_start3A_188, %dma_start3A_189] : memref<10000x128xf32, #tpu.memory_space<hbm>> -> memref<10000x128xf32, #tpu.memory_space<hbm>>
      tpu.enqueue_indirect_dma source(%dma_start3A_190 : memref<10000x128xf32, #tpu.memory_space<hbm>>) target(%arg14 : memref<16x128xf32, #tpu.memory_space<vmem>>) offsets(%arg10 : memref<16xi32, #tpu.memory_space<vmem>>) semaphore(%run_scoped3A : memref<!tpu.dma_semaphore, #tpu.memory_space<semaphore_mem>>)
      %dma_wait3A_191 = arith.constant 0 : i32
      %dma_wait3A_192 = arith.constant 0 : i32
      %dma_wait3A_193 = tpu.memref_slice %arg2[%dma_wait3A_191, %dma_wait3A_192] : memref<10000x128xf32, #tpu.memory_space<hbm>> -> memref<10000x128xf32, #tpu.memory_space<hbm>>
      tpu.wait_indirect_dma semaphore(%run_scoped3A : memref<!tpu.dma_semaphore, #tpu.memory_space<semaphore_mem>>) src(%dma_wait3A_193 : memref<10000x128xf32, #tpu.memory_space<hbm>>) dst(%arg14 : memref<16x128xf32, #tpu.memory_space<vmem>>)
      tpu.yield
    }) : () -> ()
    "tpu.region"() ({
      %run_scoped3A = tpu.sem_alloc : memref<!tpu.dma_semaphore, #tpu.memory_space<semaphore_mem>>
      %dma_start3A_188 = arith.constant 0 : i32
      %dma_start3A_189 = arith.constant 0 : i32
      %dma_start3A_190 = tpu.memref_slice %arg16[%dma_start3A_188, %dma_start3A_189] : memref<10000x128xf32, #tpu.memory_space<vmem_shared>> -> memref<10000x128xf32, #tpu.memory_space<vmem_shared>>
      tpu.enqueue_indirect_dma source(%arg14 : memref<16x128xf32, #tpu.memory_space<vmem>>) target(%dma_start3A_190 : memref<10000x128xf32, #tpu.memory_space<vmem_shared>>) offsets(%arg11 : memref<16xi32, #tpu.memory_space<vmem>>) semaphore(%run_scoped3A : memref<!tpu.dma_semaphore, #tpu.memory_space<semaphore_mem>>) {add = true}
      %dma_wait3A_191 = arith.constant 0 : i32
      %dma_wait3A_192 = arith.constant 0 : i32
      %dma_wait3A_193 = tpu.memref_slice %arg16[%dma_wait3A_191, %dma_wait3A_192] : memref<10000x128xf32, #tpu.memory_space<vmem_shared>> -> memref<10000x128xf32, #tpu.memory_space<vmem_shared>>
      tpu.wait_indirect_dma semaphore(%run_scoped3A : memref<!tpu.dma_semaphore, #tpu.memory_space<semaphore_mem>>) src(%arg14 : memref<16x128xf32, #tpu.memory_space<vmem>>) dst(%dma_wait3A_193 : memref<10000x128xf32, #tpu.memory_space<vmem_shared>>)
      tpu.yield
    }) : () -> ()
    %barrier3A_115 = arith.constant 0 : index
    tpu.barrier barrier_id(%barrier3A_115)
    %mul3A_116 = arith.constant 640 : i32
    %mul3A_117 = arith.muli %arg1, %mul3A_116 : i32
    %add3A_118 = arith.constant 0 : i32
    %add3A_119 = arith.addi %mul3A_117, %add3A_118 : i32
    %lt3A_120 = arith.constant 10000 : i32
    %lt3A_121 = arith.cmpi slt, %add3A_119, %lt3A_120 : i32
    %convert_element_type3A_122 = arith.extui %lt3A_121 : i1 to i32
    %cond3A_123 = arith.constant 0 : i32
    %cond3A_124 = arith.cmpi ne, %convert_element_type3A_122, %cond3A_123 : i32
    scf.if %cond3A_124 {
      "tpu.region"() ({
        %run_scoped3A = tpu.sem_alloc : memref<!tpu.dma_semaphore, #tpu.memory_space<semaphore_mem>>
        %dma_start3A_188 = arith.constant 0 : i32
        %dma_start3A_189 = tpu.memref_slice %arg5[%arg0, %add3A_119, %dma_start3A_188] : memref<2x10000x128xf32, #tpu.memory_space<hbm>> -> memref<1x80x128xf32, #tpu.memory_space<hbm>>
        %dma_start3A_190 = tpu.memref_squeeze %dma_start3A_189 : memref<1x80x128xf32, #tpu.memory_space<hbm>> -> memref<80x128xf32, #tpu.memory_space<hbm>>
        %dma_start3A_191 = arith.constant 0 : i32
        %dma_start3A_192 = tpu.memref_slice %arg16[%add3A_119, %dma_start3A_191] : memref<10000x128xf32, #tpu.memory_space<vmem_shared>> -> memref<80x128xf32, #tpu.memory_space<vmem_shared>>
        tpu.enqueue_dma source(%dma_start3A_192 : memref<80x128xf32, #tpu.memory_space<vmem_shared>>) target(%dma_start3A_190 : memref<80x128xf32, #tpu.memory_space<hbm>>) target_semaphore(%run_scoped3A : memref<!tpu.dma_semaphore, #tpu.memory_space<semaphore_mem>>)
        %dma_wait3A_193 = arith.constant 0 : i32
        %dma_wait3A_194 = tpu.memref_slice %arg5[%arg0, %add3A_119, %dma_wait3A_193] : memref<2x10000x128xf32, #tpu.memory_space<hbm>> -> memref<1x80x128xf32, #tpu.memory_space<hbm>>
        %dma_wait3A_195 = tpu.memref_squeeze %dma_wait3A_194 : memref<1x80x128xf32, #tpu.memory_space<hbm>> -> memref<80x128xf32, #tpu.memory_space<hbm>>
        %dma_wait3A_196 = arith.constant 0 : i32
        %dma_wait3A_197 = tpu.memref_slice %arg16[%add3A_119, %dma_wait3A_196] : memref<10000x128xf32, #tpu.memory_space<vmem_shared>> -> memref<80x128xf32, #tpu.memory_space<vmem_shared>>
        tpu.wait_dma2 semaphore(%run_scoped3A : memref<!tpu.dma_semaphore, #tpu.memory_space<semaphore_mem>>) src(%dma_wait3A_197 : memref<80x128xf32, #tpu.memory_space<vmem_shared>>) dst(%dma_wait3A_195 : memref<80x128xf32, #tpu.memory_space<hbm>>)
        tpu.yield
      }) : () -> ()
    } else {
    }
    %mul3A_125 = arith.constant 640 : i32
    %mul3A_126 = arith.muli %arg1, %mul3A_125 : i32
    %add3A_127 = arith.constant 80 : i32
    %add3A_128 = arith.addi %mul3A_126, %add3A_127 : i32
    %lt3A_129 = arith.constant 10000 : i32
    %lt3A_130 = arith.cmpi slt, %add3A_128, %lt3A_129 : i32
    %convert_element_type3A_131 = arith.extui %lt3A_130 : i1 to i32
    %cond3A_132 = arith.constant 0 : i32
    %cond3A_133 = arith.cmpi ne, %convert_element_type3A_131, %cond3A_132 : i32
    scf.if %cond3A_133 {
      "tpu.region"() ({
        %run_scoped3A = tpu.sem_alloc : memref<!tpu.dma_semaphore, #tpu.memory_space<semaphore_mem>>
        %dma_start3A_188 = arith.constant 0 : i32
        %dma_start3A_189 = tpu.memref_slice %arg5[%arg0, %add3A_128, %dma_start3A_188] : memref<2x10000x128xf32, #tpu.memory_space<hbm>> -> memref<1x80x128xf32, #tpu.memory_space<hbm>>
        %dma_start3A_190 = tpu.memref_squeeze %dma_start3A_189 : memref<1x80x128xf32, #tpu.memory_space<hbm>> -> memref<80x128xf32, #tpu.memory_space<hbm>>
        %dma_start3A_191 = arith.constant 0 : i32
        %dma_start3A_192 = tpu.memref_slice %arg16[%add3A_128, %dma_start3A_191] : memref<10000x128xf32, #tpu.memory_space<vmem_shared>> -> memref<80x128xf32, #tpu.memory_space<vmem_shared>>
        tpu.enqueue_dma source(%dma_start3A_192 : memref<80x128xf32, #tpu.memory_space<vmem_shared>>) target(%dma_start3A_190 : memref<80x128xf32, #tpu.memory_space<hbm>>) target_semaphore(%run_scoped3A : memref<!tpu.dma_semaphore, #tpu.memory_space<semaphore_mem>>)
        %dma_wait3A_193 = arith.constant 0 : i32
        %dma_wait3A_194 = tpu.memref_slice %arg5[%arg0, %add3A_128, %dma_wait3A_193] : memref<2x10000x128xf32, #tpu.memory_space<hbm>> -> memref<1x80x128xf32, #tpu.memory_space<hbm>>
        %dma_wait3A_195 = tpu.memref_squeeze %dma_wait3A_194 : memref<1x80x128xf32, #tpu.memory_space<hbm>> -> memref<80x128xf32, #tpu.memory_space<hbm>>
        %dma_wait3A_196 = arith.constant 0 : i32
        %dma_wait3A_197 = tpu.memref_slice %arg16[%add3A_128, %dma_wait3A_196] : memref<10000x128xf32, #tpu.memory_space<vmem_shared>> -> memref<80x128xf32, #tpu.memory_space<vmem_shared>>
        tpu.wait_dma2 semaphore(%run_scoped3A : memref<!tpu.dma_semaphore, #tpu.memory_space<semaphore_mem>>) src(%dma_wait3A_197 : memref<80x128xf32, #tpu.memory_space<vmem_shared>>) dst(%dma_wait3A_195 : memref<80x128xf32, #tpu.memory_space<hbm>>)
        tpu.yield
      }) : () -> ()
    } else {
    }
    %mul3A_134 = arith.constant 640 : i32
    %mul3A_135 = arith.muli %arg1, %mul3A_134 : i32
    %add3A_136 = arith.constant 160 : i32
    %add3A_137 = arith.addi %mul3A_135, %add3A_136 : i32
    %lt3A_138 = arith.constant 10000 : i32
    %lt3A_139 = arith.cmpi slt, %add3A_137, %lt3A_138 : i32
    %convert_element_type3A_140 = arith.extui %lt3A_139 : i1 to i32
    %cond3A_141 = arith.constant 0 : i32
    %cond3A_142 = arith.cmpi ne, %convert_element_type3A_140, %cond3A_141 : i32
    scf.if %cond3A_142 {
      "tpu.region"() ({
        %run_scoped3A = tpu.sem_alloc : memref<!tpu.dma_semaphore, #tpu.memory_space<semaphore_mem>>
        %dma_start3A_188 = arith.constant 0 : i32
        %dma_start3A_189 = tpu.memref_slice %arg5[%arg0, %add3A_137, %dma_start3A_188] : memref<2x10000x128xf32, #tpu.memory_space<hbm>> -> memref<1x80x128xf32, #tpu.memory_space<hbm>>
        %dma_start3A_190 = tpu.memref_squeeze %dma_start3A_189 : memref<1x80x128xf32, #tpu.memory_space<hbm>> -> memref<80x128xf32, #tpu.memory_space<hbm>>
        %dma_start3A_191 = arith.constant 0 : i32
        %dma_start3A_192 = tpu.memref_slice %arg16[%add3A_137, %dma_start3A_191] : memref<10000x128xf32, #tpu.memory_space<vmem_shared>> -> memref<80x128xf32, #tpu.memory_space<vmem_shared>>
        tpu.enqueue_dma source(%dma_start3A_192 : memref<80x128xf32, #tpu.memory_space<vmem_shared>>) target(%dma_start3A_190 : memref<80x128xf32, #tpu.memory_space<hbm>>) target_semaphore(%run_scoped3A : memref<!tpu.dma_semaphore, #tpu.memory_space<semaphore_mem>>)
        %dma_wait3A_193 = arith.constant 0 : i32
        %dma_wait3A_194 = tpu.memref_slice %arg5[%arg0, %add3A_137, %dma_wait3A_193] : memref<2x10000x128xf32, #tpu.memory_space<hbm>> -> memref<1x80x128xf32, #tpu.memory_space<hbm>>
        %dma_wait3A_195 = tpu.memref_squeeze %dma_wait3A_194 : memref<1x80x128xf32, #tpu.memory_space<hbm>> -> memref<80x128xf32, #tpu.memory_space<hbm>>
        %dma_wait3A_196 = arith.constant 0 : i32
        %dma_wait3A_197 = tpu.memref_slice %arg16[%add3A_137, %dma_wait3A_196] : memref<10000x128xf32, #tpu.memory_space<vmem_shared>> -> memref<80x128xf32, #tpu.memory_space<vmem_shared>>
        tpu.wait_dma2 semaphore(%run_scoped3A : memref<!tpu.dma_semaphore, #tpu.memory_space<semaphore_mem>>) src(%dma_wait3A_197 : memref<80x128xf32, #tpu.memory_space<vmem_shared>>) dst(%dma_wait3A_195 : memref<80x128xf32, #tpu.memory_space<hbm>>)
        tpu.yield
      }) : () -> ()
    } else {
    }
    %mul3A_143 = arith.constant 640 : i32
    %mul3A_144 = arith.muli %arg1, %mul3A_143 : i32
    %add3A_145 = arith.constant 240 : i32
    %add3A_146 = arith.addi %mul3A_144, %add3A_145 : i32
    %lt3A_147 = arith.constant 10000 : i32
    %lt3A_148 = arith.cmpi slt, %add3A_146, %lt3A_147 : i32
    %convert_element_type3A_149 = arith.extui %lt3A_148 : i1 to i32
    %cond3A_150 = arith.constant 0 : i32
    %cond3A_151 = arith.cmpi ne, %convert_element_type3A_149, %cond3A_150 : i32
    scf.if %cond3A_151 {
      "tpu.region"() ({
        %run_scoped3A = tpu.sem_alloc : memref<!tpu.dma_semaphore, #tpu.memory_space<semaphore_mem>>
        %dma_start3A_188 = arith.constant 0 : i32
        %dma_start3A_189 = tpu.memref_slice %arg5[%arg0, %add3A_146, %dma_start3A_188] : memref<2x10000x128xf32, #tpu.memory_space<hbm>> -> memref<1x80x128xf32, #tpu.memory_space<hbm>>
        %dma_start3A_190 = tpu.memref_squeeze %dma_start3A_189 : memref<1x80x128xf32, #tpu.memory_space<hbm>> -> memref<80x128xf32, #tpu.memory_space<hbm>>
        %dma_start3A_191 = arith.constant 0 : i32
        %dma_start3A_192 = tpu.memref_slice %arg16[%add3A_146, %dma_start3A_191] : memref<10000x128xf32, #tpu.memory_space<vmem_shared>> -> memref<80x128xf32, #tpu.memory_space<vmem_shared>>
        tpu.enqueue_dma source(%dma_start3A_192 : memref<80x128xf32, #tpu.memory_space<vmem_shared>>) target(%dma_start3A_190 : memref<80x128xf32, #tpu.memory_space<hbm>>) target_semaphore(%run_scoped3A : memref<!tpu.dma_semaphore, #tpu.memory_space<semaphore_mem>>)
        %dma_wait3A_193 = arith.constant 0 : i32
        %dma_wait3A_194 = tpu.memref_slice %arg5[%arg0, %add3A_146, %dma_wait3A_193] : memref<2x10000x128xf32, #tpu.memory_space<hbm>> -> memref<1x80x128xf32, #tpu.memory_space<hbm>>
        %dma_wait3A_195 = tpu.memref_squeeze %dma_wait3A_194 : memref<1x80x128xf32, #tpu.memory_space<hbm>> -> memref<80x128xf32, #tpu.memory_space<hbm>>
        %dma_wait3A_196 = arith.constant 0 : i32
        %dma_wait3A_197 = tpu.memref_slice %arg16[%add3A_146, %dma_wait3A_196] : memref<10000x128xf32, #tpu.memory_space<vmem_shared>> -> memref<80x128xf32, #tpu.memory_space<vmem_shared>>
        tpu.wait_dma2 semaphore(%run_scoped3A : memref<!tpu.dma_semaphore, #tpu.memory_space<semaphore_mem>>) src(%dma_wait3A_197 : memref<80x128xf32, #tpu.memory_space<vmem_shared>>) dst(%dma_wait3A_195 : memref<80x128xf32, #tpu.memory_space<hbm>>)
        tpu.yield
      }) : () -> ()
    } else {
    }
    %mul3A_152 = arith.constant 640 : i32
    %mul3A_153 = arith.muli %arg1, %mul3A_152 : i32
    %add3A_154 = arith.constant 320 : i32
    %add3A_155 = arith.addi %mul3A_153, %add3A_154 : i32
    %lt3A_156 = arith.constant 10000 : i32
    %lt3A_157 = arith.cmpi slt, %add3A_155, %lt3A_156 : i32
    %convert_element_type3A_158 = arith.extui %lt3A_157 : i1 to i32
    %cond3A_159 = arith.constant 0 : i32
    %cond3A_160 = arith.cmpi ne, %convert_element_type3A_158, %cond3A_159 : i32
    scf.if %cond3A_160 {
      "tpu.region"() ({
        %run_scoped3A = tpu.sem_alloc : memref<!tpu.dma_semaphore, #tpu.memory_space<semaphore_mem>>
        %dma_start3A_188 = arith.constant 0 : i32
        %dma_start3A_189 = tpu.memref_slice %arg5[%arg0, %add3A_155, %dma_start3A_188] : memref<2x10000x128xf32, #tpu.memory_space<hbm>> -> memref<1x80x128xf32, #tpu.memory_space<hbm>>
        %dma_start3A_190 = tpu.memref_squeeze %dma_start3A_189 : memref<1x80x128xf32, #tpu.memory_space<hbm>> -> memref<80x128xf32, #tpu.memory_space<hbm>>
        %dma_start3A_191 = arith.constant 0 : i32
        %dma_start3A_192 = tpu.memref_slice %arg16[%add3A_155, %dma_start3A_191] : memref<10000x128xf32, #tpu.memory_space<vmem_shared>> -> memref<80x128xf32, #tpu.memory_space<vmem_shared>>
        tpu.enqueue_dma source(%dma_start3A_192 : memref<80x128xf32, #tpu.memory_space<vmem_shared>>) target(%dma_start3A_190 : memref<80x128xf32, #tpu.memory_space<hbm>>) target_semaphore(%run_scoped3A : memref<!tpu.dma_semaphore, #tpu.memory_space<semaphore_mem>>)
        %dma_wait3A_193 = arith.constant 0 : i32
        %dma_wait3A_194 = tpu.memref_slice %arg5[%arg0, %add3A_155, %dma_wait3A_193] : memref<2x10000x128xf32, #tpu.memory_space<hbm>> -> memref<1x80x128xf32, #tpu.memory_space<hbm>>
        %dma_wait3A_195 = tpu.memref_squeeze %dma_wait3A_194 : memref<1x80x128xf32, #tpu.memory_space<hbm>> -> memref<80x128xf32, #tpu.memory_space<hbm>>
        %dma_wait3A_196 = arith.constant 0 : i32
        %dma_wait3A_197 = tpu.memref_slice %arg16[%add3A_155, %dma_wait3A_196] : memref<10000x128xf32, #tpu.memory_space<vmem_shared>> -> memref<80x128xf32, #tpu.memory_space<vmem_shared>>
        tpu.wait_dma2 semaphore(%run_scoped3A : memref<!tpu.dma_semaphore, #tpu.memory_space<semaphore_mem>>) src(%dma_wait3A_197 : memref<80x128xf32, #tpu.memory_space<vmem_shared>>) dst(%dma_wait3A_195 : memref<80x128xf32, #tpu.memory_space<hbm>>)
        tpu.yield
      }) : () -> ()
    } else {
    }
    %mul3A_161 = arith.constant 640 : i32
    %mul3A_162 = arith.muli %arg1, %mul3A_161 : i32
    %add3A_163 = arith.constant 400 : i32
    %add3A_164 = arith.addi %mul3A_162, %add3A_163 : i32
    %lt3A_165 = arith.constant 10000 : i32
    %lt3A_166 = arith.cmpi slt, %add3A_164, %lt3A_165 : i32
    %convert_element_type3A_167 = arith.extui %lt3A_166 : i1 to i32
    %cond3A_168 = arith.constant 0 : i32
    %cond3A_169 = arith.cmpi ne, %convert_element_type3A_167, %cond3A_168 : i32
    scf.if %cond3A_169 {
      "tpu.region"() ({
        %run_scoped3A = tpu.sem_alloc : memref<!tpu.dma_semaphore, #tpu.memory_space<semaphore_mem>>
        %dma_start3A_188 = arith.constant 0 : i32
        %dma_start3A_189 = tpu.memref_slice %arg5[%arg0, %add3A_164, %dma_start3A_188] : memref<2x10000x128xf32, #tpu.memory_space<hbm>> -> memref<1x80x128xf32, #tpu.memory_space<hbm>>
        %dma_start3A_190 = tpu.memref_squeeze %dma_start3A_189 : memref<1x80x128xf32, #tpu.memory_space<hbm>> -> memref<80x128xf32, #tpu.memory_space<hbm>>
        %dma_start3A_191 = arith.constant 0 : i32
        %dma_start3A_192 = tpu.memref_slice %arg16[%add3A_164, %dma_start3A_191] : memref<10000x128xf32, #tpu.memory_space<vmem_shared>> -> memref<80x128xf32, #tpu.memory_space<vmem_shared>>
        tpu.enqueue_dma source(%dma_start3A_192 : memref<80x128xf32, #tpu.memory_space<vmem_shared>>) target(%dma_start3A_190 : memref<80x128xf32, #tpu.memory_space<hbm>>) target_semaphore(%run_scoped3A : memref<!tpu.dma_semaphore, #tpu.memory_space<semaphore_mem>>)
        %dma_wait3A_193 = arith.constant 0 : i32
        %dma_wait3A_194 = tpu.memref_slice %arg5[%arg0, %add3A_164, %dma_wait3A_193] : memref<2x10000x128xf32, #tpu.memory_space<hbm>> -> memref<1x80x128xf32, #tpu.memory_space<hbm>>
        %dma_wait3A_195 = tpu.memref_squeeze %dma_wait3A_194 : memref<1x80x128xf32, #tpu.memory_space<hbm>> -> memref<80x128xf32, #tpu.memory_space<hbm>>
        %dma_wait3A_196 = arith.constant 0 : i32
        %dma_wait3A_197 = tpu.memref_slice %arg16[%add3A_164, %dma_wait3A_196] : memref<10000x128xf32, #tpu.memory_space<vmem_shared>> -> memref<80x128xf32, #tpu.memory_space<vmem_shared>>
        tpu.wait_dma2 semaphore(%run_scoped3A : memref<!tpu.dma_semaphore, #tpu.memory_space<semaphore_mem>>) src(%dma_wait3A_197 : memref<80x128xf32, #tpu.memory_space<vmem_shared>>) dst(%dma_wait3A_195 : memref<80x128xf32, #tpu.memory_space<hbm>>)
        tpu.yield
      }) : () -> ()
    } else {
    }
    %mul3A_170 = arith.constant 640 : i32
    %mul3A_171 = arith.muli %arg1, %mul3A_170 : i32
    %add3A_172 = arith.constant 480 : i32
    %add3A_173 = arith.addi %mul3A_171, %add3A_172 : i32
    %lt3A_174 = arith.constant 10000 : i32
    %lt3A_175 = arith.cmpi slt, %add3A_173, %lt3A_174 : i32
    %convert_element_type3A_176 = arith.extui %lt3A_175 : i1 to i32
    %cond3A_177 = arith.constant 0 : i32
    %cond3A_178 = arith.cmpi ne, %convert_element_type3A_176, %cond3A_177 : i32
    scf.if %cond3A_178 {
      "tpu.region"() ({
        %run_scoped3A = tpu.sem_alloc : memref<!tpu.dma_semaphore, #tpu.memory_space<semaphore_mem>>
        %dma_start3A_188 = arith.constant 0 : i32
        %dma_start3A_189 = tpu.memref_slice %arg5[%arg0, %add3A_173, %dma_start3A_188] : memref<2x10000x128xf32, #tpu.memory_space<hbm>> -> memref<1x80x128xf32, #tpu.memory_space<hbm>>
        %dma_start3A_190 = tpu.memref_squeeze %dma_start3A_189 : memref<1x80x128xf32, #tpu.memory_space<hbm>> -> memref<80x128xf32, #tpu.memory_space<hbm>>
        %dma_start3A_191 = arith.constant 0 : i32
        %dma_start3A_192 = tpu.memref_slice %arg16[%add3A_173, %dma_start3A_191] : memref<10000x128xf32, #tpu.memory_space<vmem_shared>> -> memref<80x128xf32, #tpu.memory_space<vmem_shared>>
        tpu.enqueue_dma source(%dma_start3A_192 : memref<80x128xf32, #tpu.memory_space<vmem_shared>>) target(%dma_start3A_190 : memref<80x128xf32, #tpu.memory_space<hbm>>) target_semaphore(%run_scoped3A : memref<!tpu.dma_semaphore, #tpu.memory_space<semaphore_mem>>)
        %dma_wait3A_193 = arith.constant 0 : i32
        %dma_wait3A_194 = tpu.memref_slice %arg5[%arg0, %add3A_173, %dma_wait3A_193] : memref<2x10000x128xf32, #tpu.memory_space<hbm>> -> memref<1x80x128xf32, #tpu.memory_space<hbm>>
        %dma_wait3A_195 = tpu.memref_squeeze %dma_wait3A_194 : memref<1x80x128xf32, #tpu.memory_space<hbm>> -> memref<80x128xf32, #tpu.memory_space<hbm>>
        %dma_wait3A_196 = arith.constant 0 : i32
        %dma_wait3A_197 = tpu.memref_slice %arg16[%add3A_173, %dma_wait3A_196] : memref<10000x128xf32, #tpu.memory_space<vmem_shared>> -> memref<80x128xf32, #tpu.memory_space<vmem_shared>>
        tpu.wait_dma2 semaphore(%run_scoped3A : memref<!tpu.dma_semaphore, #tpu.memory_space<semaphore_mem>>) src(%dma_wait3A_197 : memref<80x128xf32, #tpu.memory_space<vmem_shared>>) dst(%dma_wait3A_195 : memref<80x128xf32, #tpu.memory_space<hbm>>)
        tpu.yield
      }) : () -> ()
    } else {
    }
    %mul3A_179 = arith.constant 640 : i32
    %mul3A_180 = arith.muli %arg1, %mul3A_179 : i32
    %add3A_181 = arith.constant 560 : i32
    %add3A_182 = arith.addi %mul3A_180, %add3A_181 : i32
    %lt3A_183 = arith.constant 10000 : i32
    %lt3A_184 = arith.cmpi slt, %add3A_182, %lt3A_183 : i32
    %convert_element_type3A_185 = arith.extui %lt3A_184 : i1 to i32
    %cond3A_186 = arith.constant 0 : i32
    %cond3A_187 = arith.cmpi ne, %convert_element_type3A_185, %cond3A_186 : i32
    scf.if %cond3A_187 {
      "tpu.region"() ({
        %run_scoped3A = tpu.sem_alloc : memref<!tpu.dma_semaphore, #tpu.memory_space<semaphore_mem>>
        %dma_start3A_188 = arith.constant 0 : i32
        %dma_start3A_189 = tpu.memref_slice %arg5[%arg0, %add3A_182, %dma_start3A_188] : memref<2x10000x128xf32, #tpu.memory_space<hbm>> -> memref<1x80x128xf32, #tpu.memory_space<hbm>>
        %dma_start3A_190 = tpu.memref_squeeze %dma_start3A_189 : memref<1x80x128xf32, #tpu.memory_space<hbm>> -> memref<80x128xf32, #tpu.memory_space<hbm>>
        %dma_start3A_191 = arith.constant 0 : i32
        %dma_start3A_192 = tpu.memref_slice %arg16[%add3A_182, %dma_start3A_191] : memref<10000x128xf32, #tpu.memory_space<vmem_shared>> -> memref<80x128xf32, #tpu.memory_space<vmem_shared>>
        tpu.enqueue_dma source(%dma_start3A_192 : memref<80x128xf32, #tpu.memory_space<vmem_shared>>) target(%dma_start3A_190 : memref<80x128xf32, #tpu.memory_space<hbm>>) target_semaphore(%run_scoped3A : memref<!tpu.dma_semaphore, #tpu.memory_space<semaphore_mem>>)
        %dma_wait3A_193 = arith.constant 0 : i32
        %dma_wait3A_194 = tpu.memref_slice %arg5[%arg0, %add3A_182, %dma_wait3A_193] : memref<2x10000x128xf32, #tpu.memory_space<hbm>> -> memref<1x80x128xf32, #tpu.memory_space<hbm>>
        %dma_wait3A_195 = tpu.memref_squeeze %dma_wait3A_194 : memref<1x80x128xf32, #tpu.memory_space<hbm>> -> memref<80x128xf32, #tpu.memory_space<hbm>>
        %dma_wait3A_196 = arith.constant 0 : i32
        %dma_wait3A_197 = tpu.memref_slice %arg16[%add3A_182, %dma_wait3A_196] : memref<10000x128xf32, #tpu.memory_space<vmem_shared>> -> memref<80x128xf32, #tpu.memory_space<vmem_shared>>
        tpu.wait_dma2 semaphore(%run_scoped3A : memref<!tpu.dma_semaphore, #tpu.memory_space<semaphore_mem>>) src(%dma_wait3A_197 : memref<80x128xf32, #tpu.memory_space<vmem_shared>>) dst(%dma_wait3A_195 : memref<80x128xf32, #tpu.memory_space<hbm>>)
        tpu.yield
      }) : () -> ()
    } else {
    }
    return
  }
}

module attributes {stable_mosaic.version = 14 : i64} {
  func.func @_tc_layer0_body(%arg0: i32, %arg1: memref<1000x128xf32, #tpu.memory_space<vmem>>, %arg2: memref<1000x128xf32, #tpu.memory_space<vmem>>, %arg3: memref<1000x128xf32, #tpu.memory_space<vmem>>, %arg4: memref<1000x128xf32, #tpu.memory_space<vmem>>, %arg5: memref<1000x128xf32, #tpu.memory_space<vmem>>, %arg6: memref<128x128xf32, #tpu.memory_space<vmem>>, %arg7: memref<128x128xf32, #tpu.memory_space<vmem>>, %arg8: memref<1x128xf32, #tpu.memory_space<vmem>>, %arg9: memref<1x128xf32, #tpu.memory_space<vmem>>, %arg10: memref<1x128xf32, #tpu.memory_space<vmem>>, %arg11: memref<1000x128xf32, #tpu.memory_space<vmem>>) attributes {dimension_semantics = [#tpu.dimension_semantics<arbitrary>], iteration_bounds = array<i64: 10>, scalar_prefetch = 0 : i64, scratch_operands = 0 : i64, tpu.core_type = #tpu.core_type<tc>, window_params = [{transform_indices = @transform_0, window_bounds = array<i64: 1000, 128>}, {transform_indices = @transform_1, window_bounds = array<i64: 1000, 128>}, {transform_indices = @transform_2, window_bounds = array<i64: 1000, 128>}, {transform_indices = @transform_3, window_bounds = array<i64: 1000, 128>}, {transform_indices = @transform_4, window_bounds = array<i64: 1000, 128>}, {pipeline_mode = #tpu.pipeline_mode<synchronous>, transform_indices = @transform_5, window_bounds = array<i64: 128, 128>}, {pipeline_mode = #tpu.pipeline_mode<synchronous>, transform_indices = @transform_6, window_bounds = array<i64: 128, 128>}, {pipeline_mode = #tpu.pipeline_mode<synchronous>, transform_indices = @transform_7, window_bounds = array<i64: 1, 128>}, {pipeline_mode = #tpu.pipeline_mode<synchronous>, transform_indices = @transform_8, window_bounds = array<i64: 1, 128>}, {pipeline_mode = #tpu.pipeline_mode<synchronous>, transform_indices = @transform_9, window_bounds = array<i64: 1, 128>}, {transform_indices = @transform_10, window_bounds = array<i64: 1000, 128>}]} {
    %get3A = arith.constant 0 : index
    %get3A_0 = arith.constant 0 : index
    %get3A_1 = vector.load %arg4[%get3A, %get3A_0] : memref<1000x128xf32, #tpu.memory_space<vmem>>, vector<1000x1xf32>
    %get3A_2 = arith.constant 0 : index
    %get3A_3 = arith.constant 0 : index
    %get3A_4 = vector.load %arg5[%get3A_2, %get3A_3] : memref<1000x128xf32, #tpu.memory_space<vmem>>, vector<1000x1xf32>
    %add3A = arith.addf %get3A_1, %get3A_4 : vector<1000x1xf32>
    %max3A = arith.constant 1.000000e+00 : f32
    %max3A_5 = vector.broadcast %max3A : f32 to vector<1000x1xf32>
    %max3A_6 = arith.maximumf %add3A, %max3A_5 : vector<1000x1xf32>
    %get3A_7 = arith.constant 0 : index
    %get3A_8 = arith.constant 0 : index
    %get3A_9 = vector.load %arg2[%get3A_7, %get3A_8] : memref<1000x128xf32, #tpu.memory_space<vmem>>, vector<1000x128xf32>
    %get3A_10 = arith.constant 0 : index
    %get3A_11 = arith.constant 0 : index
    %get3A_12 = vector.load %arg3[%get3A_10, %get3A_11] : memref<1000x128xf32, #tpu.memory_space<vmem>>, vector<1000x128xf32>
    %add3A_13 = arith.addf %get3A_9, %get3A_12 : vector<1000x128xf32>
    %div3A = vector.broadcast %max3A_6 : vector<1000x1xf32> to vector<1000x128xf32>
    %div3A_14 = arith.divf %add3A_13, %div3A : vector<1000x128xf32>
    %get3A_15 = arith.constant 0 : index
    %get3A_16 = arith.constant 0 : index
    %get3A_17 = vector.load %arg1[%get3A_15, %get3A_16] : memref<1000x128xf32, #tpu.memory_space<vmem>>, vector<1000x128xf32>
    %get3A_18 = arith.constant 0 : index
    %get3A_19 = arith.constant 0 : index
    %get3A_20 = vector.load %arg6[%get3A_18, %get3A_19] : memref<128x128xf32, #tpu.memory_space<vmem>>, vector<128x128xf32>
    %dot_general3A = arith.constant dense<0.000000e+00> : vector<1000x128xf32>
    %dot_general3A_21 = tpu.matmul %get3A_17, %get3A_20, %dot_general3A {dimension_numbers = #tpu.dot_dimension_numbers<[1], [0], [0], [1], [0, 0, 1, 1], [], []>, transpose_lhs_hint = false} : vector<1000x128xf32>, vector<128x128xf32>, vector<1000x128xf32> -> vector<1000x128xf32>
    %get3A_22 = arith.constant 0 : index
    %get3A_23 = arith.constant 0 : index
    %get3A_24 = vector.load %arg7[%get3A_22, %get3A_23] : memref<128x128xf32, #tpu.memory_space<vmem>>, vector<128x128xf32>
    %dot_general3A_25 = arith.constant dense<0.000000e+00> : vector<1000x128xf32>
    %dot_general3A_26 = tpu.matmul %div3A_14, %get3A_24, %dot_general3A_25 {dimension_numbers = #tpu.dot_dimension_numbers<[1], [0], [0], [1], [0, 0, 1, 1], [], []>, transpose_lhs_hint = false} : vector<1000x128xf32>, vector<128x128xf32>, vector<1000x128xf32> -> vector<1000x128xf32>
    %add3A_27 = arith.addf %dot_general3A_21, %dot_general3A_26 : vector<1000x128xf32>
    %get3A_28 = arith.constant 0 : index
    %get3A_29 = arith.constant 0 : index
    %get3A_30 = vector.load %arg8[%get3A_28, %get3A_29] : memref<1x128xf32, #tpu.memory_space<vmem>>, vector<1x128xf32>
    %add3A_31 = vector.broadcast %get3A_30 : vector<1x128xf32> to vector<1000x128xf32>
    %add3A_32 = arith.addf %add3A_27, %add3A_31 : vector<1000x128xf32>
    %reduce_sum3A = arith.constant dense<0.000000e+00> : vector<1000xf32>
    %reduce_sum3A_33 = vector.multi_reduction <add>, %add3A_32, %reduce_sum3A [1] : vector<1000x128xf32> to vector<1000xf32>
    %broadcast_in_dim3A = vector.shape_cast %reduce_sum3A_33 : vector<1000xf32> to vector<1000x1xf32>
    %div3A_34 = arith.constant 1.280000e+02 : f32
    %div3A_35 = vector.broadcast %div3A_34 : f32 to vector<1000x1xf32>
    %div3A_36 = arith.divf %broadcast_in_dim3A, %div3A_35 : vector<1000x1xf32>
    %sub3A = vector.broadcast %div3A_36 : vector<1000x1xf32> to vector<1000x128xf32>
    %sub3A_37 = arith.subf %add3A_32, %sub3A : vector<1000x128xf32>
    %integer_pow3A = arith.mulf %sub3A_37, %sub3A_37 : vector<1000x128xf32>
    %reduce_sum3A_38 = arith.constant dense<0.000000e+00> : vector<1000xf32>
    %reduce_sum3A_39 = vector.multi_reduction <add>, %integer_pow3A, %reduce_sum3A_38 [1] : vector<1000x128xf32> to vector<1000xf32>
    %broadcast_in_dim3A_40 = vector.shape_cast %reduce_sum3A_39 : vector<1000xf32> to vector<1000x1xf32>
    %div3A_41 = arith.constant 1.280000e+02 : f32
    %div3A_42 = vector.broadcast %div3A_41 : f32 to vector<1000x1xf32>
    %div3A_43 = arith.divf %broadcast_in_dim3A_40, %div3A_42 : vector<1000x1xf32>
    %sub3A_44 = vector.broadcast %div3A_36 : vector<1000x1xf32> to vector<1000x128xf32>
    %sub3A_45 = arith.subf %add3A_32, %sub3A_44 : vector<1000x128xf32>
    %add3A_46 = arith.constant 9.99999974E-6 : f32
    %add3A_47 = vector.broadcast %add3A_46 : f32 to vector<1000x1xf32>
    %add3A_48 = arith.addf %div3A_43, %add3A_47 : vector<1000x1xf32>
    %sqrt3A = math.sqrt %add3A_48 : vector<1000x1xf32>
    %div3A_49 = vector.broadcast %sqrt3A : vector<1000x1xf32> to vector<1000x128xf32>
    %div3A_50 = arith.divf %sub3A_45, %div3A_49 : vector<1000x128xf32>
    %get3A_51 = arith.constant 0 : index
    %get3A_52 = arith.constant 0 : index
    %get3A_53 = vector.load %arg9[%get3A_51, %get3A_52] : memref<1x128xf32, #tpu.memory_space<vmem>>, vector<1x128xf32>
    %mul3A = vector.broadcast %get3A_53 : vector<1x128xf32> to vector<1000x128xf32>
    %mul3A_54 = arith.mulf %div3A_50, %mul3A : vector<1000x128xf32>
    %get3A_55 = arith.constant 0 : index
    %get3A_56 = arith.constant 0 : index
    %get3A_57 = vector.load %arg10[%get3A_55, %get3A_56] : memref<1x128xf32, #tpu.memory_space<vmem>>, vector<1x128xf32>
    %add3A_58 = vector.broadcast %get3A_57 : vector<1x128xf32> to vector<1000x128xf32>
    %add3A_59 = arith.addf %mul3A_54, %add3A_58 : vector<1000x128xf32>
    %max3A_60 = arith.constant 0.000000e+00 : f32
    %max3A_61 = vector.broadcast %max3A_60 : f32 to vector<1000x128xf32>
    %max3A_62 = arith.maximumf %add3A_59, %max3A_61 : vector<1000x128xf32>
    %swap3A = arith.constant 0 : index
    %swap3A_63 = arith.constant 0 : index
    %swap3A_64 = vector.load %arg11[%swap3A, %swap3A_63] : memref<1000x128xf32, #tpu.memory_space<vmem>>, vector<1000x128xf32>
    tpu.vector_store %arg11[%swap3A, %swap3A_63], %max3A_62 {strides = array<i32>} : memref<1000x128xf32, #tpu.memory_space<vmem>>, vector<1000x128xf32>,
    return
  }
  func.func @transform_0(%arg0: i32) -> (i32, i32) {
    %c0_i32 = arith.constant 0 : i32
    %c0_i32_0 = arith.constant 0 : i32
    return %arg0, %c0_i32 : i32, i32
  }
  func.func @transform_1(%arg0: i32) -> (i32, i32) {
    %c0_i32 = arith.constant 0 : i32
    %c0_i32_0 = arith.constant 0 : i32
    return %arg0, %c0_i32 : i32, i32
  }
  func.func @transform_2(%arg0: i32) -> (i32, i32) {
    %c0_i32 = arith.constant 0 : i32
    %c0_i32_0 = arith.constant 0 : i32
    return %arg0, %c0_i32 : i32, i32
  }
  func.func @transform_3(%arg0: i32) -> (i32, i32) {
    %c0_i32 = arith.constant 0 : i32
    %c0_i32_0 = arith.constant 0 : i32
    return %arg0, %c0_i32 : i32, i32
  }
  func.func @transform_4(%arg0: i32) -> (i32, i32) {
    %c0_i32 = arith.constant 0 : i32
    %c0_i32_0 = arith.constant 0 : i32
    return %arg0, %c0_i32 : i32, i32
  }
  func.func @transform_5(%arg0: i32) -> (i32, i32) {
    %c0_i32 = arith.constant 0 : i32
    %c0_i32_0 = arith.constant 0 : i32
    %c0_i32_1 = arith.constant 0 : i32
    return %c0_i32, %c0_i32_0 : i32, i32
  }
  func.func @transform_6(%arg0: i32) -> (i32, i32) {
    %c0_i32 = arith.constant 0 : i32
    %c0_i32_0 = arith.constant 0 : i32
    %c0_i32_1 = arith.constant 0 : i32
    return %c0_i32, %c0_i32_0 : i32, i32
  }
  func.func @transform_7(%arg0: i32) -> (i32, i32) {
    %c0_i32 = arith.constant 0 : i32
    %c0_i32_0 = arith.constant 0 : i32
    %c0_i32_1 = arith.constant 0 : i32
    return %c0_i32, %c0_i32_0 : i32, i32
  }
  func.func @transform_8(%arg0: i32) -> (i32, i32) {
    %c0_i32 = arith.constant 0 : i32
    %c0_i32_0 = arith.constant 0 : i32
    %c0_i32_1 = arith.constant 0 : i32
    return %c0_i32, %c0_i32_0 : i32, i32
  }
  func.func @transform_9(%arg0: i32) -> (i32, i32) {
    %c0_i32 = arith.constant 0 : i32
    %c0_i32_0 = arith.constant 0 : i32
    %c0_i32_1 = arith.constant 0 : i32
    return %c0_i32, %c0_i32_0 : i32, i32
  }
  func.func @transform_10(%arg0: i32) -> (i32, i32) {
    %c0_i32 = arith.constant 0 : i32
    %c0_i32_0 = arith.constant 0 : i32
    return %arg0, %c0_i32 : i32, i32
  }
}

module attributes {stable_mosaic.version = 14 : i64} {
  func.func @_tc_layer1_body(%arg0: i32, %arg1: memref<1000x128xf32, #tpu.memory_space<vmem>>, %arg2: memref<1000x128xf32, #tpu.memory_space<vmem>>, %arg3: memref<1000x128xf32, #tpu.memory_space<vmem>>, %arg4: memref<1000x128xf32, #tpu.memory_space<vmem>>, %arg5: memref<1000x128xf32, #tpu.memory_space<vmem>>, %arg6: memref<128x128xf32, #tpu.memory_space<vmem>>, %arg7: memref<128x128xf32, #tpu.memory_space<vmem>>, %arg8: memref<1x128xf32, #tpu.memory_space<vmem>>, %arg9: memref<1x128xf32, #tpu.memory_space<vmem>>, %arg10: memref<1x128xf32, #tpu.memory_space<vmem>>, %arg11: memref<128x64xf32, #tpu.memory_space<vmem>>, %arg12: memref<1x64xf32, #tpu.memory_space<vmem>>, %arg13: memref<1000x64xf32, #tpu.memory_space<vmem>>) attributes {dimension_semantics = [#tpu.dimension_semantics<arbitrary>], iteration_bounds = array<i64: 10>, scalar_prefetch = 0 : i64, scratch_operands = 0 : i64, tpu.core_type = #tpu.core_type<tc>, window_params = [{transform_indices = @transform_0, window_bounds = array<i64: 1000, 128>}, {transform_indices = @transform_1, window_bounds = array<i64: 1000, 128>}, {transform_indices = @transform_2, window_bounds = array<i64: 1000, 128>}, {transform_indices = @transform_3, window_bounds = array<i64: 1000, 128>}, {transform_indices = @transform_4, window_bounds = array<i64: 1000, 128>}, {pipeline_mode = #tpu.pipeline_mode<synchronous>, transform_indices = @transform_5, window_bounds = array<i64: 128, 128>}, {pipeline_mode = #tpu.pipeline_mode<synchronous>, transform_indices = @transform_6, window_bounds = array<i64: 128, 128>}, {pipeline_mode = #tpu.pipeline_mode<synchronous>, transform_indices = @transform_7, window_bounds = array<i64: 1, 128>}, {pipeline_mode = #tpu.pipeline_mode<synchronous>, transform_indices = @transform_8, window_bounds = array<i64: 1, 128>}, {pipeline_mode = #tpu.pipeline_mode<synchronous>, transform_indices = @transform_9, window_bounds = array<i64: 1, 128>}, {pipeline_mode = #tpu.pipeline_mode<synchronous>, transform_indices = @transform_10, window_bounds = array<i64: 128, 64>}, {pipeline_mode = #tpu.pipeline_mode<synchronous>, transform_indices = @transform_11, window_bounds = array<i64: 1, 64>}, {transform_indices = @transform_12, window_bounds = array<i64: 1000, 64>}]} {
    %get3A = arith.constant 0 : index
    %get3A_0 = arith.constant 0 : index
    %get3A_1 = vector.load %arg4[%get3A, %get3A_0] : memref<1000x128xf32, #tpu.memory_space<vmem>>, vector<1000x1xf32>
    %get3A_2 = arith.constant 0 : index
    %get3A_3 = arith.constant 0 : index
    %get3A_4 = vector.load %arg5[%get3A_2, %get3A_3] : memref<1000x128xf32, #tpu.memory_space<vmem>>, vector<1000x1xf32>
    %add3A = arith.addf %get3A_1, %get3A_4 : vector<1000x1xf32>
    %max3A = arith.constant 1.000000e+00 : f32
    %max3A_5 = vector.broadcast %max3A : f32 to vector<1000x1xf32>
    %max3A_6 = arith.maximumf %add3A, %max3A_5 : vector<1000x1xf32>
    %get3A_7 = arith.constant 0 : index
    %get3A_8 = arith.constant 0 : index
    %get3A_9 = vector.load %arg2[%get3A_7, %get3A_8] : memref<1000x128xf32, #tpu.memory_space<vmem>>, vector<1000x128xf32>
    %get3A_10 = arith.constant 0 : index
    %get3A_11 = arith.constant 0 : index
    %get3A_12 = vector.load %arg3[%get3A_10, %get3A_11] : memref<1000x128xf32, #tpu.memory_space<vmem>>, vector<1000x128xf32>
    %add3A_13 = arith.addf %get3A_9, %get3A_12 : vector<1000x128xf32>
    %div3A = vector.broadcast %max3A_6 : vector<1000x1xf32> to vector<1000x128xf32>
    %div3A_14 = arith.divf %add3A_13, %div3A : vector<1000x128xf32>
    %get3A_15 = arith.constant 0 : index
    %get3A_16 = arith.constant 0 : index
    %get3A_17 = vector.load %arg1[%get3A_15, %get3A_16] : memref<1000x128xf32, #tpu.memory_space<vmem>>, vector<1000x128xf32>
    %get3A_18 = arith.constant 0 : index
    %get3A_19 = arith.constant 0 : index
    %get3A_20 = vector.load %arg6[%get3A_18, %get3A_19] : memref<128x128xf32, #tpu.memory_space<vmem>>, vector<128x128xf32>
    %dot_general3A = arith.constant dense<0.000000e+00> : vector<1000x128xf32>
    %dot_general3A_21 = tpu.matmul %get3A_17, %get3A_20, %dot_general3A {dimension_numbers = #tpu.dot_dimension_numbers<[1], [0], [0], [1], [0, 0, 1, 1], [], []>, transpose_lhs_hint = false} : vector<1000x128xf32>, vector<128x128xf32>, vector<1000x128xf32> -> vector<1000x128xf32>
    %get3A_22 = arith.constant 0 : index
    %get3A_23 = arith.constant 0 : index
    %get3A_24 = vector.load %arg7[%get3A_22, %get3A_23] : memref<128x128xf32, #tpu.memory_space<vmem>>, vector<128x128xf32>
    %dot_general3A_25 = arith.constant dense<0.000000e+00> : vector<1000x128xf32>
    %dot_general3A_26 = tpu.matmul %div3A_14, %get3A_24, %dot_general3A_25 {dimension_numbers = #tpu.dot_dimension_numbers<[1], [0], [0], [1], [0, 0, 1, 1], [], []>, transpose_lhs_hint = false} : vector<1000x128xf32>, vector<128x128xf32>, vector<1000x128xf32> -> vector<1000x128xf32>
    %add3A_27 = arith.addf %dot_general3A_21, %dot_general3A_26 : vector<1000x128xf32>
    %get3A_28 = arith.constant 0 : index
    %get3A_29 = arith.constant 0 : index
    %get3A_30 = vector.load %arg8[%get3A_28, %get3A_29] : memref<1x128xf32, #tpu.memory_space<vmem>>, vector<1x128xf32>
    %add3A_31 = vector.broadcast %get3A_30 : vector<1x128xf32> to vector<1000x128xf32>
    %add3A_32 = arith.addf %add3A_27, %add3A_31 : vector<1000x128xf32>
    %reduce_sum3A = arith.constant dense<0.000000e+00> : vector<1000xf32>
    %reduce_sum3A_33 = vector.multi_reduction <add>, %add3A_32, %reduce_sum3A [1] : vector<1000x128xf32> to vector<1000xf32>
    %broadcast_in_dim3A = vector.shape_cast %reduce_sum3A_33 : vector<1000xf32> to vector<1000x1xf32>
    %div3A_34 = arith.constant 1.280000e+02 : f32
    %div3A_35 = vector.broadcast %div3A_34 : f32 to vector<1000x1xf32>
    %div3A_36 = arith.divf %broadcast_in_dim3A, %div3A_35 : vector<1000x1xf32>
    %sub3A = vector.broadcast %div3A_36 : vector<1000x1xf32> to vector<1000x128xf32>
    %sub3A_37 = arith.subf %add3A_32, %sub3A : vector<1000x128xf32>
    %integer_pow3A = arith.mulf %sub3A_37, %sub3A_37 : vector<1000x128xf32>
    %reduce_sum3A_38 = arith.constant dense<0.000000e+00> : vector<1000xf32>
    %reduce_sum3A_39 = vector.multi_reduction <add>, %integer_pow3A, %reduce_sum3A_38 [1] : vector<1000x128xf32> to vector<1000xf32>
    %broadcast_in_dim3A_40 = vector.shape_cast %reduce_sum3A_39 : vector<1000xf32> to vector<1000x1xf32>
    %div3A_41 = arith.constant 1.280000e+02 : f32
    %div3A_42 = vector.broadcast %div3A_41 : f32 to vector<1000x1xf32>
    %div3A_43 = arith.divf %broadcast_in_dim3A_40, %div3A_42 : vector<1000x1xf32>
    %sub3A_44 = vector.broadcast %div3A_36 : vector<1000x1xf32> to vector<1000x128xf32>
    %sub3A_45 = arith.subf %add3A_32, %sub3A_44 : vector<1000x128xf32>
    %add3A_46 = arith.constant 9.99999974E-6 : f32
    %add3A_47 = vector.broadcast %add3A_46 : f32 to vector<1000x1xf32>
    %add3A_48 = arith.addf %div3A_43, %add3A_47 : vector<1000x1xf32>
    %sqrt3A = math.sqrt %add3A_48 : vector<1000x1xf32>
    %div3A_49 = vector.broadcast %sqrt3A : vector<1000x1xf32> to vector<1000x128xf32>
    %div3A_50 = arith.divf %sub3A_45, %div3A_49 : vector<1000x128xf32>
    %get3A_51 = arith.constant 0 : index
    %get3A_52 = arith.constant 0 : index
    %get3A_53 = vector.load %arg9[%get3A_51, %get3A_52] : memref<1x128xf32, #tpu.memory_space<vmem>>, vector<1x128xf32>
    %mul3A = vector.broadcast %get3A_53 : vector<1x128xf32> to vector<1000x128xf32>
    %mul3A_54 = arith.mulf %div3A_50, %mul3A : vector<1000x128xf32>
    %get3A_55 = arith.constant 0 : index
    %get3A_56 = arith.constant 0 : index
    %get3A_57 = vector.load %arg10[%get3A_55, %get3A_56] : memref<1x128xf32, #tpu.memory_space<vmem>>, vector<1x128xf32>
    %add3A_58 = vector.broadcast %get3A_57 : vector<1x128xf32> to vector<1000x128xf32>
    %add3A_59 = arith.addf %mul3A_54, %add3A_58 : vector<1000x128xf32>
    %max3A_60 = arith.constant 0.000000e+00 : f32
    %max3A_61 = vector.broadcast %max3A_60 : f32 to vector<1000x128xf32>
    %max3A_62 = arith.maximumf %add3A_59, %max3A_61 : vector<1000x128xf32>
    %get3A_63 = arith.constant 0 : index
    %get3A_64 = arith.constant 0 : index
    %get3A_65 = vector.load %arg11[%get3A_63, %get3A_64] : memref<128x64xf32, #tpu.memory_space<vmem>>, vector<128x64xf32>
    %dot_general3A_66 = arith.constant dense<0.000000e+00> : vector<1000x64xf32>
    %dot_general3A_67 = tpu.matmul %max3A_62, %get3A_65, %dot_general3A_66 {dimension_numbers = #tpu.dot_dimension_numbers<[1], [0], [0], [1], [0, 0, 1, 1], [], []>, transpose_lhs_hint = false} : vector<1000x128xf32>, vector<128x64xf32>, vector<1000x64xf32> -> vector<1000x64xf32>
    %get3A_68 = arith.constant 0 : index
    %get3A_69 = arith.constant 0 : index
    %get3A_70 = vector.load %arg12[%get3A_68, %get3A_69] : memref<1x64xf32, #tpu.memory_space<vmem>>, vector<1x64xf32>
    %add3A_71 = vector.broadcast %get3A_70 : vector<1x64xf32> to vector<1000x64xf32>
    %add3A_72 = arith.addf %dot_general3A_67, %add3A_71 : vector<1000x64xf32>
    %swap3A = arith.constant 0 : index
    %swap3A_73 = arith.constant 0 : index
    %swap3A_74 = vector.load %arg13[%swap3A, %swap3A_73] : memref<1000x64xf32, #tpu.memory_space<vmem>>, vector<1000x64xf32>
    tpu.vector_store %arg13[%swap3A, %swap3A_73], %add3A_72 {strides = array<i32>} : memref<1000x64xf32, #tpu.memory_space<vmem>>, vector<1000x64xf32>,
    return
  }
  func.func @transform_0(%arg0: i32) -> (i32, i32) {
    %c0_i32 = arith.constant 0 : i32
    %c0_i32_0 = arith.constant 0 : i32
    return %arg0, %c0_i32 : i32, i32
  }
  func.func @transform_1(%arg0: i32) -> (i32, i32) {
    %c0_i32 = arith.constant 0 : i32
    %c0_i32_0 = arith.constant 0 : i32
    return %arg0, %c0_i32 : i32, i32
  }
  func.func @transform_2(%arg0: i32) -> (i32, i32) {
    %c0_i32 = arith.constant 0 : i32
    %c0_i32_0 = arith.constant 0 : i32
    return %arg0, %c0_i32 : i32, i32
  }
  func.func @transform_3(%arg0: i32) -> (i32, i32) {
    %c0_i32 = arith.constant 0 : i32
    %c0_i32_0 = arith.constant 0 : i32
    return %arg0, %c0_i32 : i32, i32
  }
  func.func @transform_4(%arg0: i32) -> (i32, i32) {
    %c0_i32 = arith.constant 0 : i32
    %c0_i32_0 = arith.constant 0 : i32
    return %arg0, %c0_i32 : i32, i32
  }
  func.func @transform_5(%arg0: i32) -> (i32, i32) {
    %c0_i32 = arith.constant 0 : i32
    %c0_i32_0 = arith.constant 0 : i32
    %c0_i32_1 = arith.constant 0 : i32
    return %c0_i32, %c0_i32_0 : i32, i32
  }
  func.func @transform_6(%arg0: i32) -> (i32, i32) {
    %c0_i32 = arith.constant 0 : i32
    %c0_i32_0 = arith.constant 0 : i32
    %c0_i32_1 = arith.constant 0 : i32
    return %c0_i32, %c0_i32_0 : i32, i32
  }
  func.func @transform_7(%arg0: i32) -> (i32, i32) {
    %c0_i32 = arith.constant 0 : i32
    %c0_i32_0 = arith.constant 0 : i32
    %c0_i32_1 = arith.constant 0 : i32
    return %c0_i32, %c0_i32_0 : i32, i32
  }
  func.func @transform_8(%arg0: i32) -> (i32, i32) {
    %c0_i32 = arith.constant 0 : i32
    %c0_i32_0 = arith.constant 0 : i32
    %c0_i32_1 = arith.constant 0 : i32
    return %c0_i32, %c0_i32_0 : i32, i32
  }
  func.func @transform_9(%arg0: i32) -> (i32, i32) {
    %c0_i32 = arith.constant 0 : i32
    %c0_i32_0 = arith.constant 0 : i32
    %c0_i32_1 = arith.constant 0 : i32
    return %c0_i32, %c0_i32_0 : i32, i32
  }
  func.func @transform_10(%arg0: i32) -> (i32, i32) {
    %c0_i32 = arith.constant 0 : i32
    %c0_i32_0 = arith.constant 0 : i32
    %c0_i32_1 = arith.constant 0 : i32
    return %c0_i32, %c0_i32_0 : i32, i32
  }
  func.func @transform_11(%arg0: i32) -> (i32, i32) {
    %c0_i32 = arith.constant 0 : i32
    %c0_i32_0 = arith.constant 0 : i32
    %c0_i32_1 = arith.constant 0 : i32
    return %c0_i32, %c0_i32_0 : i32, i32
  }
  func.func @transform_12(%arg0: i32) -> (i32, i32) {
    %c0_i32 = arith.constant 0 : i32
    %c0_i32_0 = arith.constant 0 : i32
    return %arg0, %c0_i32 : i32, i32
  }
}

</mosaic_0001>

<sc_bundles>
// kernel: kernel.10.cloned.1.call-start
scs
__scs_entry_jumppad:
0x0: {  	(pc) =	sbr.rel $0x88, $3  }
0x1: {  	(tag) =	ssettag $0x0;
	lr =	simm.s32 $0x1  }
0x2: {  	[smem:$0x3F93] =	sst lr;
	_ =	strace $0xD0000000  }
0x3: {  	_ = 	snop  }
0x4: {  	_ = 	snop  }
0x5: {  	_ = 	snop  }
0x6: {  	_ = 	snop  }
0x7: {  	_ = 	snop  }
__scs_overlays_trampoline_lowered:
0x8: {  	[smem:$0x3FA2] =	sst s0  }
0x9: {  	[smem:$0x3FA3] =	sst s1  }
0xa: {  	[smem:$0x3FA4] =	sst s2  }
0xb: {  	[smem:$0x3FA5] =	sst s3  }
0xc: {  	[smem:$0x3FA6] =	sst s4  }
0xd: {  	[smem:$0x3FA7] =	sst s5  }
0xe: {  	[smem:$0x3FA8] =	sst s6  }
0xf: {  	[smem:$0x3FA9] =	sst s7  }
0x10: {  	[smem:$0x3FAA] =	sst s8  }
0x11: {  	[smem:$0x3FAB] =	sst s9;
	s0 =	simm.s32 @!p0 $0x0  }
0x12: {  	s1 =	sld [smem:$0x3F91];
	s0 =	simm.s32 @p0 $0x1  }
0x13: {  	[smem:$0x3FAC] =	sst s0;
	s0 =	simm.s32 @!p1 $0x0  }
0x14: {  	s2 =	sld [smem:$0x3F90];
	s0 =	simm.s32 @p1 $0x1  }
0x15: {  	[smem:$0x3FAD] =	sst s0;
	s0 =	simm.s32 @!p2 $0x0  }
0x16: {  	s3 =	sld [smem:$0x3FDB];
	s0 =	simm.s32 @p2 $0x1  }
0x17: {  	s4 =	simm.s32 $0x1BF5;
	[smem:$0x3FAF] =	sst s0  }
0x18: {  	s0 =	sld [smem:$0x3F92];
	_ =	swait.ge [sflag:s4], $0x0  }
0x19: {  	s7 =	sld [smem:$0x3F93]  }
0x1a: {  	s8 =	sadd.s32 $0xFFFFE003, lr  }
0x1b: {  	s9 =	sadd.s32 $0xFFFFFEF7, lr;
	s5 =	simm.s32 $0xFFFFFFFF;
	p2 =	slt.u32 s8, $0xFFFFF086  }
0x1c: {  	p1 =	slt.u32 s9, $0xF7A;
	s5 =	simm.s32 @!p2 $0x0  }
0x1d: {  	s5 =	simm.s32 @p1 $0x1;
	p0 =	seq.s32 s7, s2  }
0x1e: {  	s7 =	smul.u32 @!p0 $0xF7A, s2;
	p2 =	seq.s32 @!p0 s5, $0x0  }
0x1f: {  	s9 =	smul.u32 $0xF7A, s1;
	s8 =	simm.s32 @!p0 $0x1BF5;
	p2 =	por !p2, p0  }
0x20: {  	[sflag:s8] =	ssyncset.s32 @!p0 $0xFFFFF086;
	s6 =	sadd.s32 @!p0 s3, s7;
	s7 =	simm.s32 @!p0 $0x108  }
0x21: {  	s3 =	sadd.s32 s3, s9;
	s6 =	sadd.s32 @!p0 $0x88, s6;
	s7 =	simm.s32 @p2 $0x1082  }
0x22: {  	[simem:s7], [sflag:s8] =	dma.local @!p0 [hbm:s6], $0xF7A  }
0x23: {  	s9 =	sor.u32 $0xD0000000, s2;
	s6 =	simm.s32 $0x108;
	_ =	swait.ge @!p0 [sflag:s8], $0x0  }
0x24: {  	s3 =	sadd.s32 $0x88, s3;
	s6 =	simm.s32 @!p1 $0x1082;
	[sflag:s4] =	ssyncset.s32 $0xFFFFF086  }
0x25: {  	[simem:s6], [sflag:s4] =	dma.local [hbm:s3], $0xF7A  }
0x26: {  	[smem:$0x3F93] =	sst s1;
	(tag) =	ssettag s2;
	_ =	strace s9  }
0x27: {  	s1 =	sld [smem:$0x3FA3]  }
0x28: {  	s2 =	sld [smem:$0x3FA4]  }
0x29: {  	s4 =	sld [smem:$0x3FA6]  }
0x2a: {  	p0 =	seq.s32 s5, $0x0;
	s5 =	sld [smem:$0x3FA7]  }
0x2b: {  	s6 =	sld [smem:$0x3FA8]  }
0x2c: {  	s7 =	sld [smem:$0x3FA9]  }
0x2d: {  	s3 =	simm.s32 $0x108;
	s8 =	sld [smem:$0x3FAA]  }
0x2e: {  	s3 =	simm.s32 @!p0 $0x1082;
	s9 =	sld [smem:$0x3FAB]  }
0x2f: {  	lr =	sadd.s32 s0, s3;
	s0 =	sld [smem:$0x3FA2]  }
0x30: {  	s3 =	sld [smem:$0x3FA5]  }
0x31: {  	[smem:$0x3FAE] =	sst s10  }
0x32: {  	s10 =	sld [smem:$0x3FAC];
	_ =	sdelay $0x3  }
0x33: {  	p0 =	seq.s32 s10, $0x1;
	s10 =	sld [smem:$0x3FAE];
	_ =	sdelay $0x3  }
0x34: {  	[smem:$0x3FAE] =	sst s10  }
0x35: {  	s10 =	sld [smem:$0x3FAD];
	_ =	sdelay $0x3  }
0x36: {  	p1 =	seq.s32 s10, $0x1;
	s10 =	sld [smem:$0x3FAE];
	_ =	sdelay $0x3  }
0x37: {  	[smem:$0x3FAE] =	sst s10  }
0x38: {  	s10 =	sld [smem:$0x3FAF]  }
0x39: {  	_ = 	snop;
	(pc) =	sbr.ind lr, $3  }
0x3a: {  	_ = 	snop  }
0x3b: {  	_ = 	snop  }
0x3c: {  	p2 =	seq.s32 s10, $0x1;
	s10 =	sld [smem:$0x3FAE]  }
0x3d: {  	_ =	shalt  }
0x3e: {  	_ =	shalt  }
0x3f: {  	_ =	shalt  }
0x40: {  	_ =	shalt  }
0x41: {  	_ =	shalt  }
0x42: {  	_ =	shalt  }
0x43: {  	_ =	shalt  }
0x44: {  	_ =	shalt  }
0x45: {  	_ =	shalt  }
0x46: {  	_ =	shalt  }
0x47: {  	_ =	shalt  }
0x48: {  	_ =	shalt  }
0x49: {  	_ =	shalt  }
0x4a: {  	_ =	shalt  }
0x4b: {  	_ =	shalt  }
0x4c: {  	_ =	shalt  }
0x4d: {  	_ =	shalt  }
0x4e: {  	_ =	shalt  }
0x4f: {  	_ =	shalt  }
0x50: {  	_ =	shalt  }
0x51: {  	_ =	shalt  }
0x52: {  	_ =	shalt  }
0x53: {  	_ =	shalt  }
0x54: {  	_ =	shalt  }
0x55: {  	_ =	shalt  }
0x56: {  	_ =	shalt  }
0x57: {  	_ =	shalt  }
0x58: {  	_ =	shalt  }
0x59: {  	_ =	shalt  }
0x5a: {  	_ =	shalt  }
0x5b: {  	_ =	shalt  }
0x5c: {  	_ =	shalt  }
0x5d: {  	_ =	shalt  }
0x5e: {  	_ =	shalt  }
0x5f: {  	_ =	shalt  }
0x60: {  	_ =	shalt  }
0x61: {  	_ =	shalt  }
0x62: {  	_ =	shalt  }
0x63: {  	_ =	shalt  }
0x64: {  	_ =	shalt  }
0x65: {  	_ =	shalt  }
0x66: {  	_ =	shalt  }
0x67: {  	_ =	shalt  }
0x68: {  	_ =	shalt  }
0x69: {  	_ =	shalt  }
0x6a: {  	_ =	shalt  }
0x6b: {  	_ =	shalt  }
0x6c: {  	_ =	shalt  }
0x6d: {  	_ =	shalt  }
0x6e: {  	_ =	shalt  }
0x6f: {  	_ =	shalt  }
0x70: {  	_ =	shalt  }
0x71: {  	_ =	shalt  }
0x72: {  	_ =	shalt  }
0x73: {  	_ =	shalt  }
0x74: {  	_ =	shalt  }
0x75: {  	_ =	shalt  }
0x76: {  	_ =	shalt  }
0x77: {  	_ =	shalt  }
0x78: {  	_ =	shalt  }
0x79: {  	_ =	shalt  }
0x7a: {  	_ =	shalt  }
0x7b: {  	_ =	shalt  }
0x7c: {  	_ =	shalt  }
0x7d: {  	_ =	shalt  }
0x7e: {  	_ =	shalt  }
0x7f: {  	_ =	shalt  }
0x80: {  	_ =	shalt  }
0x81: {  	_ =	shalt  }
0x82: {  	_ =	shalt  }
0x83: {  	_ =	shalt  }
0x84: {  	_ =	shalt  }
0x85: {  	_ =	shalt  }
0x86: {  	_ =	shalt  }
0x87: {  	_ =	shalt  }
.Lfunc_end0:
.L_simem_size_0:
called_computation.1_lowered:
.L_overlay_start_0:
0x88: {  	s2 =	sld [smem:$0x3FD9]  }
0x89: {  	s3 =	sld [smem:$0x3FFE];
	_ =	sdelay $0x1  }
0x8a: {  	s1 =	srdreg.scid  }
0x8b: {  	s0 =	sand.u32 $0x1, s1  }
0x8c: {  	s17 =	sshll.u32 s0, $0xA;
	s2 =	sadd.s32 s3, s2  }
0x8d: {  	s2 =	sadd.s32 s2, s17  }
0x8e: {  	[smem:$0x3FBA] =	sst s2  }
0x8f: {  	_ = 	snop  }
0x90: {  	s2 =	sld [smem:$0x3FC9];
	(tm) =	ssettm $0x1  }
0x91: {  	s18 =	sld [smem:$0x3FFB];
	_ =	sdelay $0x3  }
0x92: {  	_ =	strace s18  }
0x93: {  	s3 =	sld [smem:$0x3FFC];
	_ =	sdelay $0x3  }
0x94: {  	_ =	strace s3  }
0x95: {  	s3 =	sld [smem:$0x3FFD];
	_ =	sdelay $0x3  }
0x96: {  	_ =	strace s3  }
0x97: {  	_ =	strace $0x8FFFFFFF  }
0x98: {  	s19 =	sld [smem:$0x3FDB];
	_ =	sdelay $0x1  }
0x99: {  	s4 =	simm.s32 $_scs_section_size  }
0x9a: {  	s5 =	simm.s32 $_size__tile_overlayer_lowered;
	s6 =	simm.s32 $_tile_overlayer_lowered  }
0x9b: {  	s22 =	simm.s32 $0x1BFF;
	s21 =	sshll.u32 s6, $0x1;
	s3 =	sadd.s32 s4, s19  }
0x9c: {  	s7 =	simm.s32 $0x0;
	s20 =	sshll.u32 s5, $0x1;
	s5 =	sadd.s32 s21, s3  }
0x9d: {  	[timem:s7], [sflag:s22] =	dma.local [hbm:s5], s20  }
0x9e: {  	_ =	swait.ge [sflag:s22], s20  }
0x9f: {  	s4 =	ssub.s32 $0x0, s20;
	[sflag:s22] =	ssyncset.done $0x0  }
0xa0: {  	[sflag:s22] =	ssyncadd.s32 s4;
	_ =	sdelay $0x1  }
0xa1: {  	s23 =	simm.s32 $0x1B8B  }
0xa2: {  	_ =	swait.ge [sflag:s23], $0x1  }
0xa3: {  	[sflag:s23] =	ssyncset.done $0x0  }
0xa4: {  	s25 =	simm.s32 $0x1B8E;
	s24 =	sld [smem:$0x3FFE];
	[sflag:s23] =	ssyncadd.s32 $0xFFFFFFFF  }
0xa5: {  	s26 =	simm.s32 $execute0_lowered;
	[smem:$0x3FD2] =	sst s25  }
0xa6: {  	s5 =	sshll.u32 s26, $0x1;
	_ =	strace $0x80000046;
	[dreg:$0x1] =	wrdreg $0xFFFFFFFF  }
0xa7: {  	s28 =	simm.s32 $_size_execute0_lowered;
	s3 =	sadd.s32 s3, s5;
	[dreg:$0x0] =	wrdreg $0x0  }
0xa8: {  	s5 =	sshll.u32 s28, $0x1;
	[dreg:$0x2] =	wrdreg s3  }
0xa9: {  	[dreg:$0x3] =	wrdreg s5  }
0xaa: {  	[dreg:$0x4] =	wrdreg $0xC0  }
0xab: {  	_ =	task [dreg:s7], $0x5FFFF  }
0xac: {  	[dreg:$0x1] =	wrdreg $0xFFFFFFFF  }
0xad: {  	[dreg:$0x0] =	wrdreg $0x60  }
0xae: {  	[dreg:$0x2] =	wrdreg s2  }
0xaf: {  	[dreg:$0x3] =	wrdreg s24  }
0xb0: {  	[dreg:$0x4] =	wrdreg $0xB3000  }
0xb1: {  	[dreg:$0x5] =	wrdreg $0xA  }
0xb2: {  	_ =	task.clear_ibuf [dreg:s7], $0x6FFFF;
	_ =	strace $0x90000046  }
0xb3: {  	s29 =	simm.s32 $0xA;
	_ =	strace $0x80000048  }
0xb4: {  	_ =	swait.ge [sflag:s29], $0x1  }
0xb5: {  	[sflag:s29] =	ssyncadd.s32 $0xFFFFFFFF  }
0xb6: {  	_ =	strace $0x90000048  }
0xb7: {  	_ =	sfence  }
0xb8: {  	s30 =	sld [smem:$0x0];
	_ =	sdelay $0x2  }
0xb9: {  	s31 =	sshll.u32 s1, $0xD;
	s1 =	sshrl.u32 s1, $0x2  }
0xba: {  	s3 =	sand.u32 $0x4000, s31;
	s1 =	sadd.s32 s1, s30  }
0xbb: {  	s0 =	sor.u32 s3, s0;
	s1 =	sshll.u32 s1, $0x11  }
0xbc: {  	s0 =	sor.u32 s1, s0  }
0xbd: {  	s0 =	sadd.s32 $0x8F2B, s0  }
0xbe: {  	[sflag:s0] =	ssyncadd.remote.s32 $0x1  }
0xbf: {  	_ =	sfence.sel $0xFFFF  }
0xc0: {  	[dreg:$0x0] =	wrdreg $0xFFFFFFFF;
	(pc) =	sbr.abs _section_cstart, $3  }
0xc1: {  	[dreg:$0x1] =	wrdreg $0xFFFFFFFF  }
0xc2: {  	_ =	task.clear_ibuf [dreg:s7], $0x2FFFF;
	_ =	strace $0x9FFFFFFF  }
0xc3: {  	(tm) =	ssettm $0x7FFFFFFF  }
tec
execute0_lowered:
.L_overlay_start_1:
0x0: {  	(tag) =	ssettag $0x1  }
0x1: {  	s1 =	rddreg [dreg:$0x0]  }
0x2: {  	s0 =	rddreg [dreg:$0x1]  }
0x3: {  	s2 =	rddreg [dreg:$0x2];
	s3 =	simm.s32 $0x0;
	s7 =	stileid.u32  }
0x4: {  	s4 =	srdreg.scid;
	s28 =	simm.s32 $0x2;
	s8 =	smul.u32 $0x50000, s7  }
0x5: {  	s29 =	simm.s32 $0x0;
	[smem:$0x7FF] =	sst s3;
	s11 =	smul.u32 $0x280, s7  }
0x6: {  	s5 =	sadd.s32 $0xD200, s0;
	s6 =	sadd.s32 $0x3400, s0;
	s25 =	smul.u32 $0x2710, s7  }
0x7: {  	s4 =	sand.u32 $0x1, s4;
	s20 =	sadd.s32 $0x17000, s0;
	s19 =	smul.u32 $0x14000, s7  }
0x8: {  	p0 =	seq.s32 s7, $0xF;
	_ =	strace $0x80000047;
	s21 =	ssub.s32 $0x2, s4  }
0x9: {  	s10 =	sshll.u32 s4, $0x4;
	[dreg:$0x4] =	wrdreg s20;
	s9 =	sshrl.u32 s21, $0x1  }
0xa: {  	s22 =	sor.u32 s7, s10;
	s8 =	sshrl.u32 s8, $0x2;
	s23 =	sshll.u32 s11, $0x7  }
0xb: {  	s16 =	sadd.s32 $0x1E0, s11;
	s11 =	sadd.s32 $0x230, s11;
	s0 =	ssub.s32 s21, s9  }
0xc: {  	s10 =	smul.u32 $0x2710, s22;
	s8 =	sadd.s32 s8, s2;
	s12 =	sor.u32 $0x2800, s23  }
0xd: {  	s13 =	sadd.s32 $0x5000, s23;
	s14 =	sadd.s32 $0x7800, s23;
	s15 =	sadd.s32 $0xA000, s23  }
0xe: {  	s17 =	sshll.u32 s16, $0x7;
	s9 =	smul.u32 $0x138800, s4;
	s24 =	sshll.u32 s11, $0x7  }
0xf: {  	s4 =	smul.u32 $0x27100, s4;
	s11 =	simm.s32 @p0 $0x27B0;
	s16 =	simm.s32 @p0 $0x2760  }
0x10: {  	[dreg:$0x5] =	wrdreg s8;
	s8 =	sadd.s32 $0xC800, s23;
	s17 =	sadd.s32 s17, s2  }
0x11: {  	s0 =	smax.u32 s0, $0x1;
	s11 =	sshll.u32 @!p0 s11, $0x7;
	[dreg:$0x6] =	wrdreg s17  }
0x12: {  	s17 =	sadd.s32 s24, s2;
	s10 =	sshrl.u32 s10, $0x3;
	s4 =	sadd.s32 s25, s4  }
0x13: {  	s22 =	sadd.s32 s19, s9;
	s25 =	sadd.s32 s12, s2;
	[dreg:$0x16] =	wrdreg s0  }
0x14: {  	[dreg:$0x7] =	wrdreg s17;
	s18 =	sadd.s32 s5, s10;
	s26 =	sadd.s32 $0x10, s10  }
0x15: {  	s21 =	sadd.s32 s6, s10;
	s10 =	sadd.s32 $0x4E0, s10;
	[dreg:$0xf] =	wrdreg s25  }
0x16: {  	s24 =	sshrl.u32 s22, $0x3;
	s17 =	sadd.s32 s9, s13;
	[dreg:$0x8] =	wrdreg s18  }
0x17: {  	s25 =	sadd.s32 s15, s2;
	s30 =	sadd.s32 s5, s26;
	[dreg:$0xb] =	wrdreg s21  }
0x18: {  	s18 =	sadd.s32 s6, s26;
	s23 =	sadd.s32 s5, s10;
	[dreg:$0x9] =	wrdreg s30  }
0x19: {  	s10 =	sadd.s32 s6, s10;
	s26 =	sadd.s32 s9, s12;
	[dreg:$0xa] =	wrdreg s18  }
0x1a: {  	s12 =	sshrl.u32 s17, $0x3;
	s21 =	sadd.s32 s14, s2;
	[dreg:$0xc] =	wrdreg s23  }
0x1b: {  	s17 =	simm.s32 $0x3;
	[dreg:$0xd] =	wrdreg s10;
	s10 =	sadd.s32 s20, s24  }
0x1c: {  	s30 =	sadd.s32 s13, s2;
	s18 =	sadd.s32 s9, s14;
	s19 =	sadd.s32 s20, s12  }
0x1d: {  	s23 =	sadd.s32 s9, s15;
	s24 =	sadd.s32 $0x180, s4;
	s4 =	sadd.s32 $0x100, s4  }
0x1e: {  	s12 =	simm.s32 $0x8B00;
	s13 =	simm.s32 $0x5;
	[dreg:$0xe] =	wrdreg s10  }
0x1f: {  	s14 =	simm.s32 $0x80;
	s15 =	simm.s32 $0x100;
	[dreg:$0x10] =	wrdreg s30  }
0x20: {  	s10 =	sshrl.u32 s26, $0x3;
	[dreg:$0x12] =	wrdreg s19;
	s22 =	sshrl.u32 s18, $0x3  }
0x21: {  	s26 =	sadd.s32 s8, s2;
	s8 =	sadd.s32 s9, s8;
	s30 =	sshrl.u32 s24, $0x3  }
0x22: {  	s18 =	simm.s32 $0x300;
	s24 =	simm.s32 $0x1;
	s10 =	sadd.s32 s20, s10  }
0x23: {  	s8 =	sshrl.u32 s8, $0x3;
	s31 =	sadd.s32 s30, s6;
	s0 =	sadd.s32 s30, s5  }
0x24: {  	[dreg:$0x11] =	wrdreg s10;
	s10 =	sadd.s32 s20, s22;
	s8 =	sadd.s32 s20, s8  }
0x25: {  	s22 =	simm.s32 $0x4;
	[dreg:$0x13] =	wrdreg s10;
	s10 =	sshrl.u32 s23, $0x3  }
0x26: {  	[dreg:$0x15] =	wrdreg s8;
	s23 =	simm.s32 $0x4300;
	s10 =	sadd.s32 s20, s10  }
0x27: {  	v0 =	vimm.f32 $0.0e+00;
	[dreg:$0x14] =	wrdreg s10;
	s10 =	sshll.u32 @!p0 s16, $0x7;
	s16 =	simm.s32 $0x180  }
.LBB2_1:
0x28: {  	s8 =	simm.s32 $0x70;
	s30 =	simm.s32 $0x3C0  }
.LBB2_2:
0x29: {  	p1 =	sne.s32 s30, $0x9FC0;
	[tilespmem:s8+$0x8B00] =	vst v0  }
0x2a: {  	[tilespmem:s8+$0x8A90] =	vst v0  }
0x2b: {  	[tilespmem:s8+$0x8AA0] =	vst v0  }
.Ltmp0:
0x2c: {  	[tilespmem:s8+$0x8AB0] =	vst v0;
	(pc) =	sbr.rel @p1 .LBB2_2-.Ltmp0, $4  }
0x2d: {  	[tilespmem:s8+$0x8AC0] =	vst v0  }
0x2e: {  	[tilespmem:s8+$0x8AD0] =	vst v0  }
0x2f: {  	[tilespmem:s8+$0x8AE0] =	vst v0  }
0x30: {  	[tilespmem:s8+$0x8AF0] =	vst v0;
	s8 =	sshra.s32 s30, $0x2;
	s30 =	sadd.s32 $0x200, s30  }
0x31: {  	[tilespmem:s8+$0x8B00] =	vst v0  }
0x32: {  	[tilespmem:s8+$0x8A90] =	vst v0  }
0x33: {  	[tilespmem:s8+$0x8AA0] =	vst v0  }
0x34: {  	[tilespmem:s8+$0x8AB0] =	vst v0  }
0x35: {  	[tilespmem:s8+$0x8AC0] =	vst v0  }
0x36: {  	[tilespmem:s8+$0x8AD0] =	vst v0  }
0x37: {  	[tilespmem:s8+$0x8AE0] =	vst v0  }
0x38: {  	[tilespmem:s8+$0x8AF0] =	vst v0;
	s7 =	rddreg [dreg:$0x5]  }
0x39: {  	[spmem:s7] =	stream.linear.scatter [tilespmem:s12], [sflag:$0x5], $0x2800, $0x38;
	[tilespmem:$0x1EB80] =	vst v63  }
0x3a: {  	_ =	swait.ge [sflag:s13], $0x2800  }
0x3b: {  	[sflag:s13] =	ssyncset.done $0x0  }
0x3c: {  	s20 =	rddreg [dreg:$0xf];
	[sflag:s13] =	ssyncadd.s32 $0xFFFFD800  }
0x3d: {  	[spmem:s20] =	stream.linear.scatter [tilespmem:s12], [sflag:$0x5], $0x2800, $0x38;
	[tilespmem:$0x1EB80] =	vst v63  }
0x3e: {  	_ =	swait.ge [sflag:s13], $0x2800  }
0x3f: {  	[sflag:s13] =	ssyncset.done $0x0  }
0x40: {  	s8 =	rddreg [dreg:$0x10];
	[sflag:s13] =	ssyncadd.s32 $0xFFFFD800  }
0x41: {  	[spmem:s8] =	stream.linear.scatter [tilespmem:s12], [sflag:$0x5], $0x2800, $0x38;
	[tilespmem:$0x1EB80] =	vst v63  }
0x42: {  	_ =	swait.ge [sflag:s13], $0x2800  }
0x43: {  	[sflag:s13] =	ssyncset.done $0x0  }
0x44: {  	[sflag:s13] =	ssyncadd.s32 $0xFFFFD800  }
0x45: {  	[spmem:s21] =	stream.linear.scatter [tilespmem:s12], [sflag:$0x5], $0x2800, $0x38;
	[tilespmem:$0x1EB80] =	vst v63  }
0x46: {  	_ =	swait.ge [sflag:s13], $0x2800  }
0x47: {  	[sflag:s13] =	ssyncset.done $0x0  }
0x48: {  	[sflag:s13] =	ssyncadd.s32 $0xFFFFD800  }
0x49: {  	[spmem:s25] =	stream.linear.scatter [tilespmem:s12], [sflag:$0x5], $0x2800, $0x38;
	[tilespmem:$0x1EB80] =	vst v63  }
0x4a: {  	_ =	swait.ge [sflag:s13], $0x2800  }
0x4b: {  	[sflag:s13] =	ssyncset.done $0x0  }
0x4c: {  	s30 =	simm.s32 @!p0 $0x5;
	s8 =	simm.s32 @!p0 $0x8B00;
	[sflag:s13] =	ssyncadd.s32 $0xFFFFD800  }
0x4d: {  	[spmem:s26] =	stream.linear.scatter @!p0 [tilespmem:s8], [sflag:$0x5], $0x2800, $0x38;
	[tilespmem:$0x1EB80] =	vst v63  }
0x4e: {  	_ =	swait.ge @!p0 [sflag:s30], $0x2800  }
0x4f: {  	[sflag:s30] =	ssyncset.done @!p0 $0x0  }
0x50: {  	s7 =	rddreg [dreg:$0x6];
	[sflag:s30] =	ssyncadd.s32 @!p0 $0xFFFFD800  }
0x51: {  	[spmem:s7] =	stream.linear.scatter @!p0 [tilespmem:s8], [sflag:$0x5], $0x2800, $0x38;
	[tilespmem:$0x1EB80] =	vst v63  }
0x52: {  	_ =	swait.ge @!p0 [sflag:s30], $0x2800  }
0x53: {  	[sflag:s30] =	ssyncset.done @!p0 $0x0  }
0x54: {  	s7 =	rddreg [dreg:$0x7];
	[sflag:s30] =	ssyncadd.s32 @!p0 $0xFFFFD800  }
0x55: {  	[spmem:s7] =	stream.linear.scatter @!p0 [tilespmem:s8], [sflag:$0x5], $0x2800, $0x38;
	[tilespmem:$0x1EB80] =	vst v63  }
0x56: {  	_ =	swait.ge @!p0 [sflag:s30], $0x2800  }
0x57: {  	[sflag:s30] =	ssyncset.done @!p0 $0x0  }
0x58: {  	[sflag:s30] =	ssyncadd.s32 @!p0 $0xFFFFD800  }
0x59: {  	[bflag:$0x0] =	sbarrier.arrive $0xFFFF  }
0x5a: {  	s8 =	simm.s32 $0x0;
	s19 =	rddreg [dreg:$0x8]  }
0x5b: {  	[tilespmem:s8], [sflag:$0x3] =	stream.linear.gather [hbm4b:s19+s8], $0x80, $0x38;
	[tilespmem:$0x1EB80] =	vst v63  }
0x5c: {  	s20 =	rddreg [dreg:$0xb]  }
0x5d: {  	[tilespmem:s14], [sflag:$0x3] =	stream.linear.gather [hbm4b:s20+s8], $0x80, $0x38;
	[tilespmem:$0x1EB80] =	vst v63  }
0x5e: {  	s19 =	rddreg [dreg:$0x9]  }
0x5f: {  	[tilespmem:s15], [sflag:$0x4] =	stream.linear.gather [hbm4b:s19+s8], $0x80, $0x38;
	[tilespmem:$0x1EB80] =	vst v63  }
0x60: {  	s20 =	rddreg [dreg:$0xa]  }
0x61: {  	[tilespmem:s16], [sflag:$0x4] =	stream.linear.gather [hbm4b:s20+s8], $0x80, $0x38;
	[tilespmem:$0x1EB80] =	vst v63  }
0x62: {  	_ =	swait.ge [sflag:s17], $0x80  }
0x63: {  	[sflag:s17] =	ssyncset.done $0x0  }
0x64: {  	[sflag:s17] =	ssyncadd.s32 $0xFFFFFF80  }
0x65: {  	_ =	swait.ge [sflag:s17], $0x80  }
0x66: {  	[sflag:s17] =	ssyncset.done $0x0  }
0x67: {  	[sflag:s17] =	ssyncadd.s32 $0xFFFFFF80  }
0x68: {  	[tilespmem:s18], [sflag:$0x1] =	stream.indirect.gather [hbm4b:s1+s14], $0x80, s8, s14, $0xb8;
	[tilespmem:$0x1EB80] =	vst v63  }
0x69: {  	_ =	swait.ge [sflag:s22], $0x80  }
0x6a: {  	[sflag:s22] =	ssyncset.done $0x0  }
0x6b: {  	[sflag:s22] =	ssyncadd.s32 $0xFFFFFF80  }
0x6c: {  	_ =	swait.ge [sflag:s22], $0x80  }
0x6d: {  	[sflag:s22] =	ssyncset.done $0x0  }
0x6e: {  	[sflag:s22] =	ssyncadd.s32 $0xFFFFFF80  }
0x6f: {  	[tilespmem:s23], [sflag:$0x2] =	stream.indirect.gather [hbm4b:s1+s14], $0x80, s15, s14, $0xb8;
	[tilespmem:$0x1EB80] =	vst v63  }
0x70: {  	_ =	swait.ge [sflag:s24], $0x4000  }
0x71: {  	[sflag:s24] =	ssyncset.done $0x0  }
0x72: {  	[sflag:s24] =	ssyncadd.s32 $0xFFFFC000  }
0x73: {  	[spmem:s2] =	stream.indirect.scatter.add.f32 [tilespmem:s18], [sflag:$0x5], $0x80, s14, s14, $0xb8;
	[tilespmem:$0x1EB80] =	vst v63  }
0x74: {  	_ =	swait.ge [sflag:s13], $0x4000  }
0x75: {  	s7 =	sshrl.u32 s4, $0x3;
	[sflag:s13] =	ssyncset.done $0x0  }
0x76: {  	s30 =	sadd.s32 s5, s7;
	[sflag:s13] =	ssyncadd.s32 $0xFFFFC000  }
0x77: {  	[tilespmem:s3], [sflag:$0x3] =	stream.linear.gather [hbm4b:s30+s3], $0x80, $0x38;
	[tilespmem:$0x1EB80] =	vst v63  }
0x78: {  	s8 =	sadd.s32 s6, s7  }
0x79: {  	[tilespmem:s14], [sflag:$0x3] =	stream.linear.gather [hbm4b:s8+s3], $0x80, $0x38;
	[tilespmem:$0x1EB80] =	vst v63  }
0x7a: {  	_ =	swait.ge [sflag:s28], $0x4000  }
0x7b: {  	[sflag:s28] =	ssyncset.done $0x0  }
0x7c: {  	[sflag:s28] =	ssyncadd.s32 $0xFFFFC000  }
0x7d: {  	[spmem:s2] =	stream.indirect.scatter.add.f32 [tilespmem:s23], [sflag:$0x5], $0x80, s16, s14, $0xb8;
	[tilespmem:$0x1EB80] =	vst v63  }
0x7e: {  	_ =	swait.ge [sflag:s13], $0x4000  }
0x7f: {  	[sflag:s13] =	ssyncset.done $0x0  }
0x80: {  	s19 =	sadd.s32 $0x0, s0;
	[sflag:s13] =	ssyncadd.s32 $0xFFFFC000  }
0x81: {  	[tilespmem:s15], [sflag:$0x4] =	stream.linear.gather [hbm4b:s19+s3], $0x80, $0x38;
	[tilespmem:$0x1EB80] =	vst v63  }
0x82: {  	s20 =	sadd.s32 $0x0, s31  }
0x83: {  	[tilespmem:s16], [sflag:$0x4] =	stream.linear.gather [hbm4b:s20+s3], $0x80, $0x38;
	[tilespmem:$0x1EB80] =	vst v63  }
0x84: {  	_ =	swait.ge [sflag:s17], $0x80  }
0x85: {  	[sflag:s17] =	ssyncset.done $0x0  }
0x86: {  	[sflag:s17] =	ssyncadd.s32 $0xFFFFFF80  }
0x87: {  	_ =	swait.ge [sflag:s17], $0x80  }
0x88: {  	[sflag:s17] =	ssyncset.done $0x0  }
0x89: {  	s30 =	simm.s32 $0x20;
	s8 =	sadd.s32 $0x100, s4;
	[sflag:s17] =	ssyncadd.s32 $0xFFFFFF80  }
.LBB2_4:
0x8a: {  	[tilespmem:s18], [sflag:$0x1] =	stream.indirect.gather [hbm4b:s1+s14], $0x80, s3, s14, $0xb8;
	[tilespmem:$0x1EB80] =	vst v63  }
0x8b: {  	s7 =	smov.u32 s30  }
0x8c: {  	p1 =	sne.s32 s30, $0x4C0;
	s30 =	sadd.s32 $0x20, s30;
	_ =	swait.ge [sflag:s22], $0x80  }
0x8d: {  	[sflag:s22] =	ssyncset.done $0x0  }
0x8e: {  	[sflag:s22] =	ssyncadd.s32 $0xFFFFFF80  }
0x8f: {  	_ =	swait.ge [sflag:s22], $0x80  }
0x90: {  	[sflag:s22] =	ssyncset.done $0x0  }
0x91: {  	[sflag:s22] =	ssyncadd.s32 $0xFFFFFF80  }
0x92: {  	[tilespmem:s23], [sflag:$0x2] =	stream.indirect.gather [hbm4b:s1+s14], $0x80, s15, s14, $0xb8;
	[tilespmem:$0x1EB80] =	vst v63  }
0x93: {  	_ =	swait.ge [sflag:s24], $0x4000  }
0x94: {  	[sflag:s24] =	ssyncset.done $0x0  }
0x95: {  	[sflag:s24] =	ssyncadd.s32 $0xFFFFC000  }
0x96: {  	[spmem:s2] =	stream.indirect.scatter.add.f32 [tilespmem:s18], [sflag:$0x5], $0x80, s14, s14, $0xb8;
	[tilespmem:$0x1EB80] =	vst v63  }
0x97: {  	_ =	swait.ge [sflag:s13], $0x4000  }
0x98: {  	s19 =	sshrl.u32 s8, $0x3;
	[sflag:s13] =	ssyncset.done $0x0  }
0x99: {  	s20 =	sadd.s32 s5, s19;
	[sflag:s13] =	ssyncadd.s32 $0xFFFFC000  }
0x9a: {  	[tilespmem:s3], [sflag:$0x3] =	stream.linear.gather [hbm4b:s20+s3], $0x80, $0x38;
	[tilespmem:$0x1EB80] =	vst v63  }
0x9b: {  	s19 =	sadd.s32 s6, s19  }
0x9c: {  	[tilespmem:s14], [sflag:$0x3] =	stream.linear.gather [hbm4b:s19+s3], $0x80, $0x38;
	[tilespmem:$0x1EB80] =	vst v63  }
0x9d: {  	_ =	swait.ge [sflag:s28], $0x4000  }
0x9e: {  	[sflag:s28] =	ssyncset.done $0x0  }
0x9f: {  	[sflag:s28] =	ssyncadd.s32 $0xFFFFC000  }
0xa0: {  	[spmem:s2] =	stream.indirect.scatter.add.f32 [tilespmem:s23], [sflag:$0x5], $0x80, s16, s14, $0xb8;
	[tilespmem:$0x1EB80] =	vst v63  }
0xa1: {  	_ =	swait.ge [sflag:s13], $0x4000  }
0xa2: {  	[sflag:s13] =	ssyncset.done $0x0  }
0xa3: {  	s19 =	sadd.s32 s7, s0;
	[sflag:s13] =	ssyncadd.s32 $0xFFFFC000  }
0xa4: {  	[tilespmem:s15], [sflag:$0x4] =	stream.linear.gather [hbm4b:s19+s3], $0x80, $0x38;
	[tilespmem:$0x1EB80] =	vst v63  }
0xa5: {  	s7 =	sadd.s32 s7, s31  }
0xa6: {  	[tilespmem:s16], [sflag:$0x4] =	stream.linear.gather [hbm4b:s7+s3], $0x80, $0x38;
	[tilespmem:$0x1EB80] =	vst v63  }
0xa7: {  	_ =	swait.ge [sflag:s17], $0x80  }
.Ltmp1:
0xa8: {  	[sflag:s17] =	ssyncset.done $0x0;
	(pc) =	sbr.rel @p1 .LBB2_4-.Ltmp1, $4  }
0xa9: {  	[sflag:s17] =	ssyncadd.s32 $0xFFFFFF80  }
0xaa: {  	_ =	swait.ge [sflag:s17], $0x80  }
0xab: {  	[sflag:s17] =	ssyncset.done $0x0  }
0xac: {  	s8 =	sadd.s32 $0x100, s8;
	[sflag:s17] =	ssyncadd.s32 $0xFFFFFF80  }
0xad: {  	[tilespmem:s18], [sflag:$0x1] =	stream.indirect.gather [hbm4b:s1+s14], $0x80, s3, s14, $0xb8;
	[tilespmem:$0x1EB80] =	vst v63  }
0xae: {  	_ =	swait.ge [sflag:s24], $0x4000  }
0xaf: {  	[sflag:s24] =	ssyncset.done $0x0  }
0xb0: {  	[sflag:s24] =	ssyncadd.s32 $0xFFFFC000  }
0xb1: {  	_ =	swait.ge [sflag:s22], $0x80  }
0xb2: {  	[sflag:s22] =	ssyncset.done $0x0  }
0xb3: {  	[sflag:s22] =	ssyncadd.s32 $0xFFFFFF80  }
0xb4: {  	_ =	swait.ge [sflag:s22], $0x80  }
0xb5: {  	[sflag:s22] =	ssyncset.done $0x0  }
0xb6: {  	s8 =	simm.s32 $0x200;
	s7 =	rddreg [dreg:$0xc];
	[sflag:s22] =	ssyncadd.s32 $0xFFFFFF80  }
0xb7: {  	[tilespmem:s8], [sflag:$0x5] =	stream.linear.gather [hbm4b:s7+s3], $0x10, $0x38;
	[tilespmem:$0x1EB80] =	vst v63  }
0xb8: {  	_ =	swait.ge [sflag:s13], $0x10  }
0xb9: {  	[sflag:s13] =	ssyncset.done $0x0  }
0xba: {  	s19 =	simm.s32 $0x280;
	s20 =	rddreg [dreg:$0xd];
	[sflag:s13] =	ssyncadd.s32 $0xFFFFFFF0  }
0xbb: {  	[tilespmem:s19], [sflag:$0x5] =	stream.linear.gather [hbm4b:s20+s3], $0x10, $0x38;
	[tilespmem:$0x1EB80] =	vst v63  }
0xbc: {  	_ =	swait.ge [sflag:s13], $0x10  }
0xbd: {  	[sflag:s13] =	ssyncset.done $0x0  }
0xbe: {  	s30 =	simm.s32 $0x10;
	s20 =	simm.s32 $0x8300;
	[sflag:s13] =	ssyncadd.s32 $0xFFFFFFF0  }
0xbf: {  	[tilespmem:s20], [sflag:$0x5] =	stream.indirect.gather [hbm4b:s1+s30], $0x80, s8, s30, $0xb8;
	[tilespmem:$0x1EB80] =	vst v63  }
0xc0: {  	_ =	swait.ge [sflag:s13], $0x800  }
0xc1: {  	[sflag:s13] =	ssyncset.done $0x0  }
0xc2: {  	[sflag:s13] =	ssyncadd.s32 $0xFFFFF800  }
0xc3: {  	[spmem:s2] =	stream.indirect.scatter.add.f32 [tilespmem:s20], [sflag:$0x5], $0x80, s19, s30, $0xb8;
	[tilespmem:$0x1EB80] =	vst v63  }
0xc4: {  	_ =	swait.ge [sflag:s13], $0x800  }
0xc5: {  	[sflag:s13] =	ssyncset.done $0x0  }
0xc6: {  	[sflag:s13] =	ssyncadd.s32 $0xFFFFF800  }
0xc7: {  	s19 =	stileid.u32;
	[bflag:$0x0] =	sbarrier.arrive $0xFFFF  }
0xc8: {  	s7 =	sshll.u32 s19, $0x6;
	s20 =	rddreg [dreg:$0x5]  }
0xc9: {  	s7 =	sor.u32 $0x1C05, s7;
	s30 =	rddreg [dreg:$0xe];
	s8 =	sshrl.u32 s20, $0x3  }
0xca: {  	[hbm:s30], [sflag:s7] =	dma.local [spmem:s8], $0x500  }
0xcb: {  	_ =	swait.ge [sflag:s13], $0x500  }
0xcc: {  	[sflag:s13] =	ssyncset.done $0x0;
	s20 =	rddreg [dreg:$0xf]  }
0xcd: {  	s30 =	rddreg [dreg:$0x11];
	[sflag:s13] =	ssyncadd.s32 $0xFFFFFB00;
	s8 =	sshrl.u32 s20, $0x3  }
0xce: {  	[hbm:s30], [sflag:s7] =	dma.local [spmem:s8], $0x500  }
0xcf: {  	_ =	swait.ge [sflag:s13], $0x500  }
0xd0: {  	[sflag:s13] =	ssyncset.done $0x0;
	s20 =	rddreg [dreg:$0x10]  }
0xd1: {  	s30 =	rddreg [dreg:$0x12];
	[sflag:s13] =	ssyncadd.s32 $0xFFFFFB00;
	s8 =	sshrl.u32 s20, $0x3  }
0xd2: {  	[hbm:s30], [sflag:s7] =	dma.local [spmem:s8], $0x500  }
0xd3: {  	_ =	swait.ge [sflag:s13], $0x500  }
0xd4: {  	[sflag:s13] =	ssyncset.done $0x0  }
0xd5: {  	s20 =	sshrl.u32 s21, $0x3;
	s30 =	rddreg [dreg:$0x13];
	[sflag:s13] =	ssyncadd.s32 $0xFFFFFB00  }
0xd6: {  	[hbm:s30], [sflag:s7] =	dma.local [spmem:s20], $0x500  }
0xd7: {  	_ =	swait.ge [sflag:s13], $0x500  }
0xd8: {  	[sflag:s13] =	ssyncset.done $0x0  }
0xd9: {  	s19 =	sshrl.u32 s25, $0x3;
	s20 =	rddreg [dreg:$0x14];
	[sflag:s13] =	ssyncadd.s32 $0xFFFFFB00  }
0xda: {  	[hbm:s20], [sflag:s7] =	dma.local [spmem:s19], $0x500  }
0xdb: {  	_ =	swait.ge [sflag:s13], $0x500  }
0xdc: {  	[sflag:s13] =	ssyncset.done $0x0  }
0xdd: {  	s8 =	sshrl.u32 @!p0 s26, $0x3;
	s19 =	rddreg [dreg:$0x15];
	[sflag:s13] =	ssyncadd.s32 $0xFFFFFB00  }
0xde: {  	[hbm:s19], [sflag:s7] =	dma.local @!p0 [spmem:s8], $0x500  }
0xdf: {  	s8 =	simm.s32 @!p0 $0x5  }
0xe0: {  	s20 =	sadd.s32 @!p0 s10, s2;
	s19 =	sadd.s32 @!p0 s9, s10;
	_ =	swait.ge @!p0 [sflag:s8], $0x500  }
0xe1: {  	s19 =	sshrl.u32 @!p0 s19, $0x3;
	[sflag:s8] =	ssyncset.done @!p0 $0x0;
	s30 =	rddreg [dreg:$0x4]  }
0xe2: {  	s20 =	sshrl.u32 @!p0 s20, $0x3;
	[sflag:s8] =	ssyncadd.s32 @!p0 $0xFFFFFB00;
	s19 =	sadd.s32 @!p0 s30, s19  }
0xe3: {  	[hbm:s19], [sflag:s7] =	dma.local @!p0 [spmem:s20], $0x500  }
0xe4: {  	s19 =	sadd.s32 @!p0 s9, s11;
	_ =	swait.ge @!p0 [sflag:s8], $0x500  }
0xe5: {  	s20 =	sadd.s32 @!p0 s11, s2;
	s19 =	sshrl.u32 @!p0 s19, $0x3;
	[sflag:s8] =	ssyncset.done @!p0 $0x0  }
0xe6: {  	s20 =	sshrl.u32 @!p0 s20, $0x3;
	s19 =	sadd.s32 @!p0 s30, s19;
	[sflag:s8] =	ssyncadd.s32 @!p0 $0xFFFFFB00  }
0xe7: {  	[hbm:s19], [sflag:s7] =	dma.local @!p0 [spmem:s20], $0x500  }
0xe8: {  	_ =	swait.ge @!p0 [sflag:s8], $0x500  }
0xe9: {  	s29 =	sadd.s32 $0x1, s29;
	s30 =	rddreg [dreg:$0x16]  }
0xea: {  	p1 =	sne.s32 s29, s30  }
.Ltmp2:
0xeb: {  	_ = 	snop;
	(pc) =	sbr.rel @p1 .LBB2_1-.Ltmp2, $3  }
0xec: {  	_ =	sdelay $0x1  }
0xed: {  	[sflag:s8] =	ssyncset.done @!p0 $0x0  }
0xee: {  	[sflag:s8] =	ssyncadd.s32 @!p0 $0xFFFFFB00  }
0xef: {  	_ =	sfence.sel $0x180000  }
0xf0: {  	[bflag:$0x0] =	sbarrier.arrive $0xFFFF  }
0xf1: {  	_ =	strace $0x90000047  }
0xf2: {  	s0 =	stileid.u32;
	[bflag:$0x2] =	sbarrier.arrive $0xFFFF  }
0xf3: {  	p0 =	sne.s32 s0, $0x0;
	s0 =	rddreg [dreg:$0x3]  }
0xf4: {  	s0 =	sadd.s32 @!p0 $0x100000, s0  }
0xf5: {  	[sflag:s0] =	ssyncadd.tile.s32 @!p0 $0x1;
	_ =	shalt  }
.Lfunc_end2:
_tile_overlayer_lowered:
.L_overlay_start_2:
0xf6: {  	(tag) =	ssettag $0x2  }
0xf7: {  	s0 =	rddreg [dreg:$0x0];
	s2 =	stileid.u32  }
0xf8: {  	s1 =	rddreg [dreg:$0x1];
	p0 =	sne.s32 s2, $0x0  }
0xf9: {  	s3 =	rddreg [dreg:$0x2];
	[bflag:$0x3] =	sbarrier.arrive $0xFFFF;
	s2 =	simm.s32 @!p0 $0x1C05  }
0xfa: {  	[timem:s3], [sflag:s2] =	dma.local @!p0 [hbm:s0], s1  }
0xfb: {  	s0 =	simm.s32 @!p0 $0x5  }
0xfc: {  	_ =	swait.ge @!p0 [sflag:s0], s1  }
0xfd: {  	s1 =	ssub.s32 @!p0 $0x0, s1;
	[sflag:s0] =	ssyncset.done @!p0 $0x0  }
0xfe: {  	[sflag:s0] =	ssyncadd.s32 @!p0 s1  }
0xff: {  	[bflag:$0x3] =	sbarrier.arrive $0xFFFF  }
0x100: {  	_ =	shalt  }

// kernel: kernel.13.cloned.1.call-start
scs
__scs_entry_jumppad:
0x0: {  	(pc) =	sbr.rel $0x88, $3  }
0x1: {  	(tag) =	ssettag $0x0;
	lr =	simm.s32 $0x1  }
0x2: {  	[smem:$0x3F93] =	sst lr;
	_ =	strace $0xD0000000  }
0x3: {  	_ = 	snop  }
0x4: {  	_ = 	snop  }
0x5: {  	_ = 	snop  }
0x6: {  	_ = 	snop  }
0x7: {  	_ = 	snop  }
__scs_overlays_trampoline_lowered:
0x8: {  	[smem:$0x3FA2] =	sst s0  }
0x9: {  	[smem:$0x3FA3] =	sst s1  }
0xa: {  	[smem:$0x3FA4] =	sst s2  }
0xb: {  	[smem:$0x3FA5] =	sst s3  }
0xc: {  	[smem:$0x3FA6] =	sst s4  }
0xd: {  	[smem:$0x3FA7] =	sst s5  }
0xe: {  	[smem:$0x3FA8] =	sst s6  }
0xf: {  	[smem:$0x3FA9] =	sst s7  }
0x10: {  	[smem:$0x3FAA] =	sst s8  }
0x11: {  	[smem:$0x3FAB] =	sst s9;
	s0 =	simm.s32 @!p0 $0x0  }
0x12: {  	s1 =	sld [smem:$0x3F91];
	s0 =	simm.s32 @p0 $0x1  }
0x13: {  	[smem:$0x3FAC] =	sst s0;
	s0 =	simm.s32 @!p1 $0x0  }
0x14: {  	s2 =	sld [smem:$0x3F90];
	s0 =	simm.s32 @p1 $0x1  }
0x15: {  	[smem:$0x3FAD] =	sst s0;
	s0 =	simm.s32 @!p2 $0x0  }
0x16: {  	s3 =	sld [smem:$0x3FDB];
	s0 =	simm.s32 @p2 $0x1  }
0x17: {  	s4 =	simm.s32 $0x1BF5;
	[smem:$0x3FAF] =	sst s0  }
0x18: {  	s0 =	sld [smem:$0x3F92];
	_ =	swait.ge [sflag:s4], $0x0  }
0x19: {  	s7 =	sld [smem:$0x3F93]  }
0x1a: {  	s8 =	sadd.s32 $0xFFFFE003, lr  }
0x1b: {  	s9 =	sadd.s32 $0xFFFFFEF7, lr;
	s5 =	simm.s32 $0xFFFFFFFF;
	p2 =	slt.u32 s8, $0xFFFFF086  }
0x1c: {  	p1 =	slt.u32 s9, $0xF7A;
	s5 =	simm.s32 @!p2 $0x0  }
0x1d: {  	s5 =	simm.s32 @p1 $0x1;
	p0 =	seq.s32 s7, s2  }
0x1e: {  	s7 =	smul.u32 @!p0 $0xF7A, s2;
	p2 =	seq.s32 @!p0 s5, $0x0  }
0x1f: {  	s9 =	smul.u32 $0xF7A, s1;
	s8 =	simm.s32 @!p0 $0x1BF5;
	p2 =	por !p2, p0  }
0x20: {  	[sflag:s8] =	ssyncset.s32 @!p0 $0xFFFFF086;
	s6 =	sadd.s32 @!p0 s3, s7;
	s7 =	simm.s32 @!p0 $0x108  }
0x21: {  	s3 =	sadd.s32 s3, s9;
	s6 =	sadd.s32 @!p0 $0x88, s6;
	s7 =	simm.s32 @p2 $0x1082  }
0x22: {  	[simem:s7], [sflag:s8] =	dma.local @!p0 [hbm:s6], $0xF7A  }
0x23: {  	s9 =	sor.u32 $0xD0000000, s2;
	s6 =	simm.s32 $0x108;
	_ =	swait.ge @!p0 [sflag:s8], $0x0  }
0x24: {  	s3 =	sadd.s32 $0x88, s3;
	s6 =	simm.s32 @!p1 $0x1082;
	[sflag:s4] =	ssyncset.s32 $0xFFFFF086  }
0x25: {  	[simem:s6], [sflag:s4] =	dma.local [hbm:s3], $0xF7A  }
0x26: {  	[smem:$0x3F93] =	sst s1;
	(tag) =	ssettag s2;
	_ =	strace s9  }
0x27: {  	s1 =	sld [smem:$0x3FA3]  }
0x28: {  	s2 =	sld [smem:$0x3FA4]  }
0x29: {  	s4 =	sld [smem:$0x3FA6]  }
0x2a: {  	p0 =	seq.s32 s5, $0x0;
	s5 =	sld [smem:$0x3FA7]  }
0x2b: {  	s6 =	sld [smem:$0x3FA8]  }
0x2c: {  	s7 =	sld [smem:$0x3FA9]  }
0x2d: {  	s3 =	simm.s32 $0x108;
	s8 =	sld [smem:$0x3FAA]  }
0x2e: {  	s3 =	simm.s32 @!p0 $0x1082;
	s9 =	sld [smem:$0x3FAB]  }
0x2f: {  	lr =	sadd.s32 s0, s3;
	s0 =	sld [smem:$0x3FA2]  }
0x30: {  	s3 =	sld [smem:$0x3FA5]  }
0x31: {  	[smem:$0x3FAE] =	sst s10  }
0x32: {  	s10 =	sld [smem:$0x3FAC];
	_ =	sdelay $0x3  }
0x33: {  	p0 =	seq.s32 s10, $0x1;
	s10 =	sld [smem:$0x3FAE];
	_ =	sdelay $0x3  }
0x34: {  	[smem:$0x3FAE] =	sst s10  }
0x35: {  	s10 =	sld [smem:$0x3FAD];
	_ =	sdelay $0x3  }
0x36: {  	p1 =	seq.s32 s10, $0x1;
	s10 =	sld [smem:$0x3FAE];
	_ =	sdelay $0x3  }
0x37: {  	[smem:$0x3FAE] =	sst s10  }
0x38: {  	s10 =	sld [smem:$0x3FAF]  }
0x39: {  	_ = 	snop;
	(pc) =	sbr.ind lr, $3  }
0x3a: {  	_ = 	snop  }
0x3b: {  	_ = 	snop  }
0x3c: {  	p2 =	seq.s32 s10, $0x1;
	s10 =	sld [smem:$0x3FAE]  }
0x3d: {  	_ =	shalt  }
0x3e: {  	_ =	shalt  }
0x3f: {  	_ =	shalt  }
0x40: {  	_ =	shalt  }
0x41: {  	_ =	shalt  }
0x42: {  	_ =	shalt  }
0x43: {  	_ =	shalt  }
0x44: {  	_ =	shalt  }
0x45: {  	_ =	shalt  }
0x46: {  	_ =	shalt  }
0x47: {  	_ =	shalt  }
0x48: {  	_ =	shalt  }
0x49: {  	_ =	shalt  }
0x4a: {  	_ =	shalt  }
0x4b: {  	_ =	shalt  }
0x4c: {  	_ =	shalt  }
0x4d: {  	_ =	shalt  }
0x4e: {  	_ =	shalt  }
0x4f: {  	_ =	shalt  }
0x50: {  	_ =	shalt  }
0x51: {  	_ =	shalt  }
0x52: {  	_ =	shalt  }
0x53: {  	_ =	shalt  }
0x54: {  	_ =	shalt  }
0x55: {  	_ =	shalt  }
0x56: {  	_ =	shalt  }
0x57: {  	_ =	shalt  }
0x58: {  	_ =	shalt  }
0x59: {  	_ =	shalt  }
0x5a: {  	_ =	shalt  }
0x5b: {  	_ =	shalt  }
0x5c: {  	_ =	shalt  }
0x5d: {  	_ =	shalt  }
0x5e: {  	_ =	shalt  }
0x5f: {  	_ =	shalt  }
0x60: {  	_ =	shalt  }
0x61: {  	_ =	shalt  }
0x62: {  	_ =	shalt  }
0x63: {  	_ =	shalt  }
0x64: {  	_ =	shalt  }
0x65: {  	_ =	shalt  }
0x66: {  	_ =	shalt  }
0x67: {  	_ =	shalt  }
0x68: {  	_ =	shalt  }
0x69: {  	_ =	shalt  }
0x6a: {  	_ =	shalt  }
0x6b: {  	_ =	shalt  }
0x6c: {  	_ =	shalt  }
0x6d: {  	_ =	shalt  }
0x6e: {  	_ =	shalt  }
0x6f: {  	_ =	shalt  }
0x70: {  	_ =	shalt  }
0x71: {  	_ =	shalt  }
0x72: {  	_ =	shalt  }
0x73: {  	_ =	shalt  }
0x74: {  	_ =	shalt  }
0x75: {  	_ =	shalt  }
0x76: {  	_ =	shalt  }
0x77: {  	_ =	shalt  }
0x78: {  	_ =	shalt  }
0x79: {  	_ =	shalt  }
0x7a: {  	_ =	shalt  }
0x7b: {  	_ =	shalt  }
0x7c: {  	_ =	shalt  }
0x7d: {  	_ =	shalt  }
0x7e: {  	_ =	shalt  }
0x7f: {  	_ =	shalt  }
0x80: {  	_ =	shalt  }
0x81: {  	_ =	shalt  }
0x82: {  	_ =	shalt  }
0x83: {  	_ =	shalt  }
0x84: {  	_ =	shalt  }
0x85: {  	_ =	shalt  }
0x86: {  	_ =	shalt  }
0x87: {  	_ =	shalt  }
.Lfunc_end0:
.L_simem_size_0:
called_computation.2_lowered:
.L_overlay_start_0:
0x88: {  	s2 =	sld [smem:$0x3FD9]  }
0x89: {  	s3 =	sld [smem:$0x3FFE];
	_ =	sdelay $0x1  }
0x8a: {  	s1 =	srdreg.scid  }
0x8b: {  	s0 =	sand.u32 $0x1, s1  }
0x8c: {  	s16 =	sshll.u32 s0, $0xA;
	s2 =	sadd.s32 s3, s2  }
0x8d: {  	s2 =	sadd.s32 s2, s16  }
0x8e: {  	[smem:$0x3FBA] =	sst s2  }
0x8f: {  	_ = 	snop  }
0x90: {  	(tm) =	ssettm $0x1  }
0x91: {  	s17 =	sld [smem:$0x3FFB];
	_ =	sdelay $0x3  }
0x92: {  	_ =	strace s17  }
0x93: {  	s2 =	sld [smem:$0x3FFC];
	_ =	sdelay $0x3  }
0x94: {  	_ =	strace s2  }
0x95: {  	s2 =	sld [smem:$0x3FFD];
	_ =	sdelay $0x3  }
0x96: {  	_ =	strace s2  }
0x97: {  	_ =	strace $0x8FFFFFFF  }
0x98: {  	s18 =	sld [smem:$0x3FDB];
	_ =	sdelay $0x1  }
0x99: {  	s19 =	simm.s32 $_scs_section_size  }
0x9a: {  	s4 =	simm.s32 $_size__tile_overlayer_lowered;
	s5 =	simm.s32 $_tile_overlayer_lowered  }
0x9b: {  	s22 =	simm.s32 $0x1BFF;
	s21 =	sshll.u32 s5, $0x1;
	s2 =	sadd.s32 s19, s18  }
0x9c: {  	s6 =	simm.s32 $0x0;
	s20 =	sshll.u32 s4, $0x1;
	s4 =	sadd.s32 s21, s2  }
0x9d: {  	[timem:s6], [sflag:s22] =	dma.local [hbm:s4], s20  }
0x9e: {  	_ =	swait.ge [sflag:s22], s20  }
0x9f: {  	s3 =	ssub.s32 $0x0, s20;
	[sflag:s22] =	ssyncset.done $0x0  }
0xa0: {  	[sflag:s22] =	ssyncadd.s32 s3;
	_ =	sdelay $0x1  }
0xa1: {  	s23 =	simm.s32 $0x1B8B  }
0xa2: {  	_ =	swait.ge [sflag:s23], $0x1  }
0xa3: {  	[sflag:s23] =	ssyncset.done $0x0  }
0xa4: {  	s25 =	simm.s32 $0x1B8E;
	s24 =	sld [smem:$0x3FFE];
	[sflag:s23] =	ssyncadd.s32 $0xFFFFFFFF  }
0xa5: {  	s26 =	simm.s32 $execute0_lowered;
	[smem:$0x3FD2] =	sst s25  }
0xa6: {  	s4 =	sshll.u32 s26, $0x1;
	_ =	strace $0x8000004C;
	[dreg:$0x1] =	wrdreg $0xFFFFFFFF  }
0xa7: {  	s28 =	simm.s32 $_size_execute0_lowered;
	s2 =	sadd.s32 s2, s4;
	[dreg:$0x0] =	wrdreg $0x0  }
0xa8: {  	s4 =	sshll.u32 s28, $0x1;
	[dreg:$0x2] =	wrdreg s2  }
0xa9: {  	[dreg:$0x3] =	wrdreg s4  }
0xaa: {  	[dreg:$0x4] =	wrdreg $0xC0  }
0xab: {  	_ =	task [dreg:s6], $0x5FFFF  }
0xac: {  	[dreg:$0x1] =	wrdreg $0xFFFFFFFF  }
0xad: {  	[dreg:$0x0] =	wrdreg $0x60  }
0xae: {  	[dreg:$0x2] =	wrdreg s24  }
0xaf: {  	[dreg:$0x3] =	wrdreg $0xB3000  }
0xb0: {  	[dreg:$0x4] =	wrdreg $0x9  }
0xb1: {  	_ =	task.clear_ibuf [dreg:s6], $0x5FFFF;
	_ =	strace $0x9000004C  }
0xb2: {  	s29 =	simm.s32 $0x9;
	_ =	strace $0x8000004E  }
0xb3: {  	_ =	swait.ge [sflag:s29], $0x1  }
0xb4: {  	[sflag:s29] =	ssyncadd.s32 $0xFFFFFFFF  }
0xb5: {  	_ =	strace $0x9000004E  }
0xb6: {  	_ =	sfence  }
0xb7: {  	s30 =	sld [smem:$0x0];
	_ =	sdelay $0x2  }
0xb8: {  	s31 =	sshll.u32 s1, $0xD;
	s1 =	sshrl.u32 s1, $0x2  }
0xb9: {  	s3 =	sand.u32 $0x4000, s31;
	s1 =	sadd.s32 s1, s30  }
0xba: {  	s0 =	sor.u32 s3, s0;
	s1 =	sshll.u32 s1, $0x11  }
0xbb: {  	s0 =	sor.u32 s1, s0  }
0xbc: {  	s0 =	sadd.s32 $0x8F2B, s0  }
0xbd: {  	[sflag:s0] =	ssyncadd.remote.s32 $0x1  }
0xbe: {  	_ =	sfence.sel $0xFFFF  }
0xbf: {  	[dreg:$0x0] =	wrdreg $0xFFFFFFFF;
	(pc) =	sbr.abs _section_cstart, $3  }
0xc0: {  	[dreg:$0x1] =	wrdreg $0xFFFFFFFF  }
0xc1: {  	_ =	task.clear_ibuf [dreg:s6], $0x2FFFF;
	_ =	strace $0x9FFFFFFF  }
0xc2: {  	(tm) =	ssettm $0x7FFFFFFF  }
0xc3: {  	_ =	shalt  }
tec
execute0_lowered:
.L_overlay_start_1:
0x0: {  	(tag) =	ssettag $0x1  }
0x1: {  	s0 =	rddreg [dreg:$0x0]  }
0x2: {  	s1 =	rddreg [dreg:$0x1]  }
0x3: {  	s2 =	simm.s32 $0x0;
	s3 =	srdreg.scid;
	s7 =	stileid.u32  }
0x4: {  	s28 =	simm.s32 $0x2;
	s29 =	simm.s32 $0x0;
	s8 =	smul.u32 $0x50000, s7  }
0x5: {  	[smem:$0x7FF] =	sst s2;
	s4 =	sadd.s32 $0x17000, s0;
	s11 =	smul.u32 $0x280, s7  }
0x6: {  	s5 =	sadd.s32 $0xD200, s0;
	s6 =	sadd.s32 $0x3400, s0;
	s25 =	smul.u32 $0x2710, s7  }
0x7: {  	s3 =	sand.u32 $0x1, s3;
	s20 =	sadd.s32 $0x3E200, s0;
	s19 =	smul.u32 $0x14000, s7  }
0x8: {  	p0 =	seq.s32 s7, $0xF;
	_ =	strace $0x8000004D;
	s21 =	ssub.s32 $0x2, s3  }
0x9: {  	s10 =	sshll.u32 s3, $0x4;
	[dreg:$0x3] =	wrdreg s20;
	s9 =	sshrl.u32 s21, $0x1  }
0xa: {  	s22 =	sor.u32 s7, s10;
	s8 =	sshrl.u32 s8, $0x2;
	s23 =	sshll.u32 s11, $0x7  }
0xb: {  	s16 =	sadd.s32 $0x1E0, s11;
	s11 =	sadd.s32 $0x230, s11;
	s0 =	ssub.s32 s21, s9  }
0xc: {  	s10 =	smul.u32 $0x2710, s22;
	s8 =	sadd.s32 s8, s1;
	s12 =	sor.u32 $0x2800, s23  }
0xd: {  	s13 =	sadd.s32 $0x5000, s23;
	s14 =	sadd.s32 $0x7800, s23;
	s15 =	sadd.s32 $0xA000, s23  }
0xe: {  	s17 =	sshll.u32 s16, $0x7;
	s9 =	smul.u32 $0x138800, s3;
	s24 =	sshll.u32 s11, $0x7  }
0xf: {  	s3 =	smul.u32 $0x27100, s3;
	s11 =	simm.s32 @p0 $0x27B0;
	s16 =	simm.s32 @p0 $0x2760  }
0x10: {  	[dreg:$0x4] =	wrdreg s8;
	s8 =	sadd.s32 $0xC800, s23;
	s17 =	sadd.s32 s17, s1  }
0x11: {  	s0 =	smax.u32 s0, $0x1;
	s11 =	sshll.u32 @!p0 s11, $0x7;
	[dreg:$0x5] =	wrdreg s17  }
0x12: {  	s17 =	sadd.s32 s24, s1;
	s10 =	sshrl.u32 s10, $0x3;
	s3 =	sadd.s32 s25, s3  }
0x13: {  	s22 =	sadd.s32 s19, s9;
	s25 =	sadd.s32 s12, s1;
	[dreg:$0x15] =	wrdreg s0  }
0x14: {  	[dreg:$0x6] =	wrdreg s17;
	s18 =	sadd.s32 s5, s10;
	s26 =	sadd.s32 $0x10, s10  }
0x15: {  	s21 =	sadd.s32 s6, s10;
	s10 =	sadd.s32 $0x4E0, s10;
	[dreg:$0xe] =	wrdreg s25  }
0x16: {  	s24 =	sshrl.u32 s22, $0x3;
	s17 =	sadd.s32 s9, s13;
	[dreg:$0x7] =	wrdreg s18  }
0x17: {  	s25 =	sadd.s32 s15, s1;
	s30 =	sadd.s32 s5, s26;
	[dreg:$0xa] =	wrdreg s21  }
0x18: {  	s18 =	sadd.s32 s6, s26;
	s23 =	sadd.s32 s5, s10;
	[dreg:$0x8] =	wrdreg s30  }
0x19: {  	s10 =	sadd.s32 s6, s10;
	s26 =	sadd.s32 s9, s12;
	[dreg:$0x9] =	wrdreg s18  }
0x1a: {  	s12 =	sshrl.u32 s17, $0x3;
	s21 =	sadd.s32 s14, s1;
	[dreg:$0xb] =	wrdreg s23  }
0x1b: {  	s17 =	simm.s32 $0x3;
	[dreg:$0xc] =	wrdreg s10;
	s10 =	sadd.s32 s20, s24  }
0x1c: {  	s30 =	sadd.s32 s13, s1;
	s18 =	sadd.s32 s9, s14;
	s19 =	sadd.s32 s20, s12  }
0x1d: {  	s23 =	sadd.s32 s9, s15;
	s24 =	sadd.s32 $0x180, s3;
	s3 =	sadd.s32 $0x100, s3  }
0x1e: {  	s12 =	simm.s32 $0x8B00;
	s13 =	simm.s32 $0x5;
	[dreg:$0xd] =	wrdreg s10  }
0x1f: {  	s14 =	simm.s32 $0x80;
	s15 =	simm.s32 $0x100;
	[dreg:$0xf] =	wrdreg s30  }
0x20: {  	s10 =	sshrl.u32 s26, $0x3;
	[dreg:$0x11] =	wrdreg s19;
	s22 =	sshrl.u32 s18, $0x3  }
0x21: {  	s26 =	sadd.s32 s8, s1;
	s8 =	sadd.s32 s9, s8;
	s30 =	sshrl.u32 s24, $0x3  }
0x22: {  	s18 =	simm.s32 $0x300;
	s24 =	simm.s32 $0x1;
	s10 =	sadd.s32 s20, s10  }
0x23: {  	s8 =	sshrl.u32 s8, $0x3;
	s31 =	sadd.s32 s30, s6;
	s0 =	sadd.s32 s30, s5  }
0x24: {  	[dreg:$0x10] =	wrdreg s10;
	s10 =	sadd.s32 s20, s22;
	s8 =	sadd.s32 s20, s8  }
0x25: {  	s22 =	simm.s32 $0x4;
	[dreg:$0x12] =	wrdreg s10;
	s10 =	sshrl.u32 s23, $0x3  }
0x26: {  	[dreg:$0x14] =	wrdreg s8;
	s23 =	simm.s32 $0x4300;
	s10 =	sadd.s32 s20, s10  }
0x27: {  	v0 =	vimm.f32 $0.0e+00;
	[dreg:$0x13] =	wrdreg s10;
	s10 =	sshll.u32 @!p0 s16, $0x7;
	s16 =	simm.s32 $0x180  }
.LBB2_1:
0x28: {  	s8 =	simm.s32 $0x70;
	s30 =	simm.s32 $0x3C0  }
.LBB2_2:
0x29: {  	p1 =	sne.s32 s30, $0x9FC0;
	[tilespmem:s8+$0x8B00] =	vst v0  }
0x2a: {  	[tilespmem:s8+$0x8A90] =	vst v0  }
0x2b: {  	[tilespmem:s8+$0x8AA0] =	vst v0  }
.Ltmp0:
0x2c: {  	[tilespmem:s8+$0x8AB0] =	vst v0;
	(pc) =	sbr.rel @p1 .LBB2_2-.Ltmp0, $4  }
0x2d: {  	[tilespmem:s8+$0x8AC0] =	vst v0  }
0x2e: {  	[tilespmem:s8+$0x8AD0] =	vst v0  }
0x2f: {  	[tilespmem:s8+$0x8AE0] =	vst v0  }
0x30: {  	[tilespmem:s8+$0x8AF0] =	vst v0;
	s8 =	sshra.s32 s30, $0x2;
	s30 =	sadd.s32 $0x200, s30  }
0x31: {  	[tilespmem:s8+$0x8B00] =	vst v0  }
0x32: {  	[tilespmem:s8+$0x8A90] =	vst v0  }
0x33: {  	[tilespmem:s8+$0x8AA0] =	vst v0  }
0x34: {  	[tilespmem:s8+$0x8AB0] =	vst v0  }
0x35: {  	[tilespmem:s8+$0x8AC0] =	vst v0  }
0x36: {  	[tilespmem:s8+$0x8AD0] =	vst v0  }
0x37: {  	[tilespmem:s8+$0x8AE0] =	vst v0  }
0x38: {  	[tilespmem:s8+$0x8AF0] =	vst v0;
	s7 =	rddreg [dreg:$0x4]  }
0x39: {  	[spmem:s7] =	stream.linear.scatter [tilespmem:s12], [sflag:$0x5], $0x2800, $0x38;
	[tilespmem:$0x1EB80] =	vst v63  }
0x3a: {  	_ =	swait.ge [sflag:s13], $0x2800  }
0x3b: {  	[sflag:s13] =	ssyncset.done $0x0  }
0x3c: {  	s20 =	rddreg [dreg:$0xe];
	[sflag:s13] =	ssyncadd.s32 $0xFFFFD800  }
0x3d: {  	[spmem:s20] =	stream.linear.scatter [tilespmem:s12], [sflag:$0x5], $0x2800, $0x38;
	[tilespmem:$0x1EB80] =	vst v63  }
0x3e: {  	_ =	swait.ge [sflag:s13], $0x2800  }
0x3f: {  	[sflag:s13] =	ssyncset.done $0x0  }
0x40: {  	s8 =	rddreg [dreg:$0xf];
	[sflag:s13] =	ssyncadd.s32 $0xFFFFD800  }
0x41: {  	[spmem:s8] =	stream.linear.scatter [tilespmem:s12], [sflag:$0x5], $0x2800, $0x38;
	[tilespmem:$0x1EB80] =	vst v63  }
0x42: {  	_ =	swait.ge [sflag:s13], $0x2800  }
0x43: {  	[sflag:s13] =	ssyncset.done $0x0  }
0x44: {  	[sflag:s13] =	ssyncadd.s32 $0xFFFFD800  }
0x45: {  	[spmem:s21] =	stream.linear.scatter [tilespmem:s12], [sflag:$0x5], $0x2800, $0x38;
	[tilespmem:$0x1EB80] =	vst v63  }
0x46: {  	_ =	swait.ge [sflag:s13], $0x2800  }
0x47: {  	[sflag:s13] =	ssyncset.done $0x0  }
0x48: {  	[sflag:s13] =	ssyncadd.s32 $0xFFFFD800  }
0x49: {  	[spmem:s25] =	stream.linear.scatter [tilespmem:s12], [sflag:$0x5], $0x2800, $0x38;
	[tilespmem:$0x1EB80] =	vst v63  }
0x4a: {  	_ =	swait.ge [sflag:s13], $0x2800  }
0x4b: {  	[sflag:s13] =	ssyncset.done $0x0  }
0x4c: {  	s30 =	simm.s32 @!p0 $0x5;
	s8 =	simm.s32 @!p0 $0x8B00;
	[sflag:s13] =	ssyncadd.s32 $0xFFFFD800  }
0x4d: {  	[spmem:s26] =	stream.linear.scatter @!p0 [tilespmem:s8], [sflag:$0x5], $0x2800, $0x38;
	[tilespmem:$0x1EB80] =	vst v63  }
0x4e: {  	_ =	swait.ge @!p0 [sflag:s30], $0x2800  }
0x4f: {  	[sflag:s30] =	ssyncset.done @!p0 $0x0  }
0x50: {  	s7 =	rddreg [dreg:$0x5];
	[sflag:s30] =	ssyncadd.s32 @!p0 $0xFFFFD800  }
0x51: {  	[spmem:s7] =	stream.linear.scatter @!p0 [tilespmem:s8], [sflag:$0x5], $0x2800, $0x38;
	[tilespmem:$0x1EB80] =	vst v63  }
0x52: {  	_ =	swait.ge @!p0 [sflag:s30], $0x2800  }
0x53: {  	[sflag:s30] =	ssyncset.done @!p0 $0x0  }
0x54: {  	s7 =	rddreg [dreg:$0x6];
	[sflag:s30] =	ssyncadd.s32 @!p0 $0xFFFFD800  }
0x55: {  	[spmem:s7] =	stream.linear.scatter @!p0 [tilespmem:s8], [sflag:$0x5], $0x2800, $0x38;
	[tilespmem:$0x1EB80] =	vst v63  }
0x56: {  	_ =	swait.ge @!p0 [sflag:s30], $0x2800  }
0x57: {  	[sflag:s30] =	ssyncset.done @!p0 $0x0  }
0x58: {  	[sflag:s30] =	ssyncadd.s32 @!p0 $0xFFFFD800  }
0x59: {  	[bflag:$0x0] =	sbarrier.arrive $0xFFFF  }
0x5a: {  	s8 =	simm.s32 $0x0;
	s19 =	rddreg [dreg:$0x7]  }
0x5b: {  	[tilespmem:s8], [sflag:$0x3] =	stream.linear.gather [hbm4b:s19+s8], $0x80, $0x38;
	[tilespmem:$0x1EB80] =	vst v63  }
0x5c: {  	s20 =	rddreg [dreg:$0xa]  }
0x5d: {  	[tilespmem:s14], [sflag:$0x3] =	stream.linear.gather [hbm4b:s20+s8], $0x80, $0x38;
	[tilespmem:$0x1EB80] =	vst v63  }
0x5e: {  	s19 =	rddreg [dreg:$0x8]  }
0x5f: {  	[tilespmem:s15], [sflag:$0x4] =	stream.linear.gather [hbm4b:s19+s8], $0x80, $0x38;
	[tilespmem:$0x1EB80] =	vst v63  }
0x60: {  	s20 =	rddreg [dreg:$0x9]  }
0x61: {  	[tilespmem:s16], [sflag:$0x4] =	stream.linear.gather [hbm4b:s20+s8], $0x80, $0x38;
	[tilespmem:$0x1EB80] =	vst v63  }
0x62: {  	_ =	swait.ge [sflag:s17], $0x80  }
0x63: {  	[sflag:s17] =	ssyncset.done $0x0  }
0x64: {  	[sflag:s17] =	ssyncadd.s32 $0xFFFFFF80  }
0x65: {  	_ =	swait.ge [sflag:s17], $0x80  }
0x66: {  	[sflag:s17] =	ssyncset.done $0x0  }
0x67: {  	[sflag:s17] =	ssyncadd.s32 $0xFFFFFF80  }
0x68: {  	[tilespmem:s18], [sflag:$0x1] =	stream.indirect.gather [hbm4b:s4+s14], $0x80, s8, s14, $0xb8;
	[tilespmem:$0x1EB80] =	vst v63  }
0x69: {  	_ =	swait.ge [sflag:s22], $0x80  }
0x6a: {  	[sflag:s22] =	ssyncset.done $0x0  }
0x6b: {  	[sflag:s22] =	ssyncadd.s32 $0xFFFFFF80  }
0x6c: {  	_ =	swait.ge [sflag:s22], $0x80  }
0x6d: {  	[sflag:s22] =	ssyncset.done $0x0  }
0x6e: {  	[sflag:s22] =	ssyncadd.s32 $0xFFFFFF80  }
0x6f: {  	[tilespmem:s23], [sflag:$0x2] =	stream.indirect.gather [hbm4b:s4+s14], $0x80, s15, s14, $0xb8;
	[tilespmem:$0x1EB80] =	vst v63  }
0x70: {  	_ =	swait.ge [sflag:s24], $0x4000  }
0x71: {  	[sflag:s24] =	ssyncset.done $0x0  }
0x72: {  	[sflag:s24] =	ssyncadd.s32 $0xFFFFC000  }
0x73: {  	[spmem:s1] =	stream.indirect.scatter.add.f32 [tilespmem:s18], [sflag:$0x5], $0x80, s14, s14, $0xb8;
	[tilespmem:$0x1EB80] =	vst v63  }
0x74: {  	_ =	swait.ge [sflag:s13], $0x4000  }
0x75: {  	s7 =	sshrl.u32 s3, $0x3;
	[sflag:s13] =	ssyncset.done $0x0  }
0x76: {  	s30 =	sadd.s32 s5, s7;
	[sflag:s13] =	ssyncadd.s32 $0xFFFFC000  }
0x77: {  	[tilespmem:s2], [sflag:$0x3] =	stream.linear.gather [hbm4b:s30+s2], $0x80, $0x38;
	[tilespmem:$0x1EB80] =	vst v63  }
0x78: {  	s8 =	sadd.s32 s6, s7  }
0x79: {  	[tilespmem:s14], [sflag:$0x3] =	stream.linear.gather [hbm4b:s8+s2], $0x80, $0x38;
	[tilespmem:$0x1EB80] =	vst v63  }
0x7a: {  	_ =	swait.ge [sflag:s28], $0x4000  }
0x7b: {  	[sflag:s28] =	ssyncset.done $0x0  }
0x7c: {  	[sflag:s28] =	ssyncadd.s32 $0xFFFFC000  }
0x7d: {  	[spmem:s1] =	stream.indirect.scatter.add.f32 [tilespmem:s23], [sflag:$0x5], $0x80, s16, s14, $0xb8;
	[tilespmem:$0x1EB80] =	vst v63  }
0x7e: {  	_ =	swait.ge [sflag:s13], $0x4000  }
0x7f: {  	[sflag:s13] =	ssyncset.done $0x0  }
0x80: {  	s19 =	sadd.s32 $0x0, s0;
	[sflag:s13] =	ssyncadd.s32 $0xFFFFC000  }
0x81: {  	[tilespmem:s15], [sflag:$0x4] =	stream.linear.gather [hbm4b:s19+s2], $0x80, $0x38;
	[tilespmem:$0x1EB80] =	vst v63  }
0x82: {  	s20 =	sadd.s32 $0x0, s31  }
0x83: {  	[tilespmem:s16], [sflag:$0x4] =	stream.linear.gather [hbm4b:s20+s2], $0x80, $0x38;
	[tilespmem:$0x1EB80] =	vst v63  }
0x84: {  	_ =	swait.ge [sflag:s17], $0x80  }
0x85: {  	[sflag:s17] =	ssyncset.done $0x0  }
0x86: {  	[sflag:s17] =	ssyncadd.s32 $0xFFFFFF80  }
0x87: {  	_ =	swait.ge [sflag:s17], $0x80  }
0x88: {  	[sflag:s17] =	ssyncset.done $0x0  }
0x89: {  	s30 =	simm.s32 $0x20;
	s8 =	sadd.s32 $0x100, s3;
	[sflag:s17] =	ssyncadd.s32 $0xFFFFFF80  }
.LBB2_4:
0x8a: {  	[tilespmem:s18], [sflag:$0x1] =	stream.indirect.gather [hbm4b:s4+s14], $0x80, s2, s14, $0xb8;
	[tilespmem:$0x1EB80] =	vst v63  }
0x8b: {  	s7 =	smov.u32 s30  }
0x8c: {  	p1 =	sne.s32 s30, $0x4C0;
	s30 =	sadd.s32 $0x20, s30;
	_ =	swait.ge [sflag:s22], $0x80  }
0x8d: {  	[sflag:s22] =	ssyncset.done $0x0  }
0x8e: {  	[sflag:s22] =	ssyncadd.s32 $0xFFFFFF80  }
0x8f: {  	_ =	swait.ge [sflag:s22], $0x80  }
0x90: {  	[sflag:s22] =	ssyncset.done $0x0  }
0x91: {  	[sflag:s22] =	ssyncadd.s32 $0xFFFFFF80  }
0x92: {  	[tilespmem:s23], [sflag:$0x2] =	stream.indirect.gather [hbm4b:s4+s14], $0x80, s15, s14, $0xb8;
	[tilespmem:$0x1EB80] =	vst v63  }
0x93: {  	_ =	swait.ge [sflag:s24], $0x4000  }
0x94: {  	[sflag:s24] =	ssyncset.done $0x0  }
0x95: {  	[sflag:s24] =	ssyncadd.s32 $0xFFFFC000  }
0x96: {  	[spmem:s1] =	stream.indirect.scatter.add.f32 [tilespmem:s18], [sflag:$0x5], $0x80, s14, s14, $0xb8;
	[tilespmem:$0x1EB80] =	vst v63  }
0x97: {  	_ =	swait.ge [sflag:s13], $0x4000  }
0x98: {  	s19 =	sshrl.u32 s8, $0x3;
	[sflag:s13] =	ssyncset.done $0x0  }
0x99: {  	s20 =	sadd.s32 s5, s19;
	[sflag:s13] =	ssyncadd.s32 $0xFFFFC000  }
0x9a: {  	[tilespmem:s2], [sflag:$0x3] =	stream.linear.gather [hbm4b:s20+s2], $0x80, $0x38;
	[tilespmem:$0x1EB80] =	vst v63  }
0x9b: {  	s19 =	sadd.s32 s6, s19  }
0x9c: {  	[tilespmem:s14], [sflag:$0x3] =	stream.linear.gather [hbm4b:s19+s2], $0x80, $0x38;
	[tilespmem:$0x1EB80] =	vst v63  }
0x9d: {  	_ =	swait.ge [sflag:s28], $0x4000  }
0x9e: {  	[sflag:s28] =	ssyncset.done $0x0  }
0x9f: {  	[sflag:s28] =	ssyncadd.s32 $0xFFFFC000  }
0xa0: {  	[spmem:s1] =	stream.indirect.scatter.add.f32 [tilespmem:s23], [sflag:$0x5], $0x80, s16, s14, $0xb8;
	[tilespmem:$0x1EB80] =	vst v63  }
0xa1: {  	_ =	swait.ge [sflag:s13], $0x4000  }
0xa2: {  	[sflag:s13] =	ssyncset.done $0x0  }
0xa3: {  	s19 =	sadd.s32 s7, s0;
	[sflag:s13] =	ssyncadd.s32 $0xFFFFC000  }
0xa4: {  	[tilespmem:s15], [sflag:$0x4] =	stream.linear.gather [hbm4b:s19+s2], $0x80, $0x38;
	[tilespmem:$0x1EB80] =	vst v63  }
0xa5: {  	s7 =	sadd.s32 s7, s31  }
0xa6: {  	[tilespmem:s16], [sflag:$0x4] =	stream.linear.gather [hbm4b:s7+s2], $0x80, $0x38;
	[tilespmem:$0x1EB80] =	vst v63  }
0xa7: {  	_ =	swait.ge [sflag:s17], $0x80  }
.Ltmp1:
0xa8: {  	[sflag:s17] =	ssyncset.done $0x0;
	(pc) =	sbr.rel @p1 .LBB2_4-.Ltmp1, $4  }
0xa9: {  	[sflag:s17] =	ssyncadd.s32 $0xFFFFFF80  }
0xaa: {  	_ =	swait.ge [sflag:s17], $0x80  }
0xab: {  	[sflag:s17] =	ssyncset.done $0x0  }
0xac: {  	s8 =	sadd.s32 $0x100, s8;
	[sflag:s17] =	ssyncadd.s32 $0xFFFFFF80  }
0xad: {  	[tilespmem:s18], [sflag:$0x1] =	stream.indirect.gather [hbm4b:s4+s14], $0x80, s2, s14, $0xb8;
	[tilespmem:$0x1EB80] =	vst v63  }
0xae: {  	_ =	swait.ge [sflag:s24], $0x4000  }
0xaf: {  	[sflag:s24] =	ssyncset.done $0x0  }
0xb0: {  	[sflag:s24] =	ssyncadd.s32 $0xFFFFC000  }
0xb1: {  	_ =	swait.ge [sflag:s22], $0x80  }
0xb2: {  	[sflag:s22] =	ssyncset.done $0x0  }
0xb3: {  	[sflag:s22] =	ssyncadd.s32 $0xFFFFFF80  }
0xb4: {  	_ =	swait.ge [sflag:s22], $0x80  }
0xb5: {  	[sflag:s22] =	ssyncset.done $0x0  }
0xb6: {  	s8 =	simm.s32 $0x200;
	s7 =	rddreg [dreg:$0xb];
	[sflag:s22] =	ssyncadd.s32 $0xFFFFFF80  }
0xb7: {  	[tilespmem:s8], [sflag:$0x5] =	stream.linear.gather [hbm4b:s7+s2], $0x10, $0x38;
	[tilespmem:$0x1EB80] =	vst v63  }
0xb8: {  	_ =	swait.ge [sflag:s13], $0x10  }
0xb9: {  	[sflag:s13] =	ssyncset.done $0x0  }
0xba: {  	s19 =	simm.s32 $0x280;
	s20 =	rddreg [dreg:$0xc];
	[sflag:s13] =	ssyncadd.s32 $0xFFFFFFF0  }
0xbb: {  	[tilespmem:s19], [sflag:$0x5] =	stream.linear.gather [hbm4b:s20+s2], $0x10, $0x38;
	[tilespmem:$0x1EB80] =	vst v63  }
0xbc: {  	_ =	swait.ge [sflag:s13], $0x10  }
0xbd: {  	[sflag:s13] =	ssyncset.done $0x0  }
0xbe: {  	s30 =	simm.s32 $0x10;
	s20 =	simm.s32 $0x8300;
	[sflag:s13] =	ssyncadd.s32 $0xFFFFFFF0  }
0xbf: {  	[tilespmem:s20], [sflag:$0x5] =	stream.indirect.gather [hbm4b:s4+s30], $0x80, s8, s30, $0xb8;
	[tilespmem:$0x1EB80] =	vst v63  }
0xc0: {  	_ =	swait.ge [sflag:s13], $0x800  }
0xc1: {  	[sflag:s13] =	ssyncset.done $0x0  }
0xc2: {  	[sflag:s13] =	ssyncadd.s32 $0xFFFFF800  }
0xc3: {  	[spmem:s1] =	stream.indirect.scatter.add.f32 [tilespmem:s20], [sflag:$0x5], $0x80, s19, s30, $0xb8;
	[tilespmem:$0x1EB80] =	vst v63  }
0xc4: {  	_ =	swait.ge [sflag:s13], $0x800  }
0xc5: {  	[sflag:s13] =	ssyncset.done $0x0  }
0xc6: {  	[sflag:s13] =	ssyncadd.s32 $0xFFFFF800  }
0xc7: {  	s19 =	stileid.u32;
	[bflag:$0x0] =	sbarrier.arrive $0xFFFF  }
0xc8: {  	s7 =	sshll.u32 s19, $0x6;
	s20 =	rddreg [dreg:$0x4]  }
0xc9: {  	s7 =	sor.u32 $0x1C05, s7;
	s30 =	rddreg [dreg:$0xd];
	s8 =	sshrl.u32 s20, $0x3  }
0xca: {  	[hbm:s30], [sflag:s7] =	dma.local [spmem:s8], $0x500  }
0xcb: {  	_ =	swait.ge [sflag:s13], $0x500  }
0xcc: {  	[sflag:s13] =	ssyncset.done $0x0;
	s20 =	rddreg [dreg:$0xe]  }
0xcd: {  	s30 =	rddreg [dreg:$0x10];
	[sflag:s13] =	ssyncadd.s32 $0xFFFFFB00;
	s8 =	sshrl.u32 s20, $0x3  }
0xce: {  	[hbm:s30], [sflag:s7] =	dma.local [spmem:s8], $0x500  }
0xcf: {  	_ =	swait.ge [sflag:s13], $0x500  }
0xd0: {  	[sflag:s13] =	ssyncset.done $0x0;
	s20 =	rddreg [dreg:$0xf]  }
0xd1: {  	s30 =	rddreg [dreg:$0x11];
	[sflag:s13] =	ssyncadd.s32 $0xFFFFFB00;
	s8 =	sshrl.u32 s20, $0x3  }
0xd2: {  	[hbm:s30], [sflag:s7] =	dma.local [spmem:s8], $0x500  }
0xd3: {  	_ =	swait.ge [sflag:s13], $0x500  }
0xd4: {  	[sflag:s13] =	ssyncset.done $0x0  }
0xd5: {  	s20 =	sshrl.u32 s21, $0x3;
	s30 =	rddreg [dreg:$0x12];
	[sflag:s13] =	ssyncadd.s32 $0xFFFFFB00  }
0xd6: {  	[hbm:s30], [sflag:s7] =	dma.local [spmem:s20], $0x500  }
0xd7: {  	_ =	swait.ge [sflag:s13], $0x500  }
0xd8: {  	[sflag:s13] =	ssyncset.done $0x0  }
0xd9: {  	s19 =	sshrl.u32 s25, $0x3;
	s20 =	rddreg [dreg:$0x13];
	[sflag:s13] =	ssyncadd.s32 $0xFFFFFB00  }
0xda: {  	[hbm:s20], [sflag:s7] =	dma.local [spmem:s19], $0x500  }
0xdb: {  	_ =	swait.ge [sflag:s13], $0x500  }
0xdc: {  	[sflag:s13] =	ssyncset.done $0x0  }
0xdd: {  	s8 =	sshrl.u32 @!p0 s26, $0x3;
	s19 =	rddreg [dreg:$0x14];
	[sflag:s13] =	ssyncadd.s32 $0xFFFFFB00  }
0xde: {  	[hbm:s19], [sflag:s7] =	dma.local @!p0 [spmem:s8], $0x500  }
0xdf: {  	s8 =	simm.s32 @!p0 $0x5  }
0xe0: {  	s20 =	sadd.s32 @!p0 s10, s1;
	s19 =	sadd.s32 @!p0 s9, s10;
	_ =	swait.ge @!p0 [sflag:s8], $0x500  }
0xe1: {  	s19 =	sshrl.u32 @!p0 s19, $0x3;
	[sflag:s8] =	ssyncset.done @!p0 $0x0;
	s30 =	rddreg [dreg:$0x3]  }
0xe2: {  	s20 =	sshrl.u32 @!p0 s20, $0x3;
	[sflag:s8] =	ssyncadd.s32 @!p0 $0xFFFFFB00;
	s19 =	sadd.s32 @!p0 s30, s19  }
0xe3: {  	[hbm:s19], [sflag:s7] =	dma.local @!p0 [spmem:s20], $0x500  }
0xe4: {  	s19 =	sadd.s32 @!p0 s9, s11;
	_ =	swait.ge @!p0 [sflag:s8], $0x500  }
0xe5: {  	s20 =	sadd.s32 @!p0 s11, s1;
	s19 =	sshrl.u32 @!p0 s19, $0x3;
	[sflag:s8] =	ssyncset.done @!p0 $0x0  }
0xe6: {  	s20 =	sshrl.u32 @!p0 s20, $0x3;
	s19 =	sadd.s32 @!p0 s30, s19;
	[sflag:s8] =	ssyncadd.s32 @!p0 $0xFFFFFB00  }
0xe7: {  	[hbm:s19], [sflag:s7] =	dma.local @!p0 [spmem:s20], $0x500  }
0xe8: {  	_ =	swait.ge @!p0 [sflag:s8], $0x500  }
0xe9: {  	s29 =	sadd.s32 $0x1, s29;
	s30 =	rddreg [dreg:$0x15]  }
0xea: {  	p1 =	sne.s32 s29, s30  }
.Ltmp2:
0xeb: {  	_ = 	snop;
	(pc) =	sbr.rel @p1 .LBB2_1-.Ltmp2, $3  }
0xec: {  	_ =	sdelay $0x1  }
0xed: {  	[sflag:s8] =	ssyncset.done @!p0 $0x0  }
0xee: {  	[sflag:s8] =	ssyncadd.s32 @!p0 $0xFFFFFB00  }
0xef: {  	_ =	sfence.sel $0x180000  }
0xf0: {  	[bflag:$0x0] =	sbarrier.arrive $0xFFFF  }
0xf1: {  	_ =	strace $0x9000004D  }
0xf2: {  	s0 =	stileid.u32;
	[bflag:$0x2] =	sbarrier.arrive $0xFFFF  }
0xf3: {  	p0 =	sne.s32 s0, $0x0;
	s0 =	rddreg [dreg:$0x2]  }
0xf4: {  	s0 =	sadd.s32 @!p0 $0x100000, s0  }
0xf5: {  	[sflag:s0] =	ssyncadd.tile.s32 @!p0 $0x1;
	_ =	shalt  }
.Lfunc_end2:
_tile_overlayer_lowered:
.L_overlay_start_2:
0xf6: {  	(tag) =	ssettag $0x2  }
0xf7: {  	s0 =	rddreg [dreg:$0x0];
	s2 =	stileid.u32  }
0xf8: {  	s1 =	rddreg [dreg:$0x1];
	p0 =	sne.s32 s2, $0x0  }
0xf9: {  	s3 =	rddreg [dreg:$0x2];
	[bflag:$0x3] =	sbarrier.arrive $0xFFFF;
	s2 =	simm.s32 @!p0 $0x1C05  }
0xfa: {  	[timem:s3], [sflag:s2] =	dma.local @!p0 [hbm:s0], s1  }
0xfb: {  	s0 =	simm.s32 @!p0 $0x5  }
0xfc: {  	_ =	swait.ge @!p0 [sflag:s0], s1  }
0xfd: {  	s1 =	ssub.s32 @!p0 $0x0, s1;
	[sflag:s0] =	ssyncset.done @!p0 $0x0  }
0xfe: {  	[sflag:s0] =	ssyncadd.s32 @!p0 s1  }
0xff: {  	[bflag:$0x3] =	sbarrier.arrive $0xFFFF  }
0x100: {  	_ =	shalt  }

// kernel: kernel.7.cloned.1.call-start
scs
__scs_entry_jumppad:
0x0: {  	(pc) =	sbr.rel $0x88, $3  }
0x1: {  	(tag) =	ssettag $0x0;
	lr =	simm.s32 $0x1  }
0x2: {  	[smem:$0x3F93] =	sst lr;
	_ =	strace $0xD0000000  }
0x3: {  	_ = 	snop  }
0x4: {  	_ = 	snop  }
0x5: {  	_ = 	snop  }
0x6: {  	_ = 	snop  }
0x7: {  	_ = 	snop  }
__scs_overlays_trampoline_lowered:
0x8: {  	[smem:$0x3FA2] =	sst s0  }
0x9: {  	[smem:$0x3FA3] =	sst s1  }
0xa: {  	[smem:$0x3FA4] =	sst s2  }
0xb: {  	[smem:$0x3FA5] =	sst s3  }
0xc: {  	[smem:$0x3FA6] =	sst s4  }
0xd: {  	[smem:$0x3FA7] =	sst s5  }
0xe: {  	[smem:$0x3FA8] =	sst s6  }
0xf: {  	[smem:$0x3FA9] =	sst s7  }
0x10: {  	[smem:$0x3FAA] =	sst s8  }
0x11: {  	[smem:$0x3FAB] =	sst s9;
	s0 =	simm.s32 @!p0 $0x0  }
0x12: {  	s1 =	sld [smem:$0x3F91];
	s0 =	simm.s32 @p0 $0x1  }
0x13: {  	[smem:$0x3FAC] =	sst s0;
	s0 =	simm.s32 @!p1 $0x0  }
0x14: {  	s2 =	sld [smem:$0x3F90];
	s0 =	simm.s32 @p1 $0x1  }
0x15: {  	[smem:$0x3FAD] =	sst s0;
	s0 =	simm.s32 @!p2 $0x0  }
0x16: {  	s3 =	sld [smem:$0x3FDB];
	s0 =	simm.s32 @p2 $0x1  }
0x17: {  	s4 =	simm.s32 $0x1BF5;
	[smem:$0x3FAF] =	sst s0  }
0x18: {  	s0 =	sld [smem:$0x3F92];
	_ =	swait.ge [sflag:s4], $0x0  }
0x19: {  	s7 =	sld [smem:$0x3F93]  }
0x1a: {  	s8 =	sadd.s32 $0xFFFFE003, lr  }
0x1b: {  	s9 =	sadd.s32 $0xFFFFFEF7, lr;
	s5 =	simm.s32 $0xFFFFFFFF;
	p2 =	slt.u32 s8, $0xFFFFF086  }
0x1c: {  	p1 =	slt.u32 s9, $0xF7A;
	s5 =	simm.s32 @!p2 $0x0  }
0x1d: {  	s5 =	simm.s32 @p1 $0x1;
	p0 =	seq.s32 s7, s2  }
0x1e: {  	s7 =	smul.u32 @!p0 $0xF7A, s2;
	p2 =	seq.s32 @!p0 s5, $0x0  }
0x1f: {  	s9 =	smul.u32 $0xF7A, s1;
	s8 =	simm.s32 @!p0 $0x1BF5;
	p2 =	por !p2, p0  }
0x20: {  	[sflag:s8] =	ssyncset.s32 @!p0 $0xFFFFF086;
	s6 =	sadd.s32 @!p0 s3, s7;
	s7 =	simm.s32 @!p0 $0x108  }
0x21: {  	s3 =	sadd.s32 s3, s9;
	s6 =	sadd.s32 @!p0 $0x88, s6;
	s7 =	simm.s32 @p2 $0x1082  }
0x22: {  	[simem:s7], [sflag:s8] =	dma.local @!p0 [hbm:s6], $0xF7A  }
0x23: {  	s9 =	sor.u32 $0xD0000000, s2;
	s6 =	simm.s32 $0x108;
	_ =	swait.ge @!p0 [sflag:s8], $0x0  }
0x24: {  	s3 =	sadd.s32 $0x88, s3;
	s6 =	simm.s32 @!p1 $0x1082;
	[sflag:s4] =	ssyncset.s32 $0xFFFFF086  }
0x25: {  	[simem:s6], [sflag:s4] =	dma.local [hbm:s3], $0xF7A  }
0x26: {  	[smem:$0x3F93] =	sst s1;
	(tag) =	ssettag s2;
	_ =	strace s9  }
0x27: {  	s1 =	sld [smem:$0x3FA3]  }
0x28: {  	s2 =	sld [smem:$0x3FA4]  }
0x29: {  	s4 =	sld [smem:$0x3FA6]  }
0x2a: {  	p0 =	seq.s32 s5, $0x0;
	s5 =	sld [smem:$0x3FA7]  }
0x2b: {  	s6 =	sld [smem:$0x3FA8]  }
0x2c: {  	s7 =	sld [smem:$0x3FA9]  }
0x2d: {  	s3 =	simm.s32 $0x108;
	s8 =	sld [smem:$0x3FAA]  }
0x2e: {  	s3 =	simm.s32 @!p0 $0x1082;
	s9 =	sld [smem:$0x3FAB]  }
0x2f: {  	lr =	sadd.s32 s0, s3;
	s0 =	sld [smem:$0x3FA2]  }
0x30: {  	s3 =	sld [smem:$0x3FA5]  }
0x31: {  	[smem:$0x3FAE] =	sst s10  }
0x32: {  	s10 =	sld [smem:$0x3FAC];
	_ =	sdelay $0x3  }
0x33: {  	p0 =	seq.s32 s10, $0x1;
	s10 =	sld [smem:$0x3FAE];
	_ =	sdelay $0x3  }
0x34: {  	[smem:$0x3FAE] =	sst s10  }
0x35: {  	s10 =	sld [smem:$0x3FAD];
	_ =	sdelay $0x3  }
0x36: {  	p1 =	seq.s32 s10, $0x1;
	s10 =	sld [smem:$0x3FAE];
	_ =	sdelay $0x3  }
0x37: {  	[smem:$0x3FAE] =	sst s10  }
0x38: {  	s10 =	sld [smem:$0x3FAF]  }
0x39: {  	_ = 	snop;
	(pc) =	sbr.ind lr, $3  }
0x3a: {  	_ = 	snop  }
0x3b: {  	_ = 	snop  }
0x3c: {  	p2 =	seq.s32 s10, $0x1;
	s10 =	sld [smem:$0x3FAE]  }
0x3d: {  	_ =	shalt  }
0x3e: {  	_ =	shalt  }
0x3f: {  	_ =	shalt  }
0x40: {  	_ =	shalt  }
0x41: {  	_ =	shalt  }
0x42: {  	_ =	shalt  }
0x43: {  	_ =	shalt  }
0x44: {  	_ =	shalt  }
0x45: {  	_ =	shalt  }
0x46: {  	_ =	shalt  }
0x47: {  	_ =	shalt  }
0x48: {  	_ =	shalt  }
0x49: {  	_ =	shalt  }
0x4a: {  	_ =	shalt  }
0x4b: {  	_ =	shalt  }
0x4c: {  	_ =	shalt  }
0x4d: {  	_ =	shalt  }
0x4e: {  	_ =	shalt  }
0x4f: {  	_ =	shalt  }
0x50: {  	_ =	shalt  }
0x51: {  	_ =	shalt  }
0x52: {  	_ =	shalt  }
0x53: {  	_ =	shalt  }
0x54: {  	_ =	shalt  }
0x55: {  	_ =	shalt  }
0x56: {  	_ =	shalt  }
0x57: {  	_ =	shalt  }
0x58: {  	_ =	shalt  }
0x59: {  	_ =	shalt  }
0x5a: {  	_ =	shalt  }
0x5b: {  	_ =	shalt  }
0x5c: {  	_ =	shalt  }
0x5d: {  	_ =	shalt  }
0x5e: {  	_ =	shalt  }
0x5f: {  	_ =	shalt  }
0x60: {  	_ =	shalt  }
0x61: {  	_ =	shalt  }
0x62: {  	_ =	shalt  }
0x63: {  	_ =	shalt  }
0x64: {  	_ =	shalt  }
0x65: {  	_ =	shalt  }
0x66: {  	_ =	shalt  }
0x67: {  	_ =	shalt  }
0x68: {  	_ =	shalt  }
0x69: {  	_ =	shalt  }
0x6a: {  	_ =	shalt  }
0x6b: {  	_ =	shalt  }
0x6c: {  	_ =	shalt  }
0x6d: {  	_ =	shalt  }
0x6e: {  	_ =	shalt  }
0x6f: {  	_ =	shalt  }
0x70: {  	_ =	shalt  }
0x71: {  	_ =	shalt  }
0x72: {  	_ =	shalt  }
0x73: {  	_ =	shalt  }
0x74: {  	_ =	shalt  }
0x75: {  	_ =	shalt  }
0x76: {  	_ =	shalt  }
0x77: {  	_ =	shalt  }
0x78: {  	_ =	shalt  }
0x79: {  	_ =	shalt  }
0x7a: {  	_ =	shalt  }
0x7b: {  	_ =	shalt  }
0x7c: {  	_ =	shalt  }
0x7d: {  	_ =	shalt  }
0x7e: {  	_ =	shalt  }
0x7f: {  	_ =	shalt  }
0x80: {  	_ =	shalt  }
0x81: {  	_ =	shalt  }
0x82: {  	_ =	shalt  }
0x83: {  	_ =	shalt  }
0x84: {  	_ =	shalt  }
0x85: {  	_ =	shalt  }
0x86: {  	_ =	shalt  }
0x87: {  	_ =	shalt  }
.Lfunc_end0:
.L_simem_size_0:
called_computation_lowered:
.L_overlay_start_0:
0x88: {  	s2 =	sld [smem:$0x3FD9]  }
0x89: {  	s3 =	sld [smem:$0x3FFE];
	_ =	sdelay $0x1  }
0x8a: {  	s1 =	srdreg.scid  }
0x8b: {  	s0 =	sand.u32 $0x1, s1  }
0x8c: {  	s17 =	sshll.u32 s0, $0xA;
	s2 =	sadd.s32 s3, s2  }
0x8d: {  	s2 =	sadd.s32 s2, s17  }
0x8e: {  	[smem:$0x3FBA] =	sst s2  }
0x8f: {  	_ = 	snop  }
0x90: {  	s18 =	sld [smem:$0x3FD0];
	(tm) =	ssettm $0x1  }
0x91: {  	s19 =	sld [smem:$0x3FFB];
	_ =	sdelay $0x3  }
0x92: {  	_ =	strace s19  }
0x93: {  	s2 =	sld [smem:$0x3FFC];
	_ =	sdelay $0x3  }
0x94: {  	_ =	strace s2  }
0x95: {  	s2 =	sld [smem:$0x3FFD];
	_ =	sdelay $0x3  }
0x96: {  	_ =	strace s2  }
0x97: {  	_ =	strace $0x8FFFFFFF  }
0x98: {  	s20 =	sld [smem:$0x3FDB];
	_ =	sdelay $0x1  }
0x99: {  	s4 =	simm.s32 $_scs_section_size  }
0x9a: {  	s5 =	simm.s32 $_size__tile_overlayer_lowered;
	s6 =	simm.s32 $_tile_overlayer_lowered  }
0x9b: {  	s7 =	simm.s32 $0x1BFF;
	s21 =	sshll.u32 s6, $0x1;
	s4 =	sadd.s32 s4, s20  }
0x9c: {  	s22 =	simm.s32 $0x0;
	s5 =	sshll.u32 s5, $0x1;
	s6 =	sadd.s32 s21, s4  }
0x9d: {  	[timem:s22], [sflag:s7] =	dma.local [hbm:s6], s5  }
0x9e: {  	_ =	swait.ge [sflag:s7], s5  }
0x9f: {  	s5 =	ssub.s32 $0x0, s5;
	[sflag:s7] =	ssyncset.done $0x0  }
0xa0: {  	[sflag:s7] =	ssyncadd.s32 s5;
	_ =	sdelay $0x1  }
0xa1: {  	s23 =	simm.s32 $0x1B8B  }
0xa2: {  	_ =	swait.ge [sflag:s23], $0x1  }
0xa3: {  	[sflag:s23] =	ssyncset.done $0x0  }
0xa4: {  	[sflag:s23] =	ssyncadd.s32 $0xFFFFFFFF  }
0xa5: {  	s5 =	sld [smem:$0x0]  }
0xa6: {  	s6 =	sand.u32 $0xFFFFFFFE, s1  }
0xa7: {  	p0 =	sne.s32 s1, s6  }
0xa8: {  	s6 =	sshll.u32 @p0 s6, $0xE  }
0xa9: {  	s6 =	sadd.s32 @p0 $0x11B8D, s6;
	s7 =	sshll.u32 @p0 s5, $0x11  }
0xaa: {  	s6 =	sor.u32 @p0 s7, s6  }
0xab: {  	[sflag:s6] =	ssyncadd.remote.s32 @p0 $0x1;
	_ =	sdelay $0x1  }
0xac: {  	s6 =	simm.s32 @p0 $0x1B8D  }
0xad: {  	_ =	swait.eq @p0 [sflag:s6], $0x1  }
0xae: {  	[sflag:s6] =	ssyncadd.s32 @p0 $0xFFFFFFFF  }
0xaf: {  	s7 =	sshll.u32 @!p0 s1, $0xE  }
0xb0: {  	s7 =	sor.u32 @!p0 $0x4000, s7;
	s6 =	simm.s32 @!p0 $0x1B8D  }
0xb1: {  	s5 =	sshll.u32 @!p0 s5, $0x11;
	s7 =	sadd.s32 @!p0 $0x11B8D, s7;
	_ =	swait.eq @!p0 [sflag:s6], $0x1  }
0xb2: {  	s5 =	sor.u32 @!p0 s5, s7;
	[sflag:s6] =	ssyncadd.s32 @!p0 $0xFFFFFFFF  }
0xb3: {  	s25 =	simm.s32 $0x1B8E;
	s24 =	sld [smem:$0x3FFE];
	[sflag:s5] =	ssyncadd.remote.s32 @!p0 $0x1  }
0xb4: {  	s26 =	simm.s32 $execute0_lowered;
	[smem:$0x3FD2] =	sst s25  }
0xb5: {  	s6 =	sshll.u32 s26, $0x1;
	_ =	strace $0x80000049;
	[dreg:$0x1] =	wrdreg $0xFFFFFFFF  }
0xb6: {  	s28 =	simm.s32 $_size_execute0_lowered;
	s4 =	sadd.s32 s4, s6;
	[dreg:$0x0] =	wrdreg $0x0  }
0xb7: {  	s6 =	sshll.u32 s28, $0x1;
	[dreg:$0x2] =	wrdreg s4  }
0xb8: {  	[dreg:$0x3] =	wrdreg s6  }
0xb9: {  	[dreg:$0x4] =	wrdreg $0xC0  }
0xba: {  	_ =	task [dreg:s22], $0x5FFFF  }
0xbb: {  	[dreg:$0x1] =	wrdreg $0xFFFFFFFF  }
0xbc: {  	[dreg:$0x0] =	wrdreg $0x60  }
0xbd: {  	[dreg:$0x2] =	wrdreg s18  }
0xbe: {  	[dreg:$0x3] =	wrdreg s24  }
0xbf: {  	[dreg:$0x4] =	wrdreg $0x69800  }
0xc0: {  	[dreg:$0x5] =	wrdreg $0x9  }
0xc1: {  	_ =	task.clear_ibuf [dreg:s22], $0x6FFFF;
	_ =	strace $0x90000049  }
0xc2: {  	s29 =	simm.s32 $0x9;
	_ =	strace $0x8000004B  }
0xc3: {  	_ =	swait.ge [sflag:s29], $0x1  }
0xc4: {  	[sflag:s29] =	ssyncadd.s32 $0xFFFFFFFF  }
0xc5: {  	_ =	strace $0x9000004B  }
0xc6: {  	_ =	sfence  }
0xc7: {  	s30 =	sld [smem:$0x0];
	_ =	sdelay $0x2  }
0xc8: {  	s31 =	sshll.u32 s1, $0xD;
	s1 =	sshrl.u32 s1, $0x2  }
0xc9: {  	s4 =	sand.u32 $0x4000, s31;
	s1 =	sadd.s32 s1, s30  }
0xca: {  	s0 =	sor.u32 s4, s0;
	s1 =	sshll.u32 s1, $0x11  }
0xcb: {  	s0 =	sor.u32 s1, s0  }
0xcc: {  	s0 =	sadd.s32 $0x8F2B, s0  }
0xcd: {  	[sflag:s0] =	ssyncadd.remote.s32 $0x1  }
0xce: {  	_ =	sfence.sel $0xFFFF  }
0xcf: {  	[dreg:$0x0] =	wrdreg $0xFFFFFFFF;
	(pc) =	sbr.abs _section_cstart, $3  }
0xd0: {  	[dreg:$0x1] =	wrdreg $0xFFFFFFFF  }
0xd1: {  	_ =	task.clear_ibuf [dreg:s22], $0x2FFFF;
	_ =	strace $0x9FFFFFFF  }
0xd2: {  	(tm) =	ssettm $0x7FFFFFFF  }
0xd3: {  	_ =	shalt  }
tec
execute0_lowered:
.L_overlay_start_1:
0x0: {  	(tag) =	ssettag $0x1  }
0x1: {  	s1 =	rddreg [dreg:$0x0]  }
0x2: {  	s0 =	rddreg [dreg:$0x1]  }
0x3: {  	s2 =	rddreg [dreg:$0x2];
	s24 =	stileid.u32  }
0x4: {  	s4 =	simm.s32 $0x0;
	s3 =	srdreg.scid;
	s12 =	smul.u32 $0x280, s24  }
0x5: {  	s30 =	simm.s32 $0x4180;
	s31 =	simm.s32 $0x3;
	s9 =	smul.u32 $0x50000, s24  }
0x6: {  	[smem:$0x7FF] =	sst s4;
	s3 =	sand.u32 $0x1, s3;
	s21 =	smul.u32 $0x2710, s24  }
0x7: {  	s5 =	sadd.s32 $0x65200, s0;
	s25 =	smul.u32 $0x14000, s24;
	p0 =	seq.s32 s24, $0xF  }
0x8: {  	_ =	strace $0x8000004A;
	s6 =	ssub.s32 $0x2, s3;
	s8 =	sshll.u32 s3, $0x4  }
0x9: {  	s15 =	smul.u32 $0x27100, s3;
	s7 =	sshrl.u32 s6, $0x1;
	s22 =	sor.u32 s24, s8  }
0xa: {  	s23 =	sshrl.u32 s9, $0x2;
	s10 =	sshll.u32 s12, $0x7;
	s20 =	sadd.s32 $0x1E0, s12  }
0xb: {  	s26 =	sadd.s32 $0x230, s12;
	s12 =	smul.u32 $0x138800, s3;
	s0 =	ssub.s32 s6, s7  }
0xc: {  	s13 =	smul.u32 $0x2710, s22;
	s6 =	sadd.s32 s23, s2;
	s14 =	sor.u32 $0x2800, s10  }
0xd: {  	s16 =	sadd.s32 $0x5000, s10;
	s17 =	sadd.s32 $0x7800, s10;
	s18 =	sadd.s32 $0xA000, s10  }
0xe: {  	s19 =	sadd.s32 $0xC800, s10;
	s22 =	sshll.u32 s20, $0x7;
	s23 =	sshll.u32 s26, $0x7  }
0xf: {  	s20 =	simm.s32 @p0 $0x2760;
	s26 =	simm.s32 @p0 $0x27B0;
	s7 =	sadd.s32 s14, s2  }
0x10: {  	s8 =	sadd.s32 s16, s2;
	s9 =	sadd.s32 s17, s2;
	s10 =	sadd.s32 s18, s2  }
0x11: {  	s11 =	sadd.s32 s19, s2;
	s22 =	sadd.s32 s22, s2;
	s23 =	sadd.s32 s23, s2  }
0x12: {  	s25 =	sadd.s32 s25, s12;
	s14 =	sadd.s32 s12, s14;
	s16 =	sadd.s32 s12, s16  }
0x13: {  	s17 =	sadd.s32 s12, s17;
	s18 =	sadd.s32 s12, s18;
	s0 =	smax.u32 s0, $0x1  }
0x14: {  	s26 =	sshll.u32 @!p0 s26, $0x7;
	s3 =	sshrl.u32 s13, $0x3;
	[dreg:$0x4] =	wrdreg s22  }
0x15: {  	s13 =	sadd.s32 s21, s15;
	[dreg:$0x5] =	wrdreg s23;
	s14 =	sshrl.u32 s14, $0x3  }
0x16: {  	s16 =	sshrl.u32 s16, $0x3;
	s21 =	sadd.s32 s12, s19;
	[dreg:$0xc] =	wrdreg s0  }
0x17: {  	s15 =	sadd.s32 s1, s3;
	s3 =	sshrl.u32 s25, $0x3;
	s14 =	sadd.s32 s5, s14  }
0x18: {  	s16 =	sadd.s32 s5, s16;
	s25 =	sadd.s32 $0x80, s13;
	[dreg:$0x7] =	wrdreg s14  }
0x19: {  	s3 =	sadd.s32 s5, s3;
	[dreg:$0x8] =	wrdreg s16;
	s14 =	sshrl.u32 s18, $0x3  }
0x1a: {  	s16 =	sshrl.u32 s21, $0x3;
	s0 =	sshrl.u32 s25, $0x3;
	s25 =	sshll.u32 @!p0 s20, $0x7  }
0x1b: {  	s28 =	sadd.s32 $0x4D0, s15;
	s29 =	sadd.s32 $0x4E0, s15;
	[dreg:$0x6] =	wrdreg s3  }
0x1c: {  	s3 =	sshrl.u32 s17, $0x3;
	s22 =	sadd.s32 s5, s14;
	s23 =	sadd.s32 s5, s16  }
0x1d: {  	s24 =	sadd.s32 s0, s1;
	s0 =	simm.s32 $0x80;
	s14 =	simm.s32 $0x2  }
0x1e: {  	s16 =	simm.s32 $0x100;
	s17 =	simm.s32 $0x0;
	[dreg:$0xa] =	wrdreg s22  }
0x1f: {  	s3 =	sadd.s32 s5, s3;
	[dreg:$0xb] =	wrdreg s23;
	s23 =	sadd.s32 $0x100, s13  }
0x20: {  	v0 =	vimm.f32 $0.0e+00;
	v1 =	vimm.f32 $1.000000000e+00;
	s13 =	simm.s32 $0x180;
	[dreg:$0x9] =	wrdreg s3;
	s3 =	simm.s32 $0x1  }
.LBB2_1:
0x21: {  	s18 =	simm.s32 $0x70;
	s19 =	simm.s32 $0x3C0  }
.LBB2_2:
0x22: {  	p1 =	sne.s32 s19, $0x9FC0;
	[tilespmem:s18+$0x4180] =	vst v0  }
0x23: {  	[tilespmem:s18+$0x4110] =	vst v0  }
0x24: {  	[tilespmem:s18+$0x4120] =	vst v0  }
.Ltmp0:
0x25: {  	[tilespmem:s18+$0x4130] =	vst v0;
	(pc) =	sbr.rel @p1 .LBB2_2-.Ltmp0, $4  }
0x26: {  	[tilespmem:s18+$0x4140] =	vst v0  }
0x27: {  	[tilespmem:s18+$0x4150] =	vst v0  }
0x28: {  	[tilespmem:s18+$0x4160] =	vst v0  }
0x29: {  	[tilespmem:s18+$0x4170] =	vst v0;
	s18 =	sshra.s32 s19, $0x2;
	s19 =	sadd.s32 $0x200, s19  }
0x2a: {  	[tilespmem:s18+$0x4180] =	vst v0  }
0x2b: {  	[tilespmem:s18+$0x4110] =	vst v0  }
0x2c: {  	[tilespmem:s18+$0x4120] =	vst v0  }
0x2d: {  	[tilespmem:s18+$0x4130] =	vst v0  }
0x2e: {  	[tilespmem:s18+$0x4140] =	vst v0  }
0x2f: {  	[tilespmem:s18+$0x4150] =	vst v0  }
0x30: {  	[tilespmem:s18+$0x4160] =	vst v0  }
0x31: {  	[tilespmem:s18+$0x4170] =	vst v0  }
0x32: {  	[spmem:s6] =	stream.linear.scatter [tilespmem:s30], [sflag:$0x3], $0x2800, $0x38;
	[tilespmem:$0x1A200] =	vst v63  }
0x33: {  	_ =	swait.ge [sflag:s31], $0x2800  }
0x34: {  	[sflag:s31] =	ssyncset.done $0x0  }
0x35: {  	[sflag:s31] =	ssyncadd.s32 $0xFFFFD800  }
0x36: {  	[spmem:s7] =	stream.linear.scatter [tilespmem:s30], [sflag:$0x3], $0x2800, $0x38;
	[tilespmem:$0x1A200] =	vst v63  }
0x37: {  	_ =	swait.ge [sflag:s31], $0x2800  }
0x38: {  	[sflag:s31] =	ssyncset.done $0x0  }
0x39: {  	[sflag:s31] =	ssyncadd.s32 $0xFFFFD800  }
0x3a: {  	[spmem:s8] =	stream.linear.scatter [tilespmem:s30], [sflag:$0x3], $0x2800, $0x38;
	[tilespmem:$0x1A200] =	vst v63  }
0x3b: {  	_ =	swait.ge [sflag:s31], $0x2800  }
0x3c: {  	[sflag:s31] =	ssyncset.done $0x0  }
0x3d: {  	[sflag:s31] =	ssyncadd.s32 $0xFFFFD800  }
0x3e: {  	[spmem:s9] =	stream.linear.scatter [tilespmem:s30], [sflag:$0x3], $0x2800, $0x38;
	[tilespmem:$0x1A200] =	vst v63  }
0x3f: {  	_ =	swait.ge [sflag:s31], $0x2800  }
0x40: {  	[sflag:s31] =	ssyncset.done $0x0  }
0x41: {  	[sflag:s31] =	ssyncadd.s32 $0xFFFFD800  }
0x42: {  	[spmem:s10] =	stream.linear.scatter [tilespmem:s30], [sflag:$0x3], $0x2800, $0x38;
	[tilespmem:$0x1A200] =	vst v63  }
0x43: {  	_ =	swait.ge [sflag:s31], $0x2800  }
0x44: {  	[sflag:s31] =	ssyncset.done $0x0  }
0x45: {  	s18 =	simm.s32 @!p0 $0x4180;
	s19 =	simm.s32 @!p0 $0x3;
	[sflag:s31] =	ssyncadd.s32 $0xFFFFD800  }
0x46: {  	[spmem:s11] =	stream.linear.scatter @!p0 [tilespmem:s18], [sflag:$0x3], $0x2800, $0x38;
	[tilespmem:$0x1A200] =	vst v63  }
0x47: {  	_ =	swait.ge @!p0 [sflag:s19], $0x2800  }
0x48: {  	[sflag:s19] =	ssyncset.done @!p0 $0x0  }
0x49: {  	s20 =	rddreg [dreg:$0x4];
	[sflag:s19] =	ssyncadd.s32 @!p0 $0xFFFFD800  }
0x4a: {  	[spmem:s20] =	stream.linear.scatter @!p0 [tilespmem:s18], [sflag:$0x3], $0x2800, $0x38;
	[tilespmem:$0x1A200] =	vst v63  }
0x4b: {  	_ =	swait.ge @!p0 [sflag:s19], $0x2800  }
0x4c: {  	[sflag:s19] =	ssyncset.done @!p0 $0x0  }
0x4d: {  	s20 =	rddreg [dreg:$0x5];
	[sflag:s19] =	ssyncadd.s32 @!p0 $0xFFFFD800  }
0x4e: {  	[spmem:s20] =	stream.linear.scatter @!p0 [tilespmem:s18], [sflag:$0x3], $0x2800, $0x38;
	[tilespmem:$0x1A200] =	vst v63  }
0x4f: {  	_ =	swait.ge @!p0 [sflag:s19], $0x2800  }
0x50: {  	[sflag:s19] =	ssyncset.done @!p0 $0x0  }
0x51: {  	s18 =	simm.s32 $0x0;
	[sflag:s19] =	ssyncadd.s32 @!p0 $0xFFFFD800;
	s19 =	simm.s32 $0x200  }
.LBB2_4:
0x52: {  	p1 =	sne.s32 s19, $0xFE00;
	[tilespmem:s18+$0x1F0] =	vst v1  }
0x53: {  	[tilespmem:s18+$0x180] =	vst v1  }
0x54: {  	[tilespmem:s18+$0x190] =	vst v1  }
.Ltmp1:
0x55: {  	[tilespmem:s18+$0x1A0] =	vst v1;
	(pc) =	sbr.rel @p1 .LBB2_4-.Ltmp1, $4  }
0x56: {  	[tilespmem:s18+$0x1B0] =	vst v1  }
0x57: {  	[tilespmem:s18+$0x1C0] =	vst v1  }
0x58: {  	[tilespmem:s18+$0x1D0] =	vst v1  }
0x59: {  	[tilespmem:s18+$0x1E0] =	vst v1;
	s18 =	sshra.s32 s19, $0x2;
	s19 =	sadd.s32 $0x200, s19  }
0x5a: {  	[tilespmem:s18+$0x1F0] =	vst v1  }
0x5b: {  	[tilespmem:s18+$0x180] =	vst v1  }
0x5c: {  	[tilespmem:s18+$0x190] =	vst v1  }
0x5d: {  	[tilespmem:s18+$0x1A0] =	vst v1  }
0x5e: {  	[tilespmem:s18+$0x1B0] =	vst v1  }
0x5f: {  	[tilespmem:s18+$0x1C0] =	vst v1  }
0x60: {  	[tilespmem:s18+$0x1D0] =	vst v1  }
0x61: {  	[tilespmem:s18+$0x1E0] =	vst v1  }
0x62: {  	s20 =	simm.s32 $0x0;
	[bflag:$0x0] =	sbarrier.arrive $0xFFFF  }
0x63: {  	[tilespmem:s20], [sflag:$0x1] =	stream.linear.gather [hbm4b:s15+s20], $0x80, $0x38;
	[tilespmem:$0x1A200] =	vst v63  }
0x64: {  	s21 =	sadd.s32 $0x0, s24  }
0x65: {  	[tilespmem:s0], [sflag:$0x2] =	stream.linear.gather [hbm4b:s21+s4], $0x80, $0x38;
	[tilespmem:$0x1A200] =	vst v63  }
0x66: {  	_ =	swait.ge [sflag:s3], $0x80  }
0x67: {  	[sflag:s3] =	ssyncset.done $0x0  }
0x68: {  	[sflag:s3] =	ssyncadd.s32 $0xFFFFFF80  }
0x69: {  	[spmem:s2] =	stream.indirect.scatter.add.f32 [tilespmem:s13], [sflag:$0x3], $0x80, s4, s0, $0xb8;
	[tilespmem:$0x1A200] =	vst v63  }
0x6a: {  	_ =	swait.ge [sflag:s31], $0x4000  }
0x6b: {  	s22 =	sshrl.u32 s23, $0x3;
	[sflag:s31] =	ssyncset.done $0x0  }
0x6c: {  	s18 =	sadd.s32 s1, s22;
	[sflag:s31] =	ssyncadd.s32 $0xFFFFC000  }
0x6d: {  	[tilespmem:s4], [sflag:$0x1] =	stream.linear.gather [hbm4b:s18+s4], $0x80, $0x38;
	[tilespmem:$0x1A200] =	vst v63  }
0x6e: {  	_ =	swait.ge [sflag:s14], $0x80  }
0x6f: {  	[sflag:s14] =	ssyncset.done $0x0  }
0x70: {  	[sflag:s14] =	ssyncadd.s32 $0xFFFFFF80  }
0x71: {  	[spmem:s2] =	stream.indirect.scatter.add.f32 [tilespmem:s13], [sflag:$0x3], $0x80, s0, s0, $0xb8;
	[tilespmem:$0x1A200] =	vst v63  }
0x72: {  	s19 =	simm.s32 $0x20;
	_ =	swait.ge [sflag:s31], $0x4000  }
0x73: {  	s20 =	simm.s32 $0x40;
	s18 =	sadd.s32 $0x100, s23;
	[sflag:s31] =	ssyncset.done $0x0  }
.LBB2_6:
0x74: {  	s21 =	sadd.s32 s19, s24  }
0x75: {  	[sflag:s31] =	ssyncadd.s32 $0xFFFFC000;
	s19 =	smov.u32 s20;
	s22 =	sadd.s32 $0x20, s20  }
0x76: {  	[tilespmem:s0], [sflag:$0x2] =	stream.linear.gather [hbm4b:s21+s4], $0x80, $0x38;
	[tilespmem:$0x1A200] =	vst v63  }
0x77: {  	p1 =	sne.s32 s20, $0x4A0;
	_ =	swait.ge [sflag:s3], $0x80  }
0x78: {  	[sflag:s3] =	ssyncset.done $0x0  }
0x79: {  	[sflag:s3] =	ssyncadd.s32 $0xFFFFFF80  }
0x7a: {  	[spmem:s2] =	stream.indirect.scatter.add.f32 [tilespmem:s13], [sflag:$0x3], $0x80, s4, s0, $0xb8;
	[tilespmem:$0x1A200] =	vst v63  }
0x7b: {  	_ =	swait.ge [sflag:s31], $0x4000  }
0x7c: {  	s20 =	sshrl.u32 s18, $0x3;
	[sflag:s31] =	ssyncset.done $0x0  }
0x7d: {  	s20 =	sadd.s32 s1, s20;
	[sflag:s31] =	ssyncadd.s32 $0xFFFFC000  }
0x7e: {  	[tilespmem:s4], [sflag:$0x1] =	stream.linear.gather [hbm4b:s20+s4], $0x80, $0x38;
	[tilespmem:$0x1A200] =	vst v63  }
0x7f: {  	_ =	swait.ge [sflag:s14], $0x80  }
.Ltmp2:
0x80: {  	[sflag:s14] =	ssyncset.done $0x0;
	(pc) =	sbr.rel @p1 .LBB2_6-.Ltmp2, $4  }
0x81: {  	[sflag:s14] =	ssyncadd.s32 $0xFFFFFF80  }
0x82: {  	[spmem:s2] =	stream.indirect.scatter.add.f32 [tilespmem:s13], [sflag:$0x3], $0x80, s0, s0, $0xb8;
	[tilespmem:$0x1A200] =	vst v63  }
0x83: {  	_ =	swait.ge [sflag:s31], $0x4000  }
0x84: {  	s18 =	sadd.s32 $0x100, s18;
	s20 =	smov.u32 s22;
	[sflag:s31] =	ssyncset.done $0x0  }
0x85: {  	s19 =	sadd.s32 s19, s24;
	[sflag:s31] =	ssyncadd.s32 $0xFFFFC000  }
0x86: {  	[tilespmem:s0], [sflag:$0x2] =	stream.linear.gather [hbm4b:s19+s4], $0x80, $0x38;
	[tilespmem:$0x1A200] =	vst v63  }
0x87: {  	_ =	swait.ge [sflag:s3], $0x80  }
0x88: {  	[sflag:s3] =	ssyncset.done $0x0  }
0x89: {  	[sflag:s3] =	ssyncadd.s32 $0xFFFFFF80  }
0x8a: {  	[spmem:s2] =	stream.indirect.scatter.add.f32 [tilespmem:s13], [sflag:$0x3], $0x80, s4, s0, $0xb8;
	[tilespmem:$0x1A200] =	vst v63  }
0x8b: {  	_ =	swait.ge [sflag:s31], $0x4000  }
0x8c: {  	s18 =	sshrl.u32 s18, $0x3;
	[sflag:s31] =	ssyncset.done $0x0  }
0x8d: {  	s18 =	sadd.s32 s1, s18;
	[sflag:s31] =	ssyncadd.s32 $0xFFFFC000  }
0x8e: {  	[tilespmem:s4], [sflag:$0x1] =	stream.linear.gather [hbm4b:s18+s4], $0x80, $0x38;
	[tilespmem:$0x1A200] =	vst v63  }
0x8f: {  	_ =	swait.ge [sflag:s14], $0x80  }
0x90: {  	[sflag:s14] =	ssyncset.done $0x0  }
0x91: {  	[sflag:s14] =	ssyncadd.s32 $0xFFFFFF80  }
0x92: {  	[spmem:s2] =	stream.indirect.scatter.add.f32 [tilespmem:s13], [sflag:$0x3], $0x80, s0, s0, $0xb8;
	[tilespmem:$0x1A200] =	vst v63  }
0x93: {  	_ =	swait.ge [sflag:s31], $0x4000  }
0x94: {  	[sflag:s31] =	ssyncset.done $0x0  }
0x95: {  	[sflag:s31] =	ssyncadd.s32 $0xFFFFC000  }
0x96: {  	[tilespmem:s0], [sflag:$0x2] =	stream.linear.gather [hbm4b:s28+s4], $0x80, $0x38;
	[tilespmem:$0x1A200] =	vst v63  }
0x97: {  	_ =	swait.ge [sflag:s3], $0x80  }
0x98: {  	[sflag:s3] =	ssyncset.done $0x0  }
0x99: {  	[sflag:s3] =	ssyncadd.s32 $0xFFFFFF80  }
0x9a: {  	[spmem:s2] =	stream.indirect.scatter.add.f32 [tilespmem:s13], [sflag:$0x3], $0x80, s4, s0, $0xb8;
	[tilespmem:$0x1A200] =	vst v63  }
0x9b: {  	_ =	swait.ge [sflag:s31], $0x4000  }
0x9c: {  	[sflag:s31] =	ssyncset.done $0x0  }
0x9d: {  	[sflag:s31] =	ssyncadd.s32 $0xFFFFC000  }
0x9e: {  	[tilespmem:s16], [sflag:$0x3] =	stream.linear.gather [hbm4b:s29+s4], $0x10, $0x38;
	[tilespmem:$0x1A200] =	vst v63  }
0x9f: {  	_ =	swait.ge [sflag:s31], $0x10  }
0xa0: {  	[sflag:s31] =	ssyncset.done $0x0  }
0xa1: {  	[sflag:s31] =	ssyncadd.s32 $0xFFFFFFF0  }
0xa2: {  	_ =	swait.ge [sflag:s14], $0x80  }
0xa3: {  	[sflag:s14] =	ssyncset.done $0x0  }
0xa4: {  	[sflag:s14] =	ssyncadd.s32 $0xFFFFFF80  }
0xa5: {  	[spmem:s2] =	stream.indirect.scatter.add.f32 [tilespmem:s13], [sflag:$0x3], $0x80, s0, s0, $0xb8;
	[tilespmem:$0x1A200] =	vst v63  }
0xa6: {  	_ =	swait.ge [sflag:s31], $0x4000  }
0xa7: {  	[sflag:s31] =	ssyncset.done $0x0  }
0xa8: {  	s20 =	simm.s32 $0x10;
	[sflag:s31] =	ssyncadd.s32 $0xFFFFC000  }
0xa9: {  	[spmem:s2] =	stream.indirect.scatter.add.f32 [tilespmem:s13], [sflag:$0x3], $0x80, s16, s20, $0xb8;
	[tilespmem:$0x1A200] =	vst v63  }
0xaa: {  	_ =	swait.ge [sflag:s31], $0x800  }
0xab: {  	[sflag:s31] =	ssyncset.done $0x0  }
0xac: {  	s21 =	stileid.u32;
	[sflag:s31] =	ssyncadd.s32 $0xFFFFF800  }
0xad: {  	s18 =	sshll.u32 s21, $0x6;
	[bflag:$0x0] =	sbarrier.arrive $0xFFFF  }
0xae: {  	s22 =	sshrl.u32 s6, $0x3;
	s18 =	sor.u32 $0x1C03, s18;
	s20 =	rddreg [dreg:$0x6]  }
0xaf: {  	[hbm:s20], [sflag:s18] =	dma.local [spmem:s22], $0x500  }
0xb0: {  	_ =	swait.ge [sflag:s31], $0x500  }
0xb1: {  	[sflag:s31] =	ssyncset.done $0x0  }
0xb2: {  	s21 =	sshrl.u32 s7, $0x3;
	s22 =	rddreg [dreg:$0x7];
	[sflag:s31] =	ssyncadd.s32 $0xFFFFFB00  }
0xb3: {  	[hbm:s22], [sflag:s18] =	dma.local [spmem:s21], $0x500  }
0xb4: {  	_ =	swait.ge [sflag:s31], $0x500  }
0xb5: {  	[sflag:s31] =	ssyncset.done $0x0  }
0xb6: {  	s21 =	sshrl.u32 s8, $0x3;
	s22 =	rddreg [dreg:$0x8];
	[sflag:s31] =	ssyncadd.s32 $0xFFFFFB00  }
0xb7: {  	[hbm:s22], [sflag:s18] =	dma.local [spmem:s21], $0x500  }
0xb8: {  	_ =	swait.ge [sflag:s31], $0x500  }
0xb9: {  	[sflag:s31] =	ssyncset.done $0x0  }
0xba: {  	s21 =	sshrl.u32 s9, $0x3;
	s22 =	rddreg [dreg:$0x9];
	[sflag:s31] =	ssyncadd.s32 $0xFFFFFB00  }
0xbb: {  	[hbm:s22], [sflag:s18] =	dma.local [spmem:s21], $0x500  }
0xbc: {  	_ =	swait.ge [sflag:s31], $0x500  }
0xbd: {  	[sflag:s31] =	ssyncset.done $0x0  }
0xbe: {  	s20 =	sshrl.u32 s10, $0x3;
	s21 =	rddreg [dreg:$0xa];
	[sflag:s31] =	ssyncadd.s32 $0xFFFFFB00  }
0xbf: {  	[hbm:s21], [sflag:s18] =	dma.local [spmem:s20], $0x500  }
0xc0: {  	_ =	swait.ge [sflag:s31], $0x500  }
0xc1: {  	[sflag:s31] =	ssyncset.done $0x0  }
0xc2: {  	s19 =	sshrl.u32 @!p0 s11, $0x3;
	s20 =	rddreg [dreg:$0xb];
	[sflag:s31] =	ssyncadd.s32 $0xFFFFFB00  }
0xc3: {  	[hbm:s20], [sflag:s18] =	dma.local @!p0 [spmem:s19], $0x500  }
0xc4: {  	s19 =	simm.s32 @!p0 $0x3  }
0xc5: {  	s20 =	sadd.s32 @!p0 s12, s25;
	_ =	swait.ge @!p0 [sflag:s19], $0x500  }
0xc6: {  	s21 =	sadd.s32 @!p0 s25, s2;
	s20 =	sshrl.u32 @!p0 s20, $0x3;
	[sflag:s19] =	ssyncset.done @!p0 $0x0  }
0xc7: {  	s21 =	sshrl.u32 @!p0 s21, $0x3;
	s20 =	sadd.s32 @!p0 s5, s20;
	[sflag:s19] =	ssyncadd.s32 @!p0 $0xFFFFFB00  }
0xc8: {  	[hbm:s20], [sflag:s18] =	dma.local @!p0 [spmem:s21], $0x500  }
0xc9: {  	s20 =	sadd.s32 @!p0 s12, s26;
	_ =	swait.ge @!p0 [sflag:s19], $0x500  }
0xca: {  	s21 =	sadd.s32 @!p0 s26, s2;
	s20 =	sshrl.u32 @!p0 s20, $0x3;
	[sflag:s19] =	ssyncset.done @!p0 $0x0  }
0xcb: {  	s21 =	sshrl.u32 @!p0 s21, $0x3;
	s20 =	sadd.s32 @!p0 s5, s20;
	[sflag:s19] =	ssyncadd.s32 @!p0 $0xFFFFFB00  }
0xcc: {  	[hbm:s20], [sflag:s18] =	dma.local @!p0 [spmem:s21], $0x500  }
0xcd: {  	_ =	swait.ge @!p0 [sflag:s19], $0x500  }
0xce: {  	s17 =	sadd.s32 $0x1, s17;
	s22 =	rddreg [dreg:$0xc]  }
0xcf: {  	p1 =	sne.s32 s17, s22  }
.Ltmp3:
0xd0: {  	_ = 	snop;
	(pc) =	sbr.rel @p1 .LBB2_1-.Ltmp3, $3  }
0xd1: {  	_ =	sdelay $0x1  }
0xd2: {  	[sflag:s19] =	ssyncset.done @!p0 $0x0  }
0xd3: {  	[sflag:s19] =	ssyncadd.s32 @!p0 $0xFFFFFB00  }
0xd4: {  	_ =	sfence.sel $0x180000  }
0xd5: {  	[bflag:$0x0] =	sbarrier.arrive $0xFFFF  }
0xd6: {  	_ =	strace $0x9000004A  }
0xd7: {  	s0 =	stileid.u32;
	[bflag:$0x2] =	sbarrier.arrive $0xFFFF  }
0xd8: {  	p0 =	sne.s32 s0, $0x0;
	s0 =	rddreg [dreg:$0x3]  }
0xd9: {  	s0 =	sadd.s32 @!p0 $0x100000, s0  }
0xda: {  	[sflag:s0] =	ssyncadd.tile.s32 @!p0 $0x1;
	_ =	shalt  }
.Lfunc_end2:
_tile_overlayer_lowered:
.L_overlay_start_2:
0xdb: {  	(tag) =	ssettag $0x2  }
0xdc: {  	s0 =	rddreg [dreg:$0x0];
	s2 =	stileid.u32  }
0xdd: {  	s1 =	rddreg [dreg:$0x1];
	p0 =	sne.s32 s2, $0x0  }
0xde: {  	s3 =	rddreg [dreg:$0x2];
	[bflag:$0x3] =	sbarrier.arrive $0xFFFF;
	s2 =	simm.s32 @!p0 $0x1C03  }
0xdf: {  	[timem:s3], [sflag:s2] =	dma.local @!p0 [hbm:s0], s1  }
0xe0: {  	s0 =	simm.s32 @!p0 $0x3  }
0xe1: {  	_ =	swait.ge @!p0 [sflag:s0], s1  }
0xe2: {  	s1 =	ssub.s32 @!p0 $0x0, s1;
	[sflag:s0] =	ssyncset.done @!p0 $0x0  }
0xe3: {  	[sflag:s0] =	ssyncadd.s32 @!p0 s1  }
0xe4: {  	[bflag:$0x3] =	sbarrier.arrive $0xFFFF  }
0xe5: {  	_ =	shalt  }

</sc_bundles>
